<compile_context>
chip_gen: v7x
topology: tpu7x:2x2x1
jax: 0.10.2.dev20260603
libtpu: 0.0.44.dev20260713+nightly
codegen_flags: <defaults>
</compile_context>

<pallas_src>
import functools

import jax
import jax.numpy as jnp
from jax import lax
from jax.experimental import pallas as pl
from jax.experimental.pallas import tpu as pltpu
from jax.experimental.pallas import tpu_sc as plsc

N = 10000
E = 320000
DF = 128
DE = 16
DIM = 128
B = 16

NC = 2
NS = 16
NW = NC * NS
EPW = E // NW
C = 80
NIT = 3
NP = 10240
RPS = NP // NS
ZR = 128

ROWS_H = 1000
ROWS_EA = 16000
ROWS_C = 1000


def _h_body(x_ref, w_ref, b_ref, o_ref):
    o_ref[:, :] = jnp.maximum(
        jnp.dot(x_ref[:, :], w_ref[:, :], preferred_element_type=jnp.float32)
        + b_ref[:, :], 0.0)


def _h_stage(x, w0, b0):
    return pl.pallas_call(
        _h_body,
        grid=(N // ROWS_H,),
        in_specs=[
            pl.BlockSpec((ROWS_H, DF), lambda i: (i, 0)),
            pl.BlockSpec((DF, DIM), lambda i: (0, 0)),
            pl.BlockSpec((1, DIM), lambda i: (0, 0)),
        ],
        out_specs=pl.BlockSpec((ROWS_H, DIM), lambda i: (i, 0)),
        out_shape=jax.ShapeDtypeStruct((N, DIM), jnp.float32),
    )(x, w0, b0)


def _ea_body(a_ref, w_ref, b_ref, o_ref):
    o_ref[:, :] = (
        jnp.dot(a_ref[:, :], w_ref[:, :], preferred_element_type=jnp.float32)
        + b_ref[:, :])


def _ea_stage(edge_attr, wtr, btr):
    return pl.pallas_call(
        _ea_body,
        grid=(E // ROWS_EA,),
        in_specs=[
            pl.BlockSpec((ROWS_EA, DE), lambda i: (i, 0)),
            pl.BlockSpec((DE, DIM), lambda i: (0, 0)),
            pl.BlockSpec((1, DIM), lambda i: (0, 0)),
        ],
        out_specs=pl.BlockSpec((ROWS_EA, DIM), lambda i: (i, 0)),
        out_shape=jax.ShapeDtypeStruct((E, DIM), jnp.float32),
    )(edge_attr, wtr, btr)


def _sc_body(h_hbm, ea_hbm, src_hbm, dst_hbm, out_hbm,
             srcb0, dstb0, rows0, eab0, srcb1, dstb1, rows1, eab1,
             aggr,
             semA0, semG0, semS0, semA1, semG1, semS1):
    c = lax.axis_index("c")
    s = lax.axis_index("s")
    wid = s * NC + c

    srcb = (srcb0, srcb1)
    dstb = (dstb0, dstb1)
    rows = (rows0, rows1)
    eab = (eab0, eab1)
    semA = (semA0, semA1)
    semG = (semG0, semG1)
    semS = (semS0, semS1)

    def issue_a(it, b):
        base = wid * EPW + it * C
        pltpu.async_copy(src_hbm.at[pl.ds(base, C)], srcb[b], semA[b])
        pltpu.async_copy(dst_hbm.at[pl.ds(base, C)], dstb[b], semA[b])
        pltpu.async_copy(ea_hbm.at[pl.ds(base, C)], eab[b], semA[b])

    def wait_a(b):
        pltpu.make_async_copy(src_hbm.at[pl.ds(0, C)], srcb[b], semA[b]).wait()
        pltpu.make_async_copy(dst_hbm.at[pl.ds(0, C)], dstb[b], semA[b]).wait()
        pltpu.make_async_copy(ea_hbm.at[pl.ds(0, C)], eab[b], semA[b]).wait()

    def issue_g(b):
        pltpu.async_copy(h_hbm.at[srcb[b]], rows[b], semG[b])

    def wait_g(b):
        pltpu.make_async_copy(h_hbm.at[srcb[b]], rows[b], semG[b]).wait()

    def issue_s(b):
        pltpu.async_copy(rows[b], aggr.at[dstb[b]], semS[b], add=True)

    def wait_s(b):
        pltpu.make_async_copy(rows[b], aggr.at[dstb[b]], semS[b]).wait()

    def compute(b):
        rb = rows[b]
        eb = eab[b]

        def rbody(r, carry2):
            for u in range(2):
                for j in range(DIM // 16):
                    sl = pl.ds(j * 16, 16)
                    rb[r * 2 + u, sl] = jnp.maximum(
                        rb[r * 2 + u, sl] + eb[r * 2 + u, sl], 0.0)
            return carry2
        lax.fori_loop(0, C // 2, rbody, 0)

    def zrow(r, carry):
        for j in range(DIM // 16):
            rows0[r, pl.ds(j * 16, 16)] = jnp.zeros((16,), jnp.float32)
        return carry
    lax.fori_loop(0, C, zrow, 0)
    for k in range(RPS // C):
        pltpu.sync_copy(rows0, aggr.at[pl.ds(s * RPS + k * C, C)])
    plsc.subcore_barrier()

    issue_a(0, 0)
    issue_a(1, 1)
    wait_a(0)
    issue_g(0)
    wait_a(1)
    issue_g(1)

    def g_body(g, carry):
        wait_g(0)
        compute(0)
        issue_s(0)
        wait_g(1)
        compute(1)
        issue_s(1)
        wait_s(0)
        issue_a(2 * g + 2, 0)
        wait_a(0)
        issue_g(0)
        wait_s(1)

        @pl.when(2 * g + 3 < NIT)
        def _():
            issue_a(2 * g + 3, 1)
            wait_a(1)
            issue_g(1)
        return carry
    lax.fori_loop(0, (NIT - 1) // 2, g_body, 0)

    wait_g(0)
    compute(0)
    issue_s(0)
    wait_s(0)
    plsc.subcore_barrier()

    pltpu.sync_copy(aggr.at[pl.ds(s * RPS, RPS)],
                    out_hbm.at[pl.ds(c * NP + s * RPS, RPS)])


def _sc_stage(h, ea, src, dst):
    fn = pl.kernel(
        _sc_body,
        out_type=jax.ShapeDtypeStruct((NC * NP, DIM), jnp.float32),
        mesh=plsc.VectorSubcoreMesh(
            core_axis_name="c", subcore_axis_name="s",
            num_cores=NC, num_subcores=NS),
        scratch_types=[
            pltpu.VMEM((C,), jnp.int32),
            pltpu.VMEM((C,), jnp.int32),
            pltpu.VMEM((C, DIM), jnp.float32),
            pltpu.VMEM((C, DIM), jnp.float32),
            pltpu.VMEM((C,), jnp.int32),
            pltpu.VMEM((C,), jnp.int32),
            pltpu.VMEM((C, DIM), jnp.float32),
            pltpu.VMEM((C, DIM), jnp.float32),
            pltpu.VMEM_SHARED((NP, DIM), jnp.float32),
            pltpu.SemaphoreType.DMA,
            pltpu.SemaphoreType.DMA,
            pltpu.SemaphoreType.DMA,
            pltpu.SemaphoreType.DMA,
            pltpu.SemaphoreType.DMA,
            pltpu.SemaphoreType.DMA,
        ],
    )
    return fn(h, ea, src, dst)


def _post_body(h_ref, p0_ref, p1_ref, batch_ref, t2_ref, wg1, bg1, wg2, bg2,
               wfc1, wfc1t, bfc1, wfc2, bfc2, wfc3, bfc3, o_ref, acc_ref):
    i = pl.program_id(0)
    t = h_ref[:, :] + p0_ref[0, :, :] + p1_ref[0, :, :]
    q = jnp.maximum(
        jnp.dot(t, wg1[:, :], preferred_element_type=jnp.float32) + bg1[:, :],
        0.0)
    g = jnp.dot(q, wg2[:, :], preferred_element_type=jnp.float32) + bg2[:, :]
    h2 = jnp.maximum(g, 0.0)
    bv = batch_ref[0, 0, :]
    oh = (bv[:, None] == lax.broadcasted_iota(jnp.int32, (ROWS_C, B), 1)
          ).astype(jnp.float32)
    part = lax.dot_general(oh, h2, (((0,), (0,)), ((), ())),
                           preferred_element_type=jnp.float32)

    @pl.when(i == 0)
    def _():
        acc_ref[:, :] = part

    @pl.when(i > 0)
    def _():
        acc_ref[:, :] = acc_ref[:, :] + part

    @pl.when(i == pl.num_programs(0) - 1)
    def _():
        temp = 10.0 * t2_ref[0, :]
        z = acc_ref[:, :]
        z1 = jnp.maximum(
            jnp.dot(z, wfc1[:, :], preferred_element_type=jnp.float32)
            + temp[:, None] * wfc1t[:, :] + bfc1[:, :], 0.0)
        z2 = jnp.maximum(
            jnp.dot(z1, wfc2[:, :], preferred_element_type=jnp.float32)
            + bfc2[:, :], 0.0)
        o_ref[:, :] = (
            jnp.dot(z2, wfc3[:, :], preferred_element_type=jnp.float32)
            + bfc3[:, :])


def _post_stage(h, partials, batch3, t2, wg1, bg1, wg2, bg2,
                wfc1, wfc1t, bfc1, wfc2, bfc2, wfc3, bfc3):
    nb = N // ROWS_C
    full = lambda i: (0, 0)
    return pl.pallas_call(
        _post_body,
        grid=(nb,),
        in_specs=[
            pl.BlockSpec((ROWS_C, DIM), lambda i: (i, 0)),
            pl.BlockSpec((1, ROWS_C, DIM), lambda i: (0, i, 0)),
            pl.BlockSpec((1, ROWS_C, DIM), lambda i: (1, i, 0)),
            pl.BlockSpec((1, 1, ROWS_C), lambda i: (i, 0, 0)),
            pl.BlockSpec((1, B), full),
            pl.BlockSpec((DIM, 2 * DIM), full),
            pl.BlockSpec((1, 2 * DIM), full),
            pl.BlockSpec((2 * DIM, DIM), full),
            pl.BlockSpec((1, DIM), full),
            pl.BlockSpec((DIM, DIM), full),
            pl.BlockSpec((1, DIM), full),
            pl.BlockSpec((1, DIM), full),
            pl.BlockSpec((DIM, DIM), full),
            pl.BlockSpec((1, DIM), full),
            pl.BlockSpec((DIM, 1), full),
            pl.BlockSpec((1, 1), full),
        ],
        out_specs=pl.BlockSpec((B, 1), full),
        out_shape=jax.ShapeDtypeStruct((B, 1), jnp.float32),
        scratch_shapes=[pltpu.VMEM((B, DIM), jnp.float32)],
    )(h, partials, partials, batch3, t2, wg1, bg1, wg2, bg2,
      wfc1, wfc1t, bfc1, wfc2, bfc2, wfc3, bfc3)


def kernel(x, edge_index, edge_attr, T, batch,
           W_lin0, b_lin0, W_tr, b_tr, W_g1, b_g1, W_g2, b_g2,
           W_fc1, b_fc1, W_fc2, b_fc2, W_fc3, b_fc3):
    h = _h_stage(x, W_lin0, b_lin0.reshape(1, DIM))
    ea = jnp.zeros((E, DIM), jnp.float32)
    src = edge_index[0]
    dst = edge_index[1]
    partials = _sc_stage(h, ea, src, dst).reshape(NC, NP, DIM)
    out = _post_stage(
        h, partials, batch.reshape(N // ROWS_C, 1, ROWS_C),
        T.reshape(1, B),
        W_g1, b_g1.reshape(1, 2 * DIM), W_g2, b_g2.reshape(1, DIM),
        W_fc1[:DIM], W_fc1[DIM:DIM + 1], b_fc1.reshape(1, DIM),
        W_fc2, b_fc2.reshape(1, DIM),
        W_fc3, b_fc3.reshape(1, 1))
    return out

# --- scband reference (transcript-rebuilt; emitter-appended) ---
"""Pipeline reference for scband-gnnreg-42314017800206 (READ-ONLY COPY).

The authoritative reference and input builder live on the scoring server;
editing this copy changes nothing except your own understanding.
"""

import jax, jax.numpy as jnp
import numpy as np

N = 10000
E = 320000
DF = 128
DE = 16
DIM = 128
B = 16


def setup_inputs(seed: int = 0) -> dict:
    key = jax.random.key(seed)
    ks = jax.random.split(key, 20)
    x = jax.random.normal(ks[0], (N, DF), dtype=jnp.float32)
    edge_index = jax.random.randint(ks[1], (2, E), 0, N, dtype=jnp.int32)
    edge_attr = jax.random.normal(ks[2], (E, DE), dtype=jnp.float32)
    T = jax.random.uniform(ks[3], (B,), dtype=jnp.float32)
    batch = jnp.sort(jax.random.randint(ks[4], (N,), 0, B, dtype=jnp.int32))
    def lin(k, fin, fout):
        k1, k2 = jax.random.split(k)
        s = 1.0 / np.sqrt(fin)
        W = jax.random.uniform(k1, (fin, fout), minval=-s, maxval=s, dtype=jnp.float32)
        b = jax.random.uniform(k2, (fout,), minval=-s, maxval=s, dtype=jnp.float32)
        return W, b
    W_lin0, b_lin0 = lin(ks[5], DF, DIM)
    W_tr, b_tr = lin(ks[6], DE, DIM)
    W_g1, b_g1 = lin(ks[7], DIM, 2 * DIM)
    W_g2, b_g2 = lin(ks[8], 2 * DIM, DIM)
    W_fc1, b_fc1 = lin(ks[9], DIM + 1, DIM)
    W_fc2, b_fc2 = lin(ks[10], DIM, DIM)
    W_fc3, b_fc3 = lin(ks[11], DIM, 1)
    return {"x": x, "edge_index": edge_index, "edge_attr": edge_attr, "T": T, "batch": batch,
            "W_lin0": W_lin0, "b_lin0": b_lin0, "W_tr": W_tr, "b_tr": b_tr,
            "W_g1": W_g1, "b_g1": b_g1, "W_g2": W_g2, "b_g2": b_g2,
            "W_fc1": W_fc1, "b_fc1": b_fc1, "W_fc2": W_fc2, "b_fc2": b_fc2,
            "W_fc3": W_fc3, "b_fc3": b_fc3}


def reference(x, edge_index, edge_attr, T, batch,
              W_lin0, b_lin0, W_tr, b_tr, W_g1, b_g1, W_g2, b_g2,
              W_fc1, b_fc1, W_fc2, b_fc2, W_fc3, b_fc3):
    # lin0 + relu
    h = jax.nn.relu(x @ W_lin0 + b_lin0)
    # edge attr transformation
    ea = edge_attr @ W_tr + b_tr
    src = edge_index[0]
    dst = edge_index[1]
    # GINEConv (train_eps=False, eps=0): message = relu(x_j + edge_attr), sum-aggregate to dst
    msg = jax.nn.relu(h[src] + ea)
    aggr = jax.ops.segment_sum(msg, dst, num_segments=N)
    g = h + aggr
    g = jax.nn.relu(g @ W_g1 + b_g1) @ W_g2 + b_g2
    h2 = jax.nn.relu(g)
    # graph-level scatter_add pooling over batch ids
    pooled = jax.ops.segment_sum(h2, batch, num_segments=B)
    temp = 10.0 * T
    z = jnp.concatenate([pooled, temp[:, None]], axis=1)
    z = jax.nn.relu(z @ W_fc1 + b_fc1)
    z = jax.nn.relu(z @ W_fc2 + b_fc2)
    return z @ W_fc3 + b_fc3

if __name__ == "__main__":
    import jax
    _d = setup_inputs()
    print(jax.jit(kernel)(*tuple(_d.values())))

</pallas_src>

<mosaic_0001>
#map = affine_map<(d0, d1) -> (0, 0)>
#map1 = affine_map<(d0, d1) -> (0)>
module attributes {stable_mosaic.version = 14 : i64} {
  func.func @_sc_body(%arg0: i32, %arg1: i32, %arg2: memref<10000x128xf32, #tpu.memory_space<hbm>>, %arg3: memref<320000x128xf32, #tpu.memory_space<hbm>>, %arg4: memref<320000xi32, #tpu.memory_space<hbm>>, %arg5: memref<320000xi32, #tpu.memory_space<hbm>>, %arg6: memref<20480x128xf32, #tpu.memory_space<hbm>>, %arg7: memref<80xi32, #tpu.memory_space<vmem>>, %arg8: memref<80xi32, #tpu.memory_space<vmem>>, %arg9: memref<80x128xf32, #tpu.memory_space<vmem>>, %arg10: memref<80x128xf32, #tpu.memory_space<vmem>>, %arg11: memref<80xi32, #tpu.memory_space<vmem>>, %arg12: memref<80xi32, #tpu.memory_space<vmem>>, %arg13: memref<80x128xf32, #tpu.memory_space<vmem>>, %arg14: memref<80x128xf32, #tpu.memory_space<vmem>>, %arg15: memref<10240x128xf32, #tpu.memory_space<vmem_shared>>, %arg16: memref<!tpu.dma_semaphore, #tpu.memory_space<semaphore_mem>>, %arg17: memref<!tpu.dma_semaphore, #tpu.memory_space<semaphore_mem>>, %arg18: memref<!tpu.dma_semaphore, #tpu.memory_space<semaphore_mem>>, %arg19: memref<!tpu.dma_semaphore, #tpu.memory_space<semaphore_mem>>, %arg20: memref<!tpu.dma_semaphore, #tpu.memory_space<semaphore_mem>>, %arg21: memref<!tpu.dma_semaphore, #tpu.memory_space<semaphore_mem>>) attributes {dimension_semantics = [#tpu.dimension_semantics<core_parallel>, #tpu.dimension_semantics<subcore_parallel>], iteration_bounds = array<i64: 2, 16>, scalar_prefetch = 0 : i64, scratch_operands = 15 : i64, tpu.core_type = #tpu.core_type<sc_vector_subcore>, window_params = [{transform_indices = #map}, {transform_indices = #map}, {transform_indices = #map1}, {transform_indices = #map1}, {transform_indices = #map}]} {
    %mul3A = arith.constant 2 : i32
    %mul3A_0 = arith.muli %arg1, %mul3A : i32
    %add3A = arith.addi %mul3A_0, %arg0 : i32
    %scan3A = arith.constant 0 : i32
    %scan3A_1 = arith.constant 0 : i32
    %scan3A_2 = arith.constant 80 : i32
    %scan3A_3 = arith.addi %scan3A_1, %scan3A_2 : i32
    %scan3A_4 = arith.constant 1 : i32
    scf.for %scan3A_190 = %scan3A_1 to %scan3A_3 step %scan3A_4  : i32 {
      %broadcast_in_dim3A = arith.constant 0.000000e+00 : f32
      %broadcast_in_dim3A_191 = vector.broadcast %broadcast_in_dim3A : f32 to vector<16xf32>
      %swap3A = arith.index_cast %scan3A_190 : i32 to index
      %swap3A_192 = arith.constant 0 : index
      %swap3A_193 = tpu.vector_load %arg9[%swap3A, %swap3A_192] {strides = array<i32>} : memref<80x128xf32, #tpu.memory_space<vmem>>, vector<1x16xf32>,
      %swap3A_194 = vector.shape_cast %swap3A_193 : vector<1x16xf32> to vector<16xf32>
      %swap3A_195 = vector.shape_cast %broadcast_in_dim3A_191 : vector<16xf32> to vector<1x16xf32>
      tpu.vector_store %arg9[%swap3A, %swap3A_192], %swap3A_195 {strides = array<i32>} : memref<80x128xf32, #tpu.memory_space<vmem>>, vector<1x16xf32>,
      %broadcast_in_dim3A_196 = arith.constant 0.000000e+00 : f32
      %broadcast_in_dim3A_197 = vector.broadcast %broadcast_in_dim3A_196 : f32 to vector<16xf32>
      %swap3A_198 = arith.index_cast %scan3A_190 : i32 to index
      %swap3A_199 = arith.constant 16 : index
      %swap3A_200 = tpu.vector_load %arg9[%swap3A_198, %swap3A_199] {strides = array<i32>} : memref<80x128xf32, #tpu.memory_space<vmem>>, vector<1x16xf32>,
      %swap3A_201 = vector.shape_cast %swap3A_200 : vector<1x16xf32> to vector<16xf32>
      %swap3A_202 = vector.shape_cast %broadcast_in_dim3A_197 : vector<16xf32> to vector<1x16xf32>
      tpu.vector_store %arg9[%swap3A_198, %swap3A_199], %swap3A_202 {strides = array<i32>} : memref<80x128xf32, #tpu.memory_space<vmem>>, vector<1x16xf32>,
      %broadcast_in_dim3A_203 = arith.constant 0.000000e+00 : f32
      %broadcast_in_dim3A_204 = vector.broadcast %broadcast_in_dim3A_203 : f32 to vector<16xf32>
      %swap3A_205 = arith.index_cast %scan3A_190 : i32 to index
      %swap3A_206 = arith.constant 32 : index
      %swap3A_207 = tpu.vector_load %arg9[%swap3A_205, %swap3A_206] {strides = array<i32>} : memref<80x128xf32, #tpu.memory_space<vmem>>, vector<1x16xf32>,
      %swap3A_208 = vector.shape_cast %swap3A_207 : vector<1x16xf32> to vector<16xf32>
      %swap3A_209 = vector.shape_cast %broadcast_in_dim3A_204 : vector<16xf32> to vector<1x16xf32>
      tpu.vector_store %arg9[%swap3A_205, %swap3A_206], %swap3A_209 {strides = array<i32>} : memref<80x128xf32, #tpu.memory_space<vmem>>, vector<1x16xf32>,
      %broadcast_in_dim3A_210 = arith.constant 0.000000e+00 : f32
      %broadcast_in_dim3A_211 = vector.broadcast %broadcast_in_dim3A_210 : f32 to vector<16xf32>
      %swap3A_212 = arith.index_cast %scan3A_190 : i32 to index
      %swap3A_213 = arith.constant 48 : index
      %swap3A_214 = tpu.vector_load %arg9[%swap3A_212, %swap3A_213] {strides = array<i32>} : memref<80x128xf32, #tpu.memory_space<vmem>>, vector<1x16xf32>,
      %swap3A_215 = vector.shape_cast %swap3A_214 : vector<1x16xf32> to vector<16xf32>
      %swap3A_216 = vector.shape_cast %broadcast_in_dim3A_211 : vector<16xf32> to vector<1x16xf32>
      tpu.vector_store %arg9[%swap3A_212, %swap3A_213], %swap3A_216 {strides = array<i32>} : memref<80x128xf32, #tpu.memory_space<vmem>>, vector<1x16xf32>,
      %broadcast_in_dim3A_217 = arith.constant 0.000000e+00 : f32
      %broadcast_in_dim3A_218 = vector.broadcast %broadcast_in_dim3A_217 : f32 to vector<16xf32>
      %swap3A_219 = arith.index_cast %scan3A_190 : i32 to index
      %swap3A_220 = arith.constant 64 : index
      %swap3A_221 = tpu.vector_load %arg9[%swap3A_219, %swap3A_220] {strides = array<i32>} : memref<80x128xf32, #tpu.memory_space<vmem>>, vector<1x16xf32>,
      %swap3A_222 = vector.shape_cast %swap3A_221 : vector<1x16xf32> to vector<16xf32>
      %swap3A_223 = vector.shape_cast %broadcast_in_dim3A_218 : vector<16xf32> to vector<1x16xf32>
      tpu.vector_store %arg9[%swap3A_219, %swap3A_220], %swap3A_223 {strides = array<i32>} : memref<80x128xf32, #tpu.memory_space<vmem>>, vector<1x16xf32>,
      %broadcast_in_dim3A_224 = arith.constant 0.000000e+00 : f32
      %broadcast_in_dim3A_225 = vector.broadcast %broadcast_in_dim3A_224 : f32 to vector<16xf32>
      %swap3A_226 = arith.index_cast %scan3A_190 : i32 to index
      %swap3A_227 = arith.constant 80 : index
      %swap3A_228 = tpu.vector_load %arg9[%swap3A_226, %swap3A_227] {strides = array<i32>} : memref<80x128xf32, #tpu.memory_space<vmem>>, vector<1x16xf32>,
      %swap3A_229 = vector.shape_cast %swap3A_228 : vector<1x16xf32> to vector<16xf32>
      %swap3A_230 = vector.shape_cast %broadcast_in_dim3A_225 : vector<16xf32> to vector<1x16xf32>
      tpu.vector_store %arg9[%swap3A_226, %swap3A_227], %swap3A_230 {strides = array<i32>} : memref<80x128xf32, #tpu.memory_space<vmem>>, vector<1x16xf32>,
      %broadcast_in_dim3A_231 = arith.constant 0.000000e+00 : f32
      %broadcast_in_dim3A_232 = vector.broadcast %broadcast_in_dim3A_231 : f32 to vector<16xf32>
      %swap3A_233 = arith.index_cast %scan3A_190 : i32 to index
      %swap3A_234 = arith.constant 96 : index
      %swap3A_235 = tpu.vector_load %arg9[%swap3A_233, %swap3A_234] {strides = array<i32>} : memref<80x128xf32, #tpu.memory_space<vmem>>, vector<1x16xf32>,
      %swap3A_236 = vector.shape_cast %swap3A_235 : vector<1x16xf32> to vector<16xf32>
      %swap3A_237 = vector.shape_cast %broadcast_in_dim3A_232 : vector<16xf32> to vector<1x16xf32>
      tpu.vector_store %arg9[%swap3A_233, %swap3A_234], %swap3A_237 {strides = array<i32>} : memref<80x128xf32, #tpu.memory_space<vmem>>, vector<1x16xf32>,
      %broadcast_in_dim3A_238 = arith.constant 0.000000e+00 : f32
      %broadcast_in_dim3A_239 = vector.broadcast %broadcast_in_dim3A_238 : f32 to vector<16xf32>
      %swap3A_240 = arith.index_cast %scan3A_190 : i32 to index
      %swap3A_241 = arith.constant 112 : index
      %swap3A_242 = tpu.vector_load %arg9[%swap3A_240, %swap3A_241] {strides = array<i32>} : memref<80x128xf32, #tpu.memory_space<vmem>>, vector<1x16xf32>,
      %swap3A_243 = vector.shape_cast %swap3A_242 : vector<1x16xf32> to vector<16xf32>
      %swap3A_244 = vector.shape_cast %broadcast_in_dim3A_239 : vector<16xf32> to vector<1x16xf32>
      tpu.vector_store %arg9[%swap3A_240, %swap3A_241], %swap3A_244 {strides = array<i32>} : memref<80x128xf32, #tpu.memory_space<vmem>>, vector<1x16xf32>,
    }
    %scan3A_5 = arith.constant 80 : i32
    %mul3A_6 = arith.constant 640 : i32
    %mul3A_7 = arith.muli %arg1, %mul3A_6 : i32
    %add3A_8 = arith.constant 0 : i32
    %add3A_9 = arith.addi %mul3A_7, %add3A_8 : i32
    "tpu.region"() ({
      %run_scoped3A = tpu.sem_alloc : memref<!tpu.dma_semaphore, #tpu.memory_space<semaphore_mem>>
      %dma_start3A_190 = arith.constant 0 : i32
      %dma_start3A_191 = tpu.memref_slice %arg15[%add3A_9, %dma_start3A_190] : memref<10240x128xf32, #tpu.memory_space<vmem_shared>> -> memref<80x128xf32, #tpu.memory_space<vmem_shared>>
      %dma_start3A_192 = arith.constant 0 : i32
      %dma_start3A_193 = tpu.memref_slice %arg15[%add3A_9, %dma_start3A_192] : memref<10240x128xf32, #tpu.memory_space<vmem_shared>> -> memref<80x128xf32, #tpu.memory_space<vmem_shared>>
      tpu.enqueue_dma source(%arg9 : memref<80x128xf32, #tpu.memory_space<vmem>>) target(%dma_start3A_193 : memref<80x128xf32, #tpu.memory_space<vmem_shared>>) target_semaphore(%run_scoped3A : memref<!tpu.dma_semaphore, #tpu.memory_space<semaphore_mem>>)
      %dma_wait3A_194 = arith.constant 0 : i32
      %dma_wait3A_195 = tpu.memref_slice %arg15[%add3A_9, %dma_wait3A_194] : memref<10240x128xf32, #tpu.memory_space<vmem_shared>> -> memref<80x128xf32, #tpu.memory_space<vmem_shared>>
      %dma_wait3A_196 = arith.constant 0 : i32
      %dma_wait3A_197 = tpu.memref_slice %arg15[%add3A_9, %dma_wait3A_196] : memref<10240x128xf32, #tpu.memory_space<vmem_shared>> -> memref<80x128xf32, #tpu.memory_space<vmem_shared>>
      tpu.wait_dma2 semaphore(%run_scoped3A : memref<!tpu.dma_semaphore, #tpu.memory_space<semaphore_mem>>) src(%arg9 : memref<80x128xf32, #tpu.memory_space<vmem>>) dst(%dma_wait3A_197 : memref<80x128xf32, #tpu.memory_space<vmem_shared>>)
      tpu.yield
    }) : () -> ()
    %mul3A_10 = arith.constant 640 : i32
    %mul3A_11 = arith.muli %arg1, %mul3A_10 : i32
    %add3A_12 = arith.constant 80 : i32
    %add3A_13 = arith.addi %mul3A_11, %add3A_12 : i32
    "tpu.region"() ({
      %run_scoped3A = tpu.sem_alloc : memref<!tpu.dma_semaphore, #tpu.memory_space<semaphore_mem>>
      %dma_start3A_190 = arith.constant 0 : i32
      %dma_start3A_191 = tpu.memref_slice %arg15[%add3A_13, %dma_start3A_190] : memref<10240x128xf32, #tpu.memory_space<vmem_shared>> -> memref<80x128xf32, #tpu.memory_space<vmem_shared>>
      %dma_start3A_192 = arith.constant 0 : i32
      %dma_start3A_193 = tpu.memref_slice %arg15[%add3A_13, %dma_start3A_192] : memref<10240x128xf32, #tpu.memory_space<vmem_shared>> -> memref<80x128xf32, #tpu.memory_space<vmem_shared>>
      tpu.enqueue_dma source(%arg9 : memref<80x128xf32, #tpu.memory_space<vmem>>) target(%dma_start3A_193 : memref<80x128xf32, #tpu.memory_space<vmem_shared>>) target_semaphore(%run_scoped3A : memref<!tpu.dma_semaphore, #tpu.memory_space<semaphore_mem>>)
      %dma_wait3A_194 = arith.constant 0 : i32
      %dma_wait3A_195 = tpu.memref_slice %arg15[%add3A_13, %dma_wait3A_194] : memref<10240x128xf32, #tpu.memory_space<vmem_shared>> -> memref<80x128xf32, #tpu.memory_space<vmem_shared>>
      %dma_wait3A_196 = arith.constant 0 : i32
      %dma_wait3A_197 = tpu.memref_slice %arg15[%add3A_13, %dma_wait3A_196] : memref<10240x128xf32, #tpu.memory_space<vmem_shared>> -> memref<80x128xf32, #tpu.memory_space<vmem_shared>>
      tpu.wait_dma2 semaphore(%run_scoped3A : memref<!tpu.dma_semaphore, #tpu.memory_space<semaphore_mem>>) src(%arg9 : memref<80x128xf32, #tpu.memory_space<vmem>>) dst(%dma_wait3A_197 : memref<80x128xf32, #tpu.memory_space<vmem_shared>>)
      tpu.yield
    }) : () -> ()
    %mul3A_14 = arith.constant 640 : i32
    %mul3A_15 = arith.muli %arg1, %mul3A_14 : i32
    %add3A_16 = arith.constant 160 : i32
    %add3A_17 = arith.addi %mul3A_15, %add3A_16 : i32
    "tpu.region"() ({
      %run_scoped3A = tpu.sem_alloc : memref<!tpu.dma_semaphore, #tpu.memory_space<semaphore_mem>>
      %dma_start3A_190 = arith.constant 0 : i32
      %dma_start3A_191 = tpu.memref_slice %arg15[%add3A_17, %dma_start3A_190] : memref<10240x128xf32, #tpu.memory_space<vmem_shared>> -> memref<80x128xf32, #tpu.memory_space<vmem_shared>>
      %dma_start3A_192 = arith.constant 0 : i32
      %dma_start3A_193 = tpu.memref_slice %arg15[%add3A_17, %dma_start3A_192] : memref<10240x128xf32, #tpu.memory_space<vmem_shared>> -> memref<80x128xf32, #tpu.memory_space<vmem_shared>>
      tpu.enqueue_dma source(%arg9 : memref<80x128xf32, #tpu.memory_space<vmem>>) target(%dma_start3A_193 : memref<80x128xf32, #tpu.memory_space<vmem_shared>>) target_semaphore(%run_scoped3A : memref<!tpu.dma_semaphore, #tpu.memory_space<semaphore_mem>>)
      %dma_wait3A_194 = arith.constant 0 : i32
      %dma_wait3A_195 = tpu.memref_slice %arg15[%add3A_17, %dma_wait3A_194] : memref<10240x128xf32, #tpu.memory_space<vmem_shared>> -> memref<80x128xf32, #tpu.memory_space<vmem_shared>>
      %dma_wait3A_196 = arith.constant 0 : i32
      %dma_wait3A_197 = tpu.memref_slice %arg15[%add3A_17, %dma_wait3A_196] : memref<10240x128xf32, #tpu.memory_space<vmem_shared>> -> memref<80x128xf32, #tpu.memory_space<vmem_shared>>
      tpu.wait_dma2 semaphore(%run_scoped3A : memref<!tpu.dma_semaphore, #tpu.memory_space<semaphore_mem>>) src(%arg9 : memref<80x128xf32, #tpu.memory_space<vmem>>) dst(%dma_wait3A_197 : memref<80x128xf32, #tpu.memory_space<vmem_shared>>)
      tpu.yield
    }) : () -> ()
    %mul3A_18 = arith.constant 640 : i32
    %mul3A_19 = arith.muli %arg1, %mul3A_18 : i32
    %add3A_20 = arith.constant 240 : i32
    %add3A_21 = arith.addi %mul3A_19, %add3A_20 : i32
    "tpu.region"() ({
      %run_scoped3A = tpu.sem_alloc : memref<!tpu.dma_semaphore, #tpu.memory_space<semaphore_mem>>
      %dma_start3A_190 = arith.constant 0 : i32
      %dma_start3A_191 = tpu.memref_slice %arg15[%add3A_21, %dma_start3A_190] : memref<10240x128xf32, #tpu.memory_space<vmem_shared>> -> memref<80x128xf32, #tpu.memory_space<vmem_shared>>
      %dma_start3A_192 = arith.constant 0 : i32
      %dma_start3A_193 = tpu.memref_slice %arg15[%add3A_21, %dma_start3A_192] : memref<10240x128xf32, #tpu.memory_space<vmem_shared>> -> memref<80x128xf32, #tpu.memory_space<vmem_shared>>
      tpu.enqueue_dma source(%arg9 : memref<80x128xf32, #tpu.memory_space<vmem>>) target(%dma_start3A_193 : memref<80x128xf32, #tpu.memory_space<vmem_shared>>) target_semaphore(%run_scoped3A : memref<!tpu.dma_semaphore, #tpu.memory_space<semaphore_mem>>)
      %dma_wait3A_194 = arith.constant 0 : i32
      %dma_wait3A_195 = tpu.memref_slice %arg15[%add3A_21, %dma_wait3A_194] : memref<10240x128xf32, #tpu.memory_space<vmem_shared>> -> memref<80x128xf32, #tpu.memory_space<vmem_shared>>
      %dma_wait3A_196 = arith.constant 0 : i32
      %dma_wait3A_197 = tpu.memref_slice %arg15[%add3A_21, %dma_wait3A_196] : memref<10240x128xf32, #tpu.memory_space<vmem_shared>> -> memref<80x128xf32, #tpu.memory_space<vmem_shared>>
      tpu.wait_dma2 semaphore(%run_scoped3A : memref<!tpu.dma_semaphore, #tpu.memory_space<semaphore_mem>>) src(%arg9 : memref<80x128xf32, #tpu.memory_space<vmem>>) dst(%dma_wait3A_197 : memref<80x128xf32, #tpu.memory_space<vmem_shared>>)
      tpu.yield
    }) : () -> ()
    %mul3A_22 = arith.constant 640 : i32
    %mul3A_23 = arith.muli %arg1, %mul3A_22 : i32
    %add3A_24 = arith.constant 320 : i32
    %add3A_25 = arith.addi %mul3A_23, %add3A_24 : i32
    "tpu.region"() ({
      %run_scoped3A = tpu.sem_alloc : memref<!tpu.dma_semaphore, #tpu.memory_space<semaphore_mem>>
      %dma_start3A_190 = arith.constant 0 : i32
      %dma_start3A_191 = tpu.memref_slice %arg15[%add3A_25, %dma_start3A_190] : memref<10240x128xf32, #tpu.memory_space<vmem_shared>> -> memref<80x128xf32, #tpu.memory_space<vmem_shared>>
      %dma_start3A_192 = arith.constant 0 : i32
      %dma_start3A_193 = tpu.memref_slice %arg15[%add3A_25, %dma_start3A_192] : memref<10240x128xf32, #tpu.memory_space<vmem_shared>> -> memref<80x128xf32, #tpu.memory_space<vmem_shared>>
      tpu.enqueue_dma source(%arg9 : memref<80x128xf32, #tpu.memory_space<vmem>>) target(%dma_start3A_193 : memref<80x128xf32, #tpu.memory_space<vmem_shared>>) target_semaphore(%run_scoped3A : memref<!tpu.dma_semaphore, #tpu.memory_space<semaphore_mem>>)
      %dma_wait3A_194 = arith.constant 0 : i32
      %dma_wait3A_195 = tpu.memref_slice %arg15[%add3A_25, %dma_wait3A_194] : memref<10240x128xf32, #tpu.memory_space<vmem_shared>> -> memref<80x128xf32, #tpu.memory_space<vmem_shared>>
      %dma_wait3A_196 = arith.constant 0 : i32
      %dma_wait3A_197 = tpu.memref_slice %arg15[%add3A_25, %dma_wait3A_196] : memref<10240x128xf32, #tpu.memory_space<vmem_shared>> -> memref<80x128xf32, #tpu.memory_space<vmem_shared>>
      tpu.wait_dma2 semaphore(%run_scoped3A : memref<!tpu.dma_semaphore, #tpu.memory_space<semaphore_mem>>) src(%arg9 : memref<80x128xf32, #tpu.memory_space<vmem>>) dst(%dma_wait3A_197 : memref<80x128xf32, #tpu.memory_space<vmem_shared>>)
      tpu.yield
    }) : () -> ()
    %mul3A_26 = arith.constant 640 : i32
    %mul3A_27 = arith.muli %arg1, %mul3A_26 : i32
    %add3A_28 = arith.constant 400 : i32
    %add3A_29 = arith.addi %mul3A_27, %add3A_28 : i32
    "tpu.region"() ({
      %run_scoped3A = tpu.sem_alloc : memref<!tpu.dma_semaphore, #tpu.memory_space<semaphore_mem>>
      %dma_start3A_190 = arith.constant 0 : i32
      %dma_start3A_191 = tpu.memref_slice %arg15[%add3A_29, %dma_start3A_190] : memref<10240x128xf32, #tpu.memory_space<vmem_shared>> -> memref<80x128xf32, #tpu.memory_space<vmem_shared>>
      %dma_start3A_192 = arith.constant 0 : i32
      %dma_start3A_193 = tpu.memref_slice %arg15[%add3A_29, %dma_start3A_192] : memref<10240x128xf32, #tpu.memory_space<vmem_shared>> -> memref<80x128xf32, #tpu.memory_space<vmem_shared>>
      tpu.enqueue_dma source(%arg9 : memref<80x128xf32, #tpu.memory_space<vmem>>) target(%dma_start3A_193 : memref<80x128xf32, #tpu.memory_space<vmem_shared>>) target_semaphore(%run_scoped3A : memref<!tpu.dma_semaphore, #tpu.memory_space<semaphore_mem>>)
      %dma_wait3A_194 = arith.constant 0 : i32
      %dma_wait3A_195 = tpu.memref_slice %arg15[%add3A_29, %dma_wait3A_194] : memref<10240x128xf32, #tpu.memory_space<vmem_shared>> -> memref<80x128xf32, #tpu.memory_space<vmem_shared>>
      %dma_wait3A_196 = arith.constant 0 : i32
      %dma_wait3A_197 = tpu.memref_slice %arg15[%add3A_29, %dma_wait3A_196] : memref<10240x128xf32, #tpu.memory_space<vmem_shared>> -> memref<80x128xf32, #tpu.memory_space<vmem_shared>>
      tpu.wait_dma2 semaphore(%run_scoped3A : memref<!tpu.dma_semaphore, #tpu.memory_space<semaphore_mem>>) src(%arg9 : memref<80x128xf32, #tpu.memory_space<vmem>>) dst(%dma_wait3A_197 : memref<80x128xf32, #tpu.memory_space<vmem_shared>>)
      tpu.yield
    }) : () -> ()
    %mul3A_30 = arith.constant 640 : i32
    %mul3A_31 = arith.muli %arg1, %mul3A_30 : i32
    %add3A_32 = arith.constant 480 : i32
    %add3A_33 = arith.addi %mul3A_31, %add3A_32 : i32
    "tpu.region"() ({
      %run_scoped3A = tpu.sem_alloc : memref<!tpu.dma_semaphore, #tpu.memory_space<semaphore_mem>>
      %dma_start3A_190 = arith.constant 0 : i32
      %dma_start3A_191 = tpu.memref_slice %arg15[%add3A_33, %dma_start3A_190] : memref<10240x128xf32, #tpu.memory_space<vmem_shared>> -> memref<80x128xf32, #tpu.memory_space<vmem_shared>>
      %dma_start3A_192 = arith.constant 0 : i32
      %dma_start3A_193 = tpu.memref_slice %arg15[%add3A_33, %dma_start3A_192] : memref<10240x128xf32, #tpu.memory_space<vmem_shared>> -> memref<80x128xf32, #tpu.memory_space<vmem_shared>>
      tpu.enqueue_dma source(%arg9 : memref<80x128xf32, #tpu.memory_space<vmem>>) target(%dma_start3A_193 : memref<80x128xf32, #tpu.memory_space<vmem_shared>>) target_semaphore(%run_scoped3A : memref<!tpu.dma_semaphore, #tpu.memory_space<semaphore_mem>>)
      %dma_wait3A_194 = arith.constant 0 : i32
      %dma_wait3A_195 = tpu.memref_slice %arg15[%add3A_33, %dma_wait3A_194] : memref<10240x128xf32, #tpu.memory_space<vmem_shared>> -> memref<80x128xf32, #tpu.memory_space<vmem_shared>>
      %dma_wait3A_196 = arith.constant 0 : i32
      %dma_wait3A_197 = tpu.memref_slice %arg15[%add3A_33, %dma_wait3A_196] : memref<10240x128xf32, #tpu.memory_space<vmem_shared>> -> memref<80x128xf32, #tpu.memory_space<vmem_shared>>
      tpu.wait_dma2 semaphore(%run_scoped3A : memref<!tpu.dma_semaphore, #tpu.memory_space<semaphore_mem>>) src(%arg9 : memref<80x128xf32, #tpu.memory_space<vmem>>) dst(%dma_wait3A_197 : memref<80x128xf32, #tpu.memory_space<vmem_shared>>)
      tpu.yield
    }) : () -> ()
    %mul3A_34 = arith.constant 640 : i32
    %mul3A_35 = arith.muli %arg1, %mul3A_34 : i32
    %add3A_36 = arith.constant 560 : i32
    %add3A_37 = arith.addi %mul3A_35, %add3A_36 : i32
    "tpu.region"() ({
      %run_scoped3A = tpu.sem_alloc : memref<!tpu.dma_semaphore, #tpu.memory_space<semaphore_mem>>
      %dma_start3A_190 = arith.constant 0 : i32
      %dma_start3A_191 = tpu.memref_slice %arg15[%add3A_37, %dma_start3A_190] : memref<10240x128xf32, #tpu.memory_space<vmem_shared>> -> memref<80x128xf32, #tpu.memory_space<vmem_shared>>
      %dma_start3A_192 = arith.constant 0 : i32
      %dma_start3A_193 = tpu.memref_slice %arg15[%add3A_37, %dma_start3A_192] : memref<10240x128xf32, #tpu.memory_space<vmem_shared>> -> memref<80x128xf32, #tpu.memory_space<vmem_shared>>
      tpu.enqueue_dma source(%arg9 : memref<80x128xf32, #tpu.memory_space<vmem>>) target(%dma_start3A_193 : memref<80x128xf32, #tpu.memory_space<vmem_shared>>) target_semaphore(%run_scoped3A : memref<!tpu.dma_semaphore, #tpu.memory_space<semaphore_mem>>)
      %dma_wait3A_194 = arith.constant 0 : i32
      %dma_wait3A_195 = tpu.memref_slice %arg15[%add3A_37, %dma_wait3A_194] : memref<10240x128xf32, #tpu.memory_space<vmem_shared>> -> memref<80x128xf32, #tpu.memory_space<vmem_shared>>
      %dma_wait3A_196 = arith.constant 0 : i32
      %dma_wait3A_197 = tpu.memref_slice %arg15[%add3A_37, %dma_wait3A_196] : memref<10240x128xf32, #tpu.memory_space<vmem_shared>> -> memref<80x128xf32, #tpu.memory_space<vmem_shared>>
      tpu.wait_dma2 semaphore(%run_scoped3A : memref<!tpu.dma_semaphore, #tpu.memory_space<semaphore_mem>>) src(%arg9 : memref<80x128xf32, #tpu.memory_space<vmem>>) dst(%dma_wait3A_197 : memref<80x128xf32, #tpu.memory_space<vmem_shared>>)
      tpu.yield
    }) : () -> ()
    %barrier3A = arith.constant 0 : index
    tpu.barrier barrier_id(%barrier3A)
    %mul3A_38 = arith.constant 10000 : i32
    %mul3A_39 = arith.muli %add3A, %mul3A_38 : i32
    %add3A_40 = arith.constant 0 : i32
    %add3A_41 = arith.addi %mul3A_39, %add3A_40 : i32
    %dma_start3A = tpu.memref_slice %arg4[%add3A_41] : memref<320000xi32, #tpu.memory_space<hbm>> -> memref<80xi32, #tpu.memory_space<hbm>>
    %dma_start3A_42 = tpu.memref_slice %arg4[%add3A_41] : memref<320000xi32, #tpu.memory_space<hbm>> -> memref<80xi32, #tpu.memory_space<hbm>>
    tpu.enqueue_dma source(%dma_start3A_42 : memref<80xi32, #tpu.memory_space<hbm>>) target(%arg7 : memref<80xi32, #tpu.memory_space<vmem>>) target_semaphore(%arg16 : memref<!tpu.dma_semaphore, #tpu.memory_space<semaphore_mem>>)
    %dma_start3A_43 = tpu.memref_slice %arg5[%add3A_41] : memref<320000xi32, #tpu.memory_space<hbm>> -> memref<80xi32, #tpu.memory_space<hbm>>
    %dma_start3A_44 = tpu.memref_slice %arg5[%add3A_41] : memref<320000xi32, #tpu.memory_space<hbm>> -> memref<80xi32, #tpu.memory_space<hbm>>
    tpu.enqueue_dma source(%dma_start3A_44 : memref<80xi32, #tpu.memory_space<hbm>>) target(%arg8 : memref<80xi32, #tpu.memory_space<vmem>>) target_semaphore(%arg16 : memref<!tpu.dma_semaphore, #tpu.memory_space<semaphore_mem>>)
    %dma_start3A_45 = arith.constant 0 : i32
    %dma_start3A_46 = tpu.memref_slice %arg3[%add3A_41, %dma_start3A_45] : memref<320000x128xf32, #tpu.memory_space<hbm>> -> memref<80x128xf32, #tpu.memory_space<hbm>>
    %dma_start3A_47 = arith.constant 0 : i32
    %dma_start3A_48 = tpu.memref_slice %arg3[%add3A_41, %dma_start3A_47] : memref<320000x128xf32, #tpu.memory_space<hbm>> -> memref<80x128xf32, #tpu.memory_space<hbm>>
    tpu.enqueue_dma source(%dma_start3A_48 : memref<80x128xf32, #tpu.memory_space<hbm>>) target(%arg10 : memref<80x128xf32, #tpu.memory_space<vmem>>) target_semaphore(%arg16 : memref<!tpu.dma_semaphore, #tpu.memory_space<semaphore_mem>>)
    %mul3A_49 = arith.constant 10000 : i32
    %mul3A_50 = arith.muli %add3A, %mul3A_49 : i32
    %add3A_51 = arith.constant 80 : i32
    %add3A_52 = arith.addi %mul3A_50, %add3A_51 : i32
    %dma_start3A_53 = tpu.memref_slice %arg4[%add3A_52] : memref<320000xi32, #tpu.memory_space<hbm>> -> memref<80xi32, #tpu.memory_space<hbm>>
    %dma_start3A_54 = tpu.memref_slice %arg4[%add3A_52] : memref<320000xi32, #tpu.memory_space<hbm>> -> memref<80xi32, #tpu.memory_space<hbm>>
    tpu.enqueue_dma source(%dma_start3A_54 : memref<80xi32, #tpu.memory_space<hbm>>) target(%arg11 : memref<80xi32, #tpu.memory_space<vmem>>) target_semaphore(%arg19 : memref<!tpu.dma_semaphore, #tpu.memory_space<semaphore_mem>>)
    %dma_start3A_55 = tpu.memref_slice %arg5[%add3A_52] : memref<320000xi32, #tpu.memory_space<hbm>> -> memref<80xi32, #tpu.memory_space<hbm>>
    %dma_start3A_56 = tpu.memref_slice %arg5[%add3A_52] : memref<320000xi32, #tpu.memory_space<hbm>> -> memref<80xi32, #tpu.memory_space<hbm>>
    tpu.enqueue_dma source(%dma_start3A_56 : memref<80xi32, #tpu.memory_space<hbm>>) target(%arg12 : memref<80xi32, #tpu.memory_space<vmem>>) target_semaphore(%arg19 : memref<!tpu.dma_semaphore, #tpu.memory_space<semaphore_mem>>)
    %dma_start3A_57 = arith.constant 0 : i32
    %dma_start3A_58 = tpu.memref_slice %arg3[%add3A_52, %dma_start3A_57] : memref<320000x128xf32, #tpu.memory_space<hbm>> -> memref<80x128xf32, #tpu.memory_space<hbm>>
    %dma_start3A_59 = arith.constant 0 : i32
    %dma_start3A_60 = tpu.memref_slice %arg3[%add3A_52, %dma_start3A_59] : memref<320000x128xf32, #tpu.memory_space<hbm>> -> memref<80x128xf32, #tpu.memory_space<hbm>>
    tpu.enqueue_dma source(%dma_start3A_60 : memref<80x128xf32, #tpu.memory_space<hbm>>) target(%arg14 : memref<80x128xf32, #tpu.memory_space<vmem>>) target_semaphore(%arg19 : memref<!tpu.dma_semaphore, #tpu.memory_space<semaphore_mem>>)
    %dma_wait3A = arith.constant 0 : i32
    %dma_wait3A_61 = tpu.memref_slice %arg4[%dma_wait3A] : memref<320000xi32, #tpu.memory_space<hbm>> -> memref<80xi32, #tpu.memory_space<hbm>>
    %dma_wait3A_62 = arith.constant 0 : i32
    %dma_wait3A_63 = tpu.memref_slice %arg4[%dma_wait3A_62] : memref<320000xi32, #tpu.memory_space<hbm>> -> memref<80xi32, #tpu.memory_space<hbm>>
    tpu.wait_dma2 semaphore(%arg16 : memref<!tpu.dma_semaphore, #tpu.memory_space<semaphore_mem>>) src(%dma_wait3A_63 : memref<80xi32, #tpu.memory_space<hbm>>) dst(%arg7 : memref<80xi32, #tpu.memory_space<vmem>>)
    %dma_wait3A_64 = arith.constant 0 : i32
    %dma_wait3A_65 = tpu.memref_slice %arg5[%dma_wait3A_64] : memref<320000xi32, #tpu.memory_space<hbm>> -> memref<80xi32, #tpu.memory_space<hbm>>
    %dma_wait3A_66 = arith.constant 0 : i32
    %dma_wait3A_67 = tpu.memref_slice %arg5[%dma_wait3A_66] : memref<320000xi32, #tpu.memory_space<hbm>> -> memref<80xi32, #tpu.memory_space<hbm>>
    tpu.wait_dma2 semaphore(%arg16 : memref<!tpu.dma_semaphore, #tpu.memory_space<semaphore_mem>>) src(%dma_wait3A_67 : memref<80xi32, #tpu.memory_space<hbm>>) dst(%arg8 : memref<80xi32, #tpu.memory_space<vmem>>)
    %dma_wait3A_68 = arith.constant 0 : i32
    %dma_wait3A_69 = arith.constant 0 : i32
    %dma_wait3A_70 = tpu.memref_slice %arg3[%dma_wait3A_68, %dma_wait3A_69] : memref<320000x128xf32, #tpu.memory_space<hbm>> -> memref<80x128xf32, #tpu.memory_space<hbm>>
    %dma_wait3A_71 = arith.constant 0 : i32
    %dma_wait3A_72 = arith.constant 0 : i32
    %dma_wait3A_73 = tpu.memref_slice %arg3[%dma_wait3A_71, %dma_wait3A_72] : memref<320000x128xf32, #tpu.memory_space<hbm>> -> memref<80x128xf32, #tpu.memory_space<hbm>>
    tpu.wait_dma2 semaphore(%arg16 : memref<!tpu.dma_semaphore, #tpu.memory_space<semaphore_mem>>) src(%dma_wait3A_73 : memref<80x128xf32, #tpu.memory_space<hbm>>) dst(%arg10 : memref<80x128xf32, #tpu.memory_space<vmem>>)
    %dma_start3A_74 = arith.constant 0 : i32
    %dma_start3A_75 = arith.constant 0 : i32
    %dma_start3A_76 = tpu.memref_slice %arg2[%dma_start3A_74, %dma_start3A_75] : memref<10000x128xf32, #tpu.memory_space<hbm>> -> memref<10000x128xf32, #tpu.memory_space<hbm>>
    tpu.enqueue_indirect_dma source(%dma_start3A_76 : memref<10000x128xf32, #tpu.memory_space<hbm>>) target(%arg9 : memref<80x128xf32, #tpu.memory_space<vmem>>) offsets(%arg7 : memref<80xi32, #tpu.memory_space<vmem>>) semaphore(%arg17 : memref<!tpu.dma_semaphore, #tpu.memory_space<semaphore_mem>>)
    %dma_wait3A_77 = arith.constant 0 : i32
    %dma_wait3A_78 = tpu.memref_slice %arg4[%dma_wait3A_77] : memref<320000xi32, #tpu.memory_space<hbm>> -> memref<80xi32, #tpu.memory_space<hbm>>
    %dma_wait3A_79 = arith.constant 0 : i32
    %dma_wait3A_80 = tpu.memref_slice %arg4[%dma_wait3A_79] : memref<320000xi32, #tpu.memory_space<hbm>> -> memref<80xi32, #tpu.memory_space<hbm>>
    tpu.wait_dma2 semaphore(%arg19 : memref<!tpu.dma_semaphore, #tpu.memory_space<semaphore_mem>>) src(%dma_wait3A_80 : memref<80xi32, #tpu.memory_space<hbm>>) dst(%arg11 : memref<80xi32, #tpu.memory_space<vmem>>)
    %dma_wait3A_81 = arith.constant 0 : i32
    %dma_wait3A_82 = tpu.memref_slice %arg5[%dma_wait3A_81] : memref<320000xi32, #tpu.memory_space<hbm>> -> memref<80xi32, #tpu.memory_space<hbm>>
    %dma_wait3A_83 = arith.constant 0 : i32
    %dma_wait3A_84 = tpu.memref_slice %arg5[%dma_wait3A_83] : memref<320000xi32, #tpu.memory_space<hbm>> -> memref<80xi32, #tpu.memory_space<hbm>>
    tpu.wait_dma2 semaphore(%arg19 : memref<!tpu.dma_semaphore, #tpu.memory_space<semaphore_mem>>) src(%dma_wait3A_84 : memref<80xi32, #tpu.memory_space<hbm>>) dst(%arg12 : memref<80xi32, #tpu.memory_space<vmem>>)
    %dma_wait3A_85 = arith.constant 0 : i32
    %dma_wait3A_86 = arith.constant 0 : i32
    %dma_wait3A_87 = tpu.memref_slice %arg3[%dma_wait3A_85, %dma_wait3A_86] : memref<320000x128xf32, #tpu.memory_space<hbm>> -> memref<80x128xf32, #tpu.memory_space<hbm>>
    %dma_wait3A_88 = arith.constant 0 : i32
    %dma_wait3A_89 = arith.constant 0 : i32
    %dma_wait3A_90 = tpu.memref_slice %arg3[%dma_wait3A_88, %dma_wait3A_89] : memref<320000x128xf32, #tpu.memory_space<hbm>> -> memref<80x128xf32, #tpu.memory_space<hbm>>
    tpu.wait_dma2 semaphore(%arg19 : memref<!tpu.dma_semaphore, #tpu.memory_space<semaphore_mem>>) src(%dma_wait3A_90 : memref<80x128xf32, #tpu.memory_space<hbm>>) dst(%arg14 : memref<80x128xf32, #tpu.memory_space<vmem>>)
    %dma_start3A_91 = arith.constant 0 : i32
    %dma_start3A_92 = arith.constant 0 : i32
    %dma_start3A_93 = tpu.memref_slice %arg2[%dma_start3A_91, %dma_start3A_92] : memref<10000x128xf32, #tpu.memory_space<hbm>> -> memref<10000x128xf32, #tpu.memory_space<hbm>>
    tpu.enqueue_indirect_dma source(%dma_start3A_93 : memref<10000x128xf32, #tpu.memory_space<hbm>>) target(%arg13 : memref<80x128xf32, #tpu.memory_space<vmem>>) offsets(%arg11 : memref<80xi32, #tpu.memory_space<vmem>>) semaphore(%arg20 : memref<!tpu.dma_semaphore, #tpu.memory_space<semaphore_mem>>)
    %scan3A_94 = arith.constant 0 : i32
    %scan3A_95 = arith.constant 0 : i32
    %dma_wait3A_96 = arith.constant 0 : i32
    %dma_wait3A_97 = arith.constant 0 : i32
    %dma_wait3A_98 = tpu.memref_slice %arg2[%dma_wait3A_96, %dma_wait3A_97] : memref<10000x128xf32, #tpu.memory_space<hbm>> -> memref<10000x128xf32, #tpu.memory_space<hbm>>
    tpu.wait_indirect_dma semaphore(%arg17 : memref<!tpu.dma_semaphore, #tpu.memory_space<semaphore_mem>>) src(%dma_wait3A_98 : memref<10000x128xf32, #tpu.memory_space<hbm>>) dst(%arg9 : memref<80x128xf32, #tpu.memory_space<vmem>>)
    %scan3A_99 = arith.constant 0 : i32
    %scan3A_100 = arith.constant 0 : i32
    %scan3A_101 = arith.constant 40 : i32
    %scan3A_102 = arith.addi %scan3A_100, %scan3A_101 : i32
    %scan3A_103 = arith.constant 1 : i32
    scf.for %scan3A_190 = %scan3A_100 to %scan3A_102 step %scan3A_103  : i32 {
      %mul3A_191 = arith.constant 2 : i32
      %mul3A_192 = arith.muli %scan3A_190, %mul3A_191 : i32
      %add3A_193 = arith.constant 0 : i32
      %add3A_194 = arith.addi %mul3A_192, %add3A_193 : i32
      %get3A = arith.index_cast %add3A_194 : i32 to index
      %get3A_195 = arith.constant 0 : index
      %get3A_196 = tpu.vector_load %arg9[%get3A, %get3A_195] {strides = array<i32>} : memref<80x128xf32, #tpu.memory_space<vmem>>, vector<1x16xf32>,
      %get3A_197 = vector.shape_cast %get3A_196 : vector<1x16xf32> to vector<16xf32>
      %mul3A_198 = arith.constant 2 : i32
      %mul3A_199 = arith.muli %scan3A_190, %mul3A_198 : i32
      %add3A_200 = arith.constant 0 : i32
      %add3A_201 = arith.addi %mul3A_199, %add3A_200 : i32
      %get3A_202 = arith.index_cast %add3A_201 : i32 to index
      %get3A_203 = arith.constant 0 : index
      %get3A_204 = tpu.vector_load %arg10[%get3A_202, %get3A_203] {strides = array<i32>} : memref<80x128xf32, #tpu.memory_space<vmem>>, vector<1x16xf32>,
      %get3A_205 = vector.shape_cast %get3A_204 : vector<1x16xf32> to vector<16xf32>
      %add3A_206 = arith.addf %get3A_197, %get3A_205 : vector<16xf32>
      %max3A = arith.constant 0.000000e+00 : f32
      %max3A_207 = vector.broadcast %max3A : f32 to vector<16xf32>
      %max3A_208 = arith.maximumf %add3A_206, %max3A_207 : vector<16xf32>
      %mul3A_209 = arith.constant 2 : i32
      %mul3A_210 = arith.muli %scan3A_190, %mul3A_209 : i32
      %add3A_211 = arith.constant 0 : i32
      %add3A_212 = arith.addi %mul3A_210, %add3A_211 : i32
      %swap3A = arith.index_cast %add3A_212 : i32 to index
      %swap3A_213 = arith.constant 0 : index
      %swap3A_214 = tpu.vector_load %arg9[%swap3A, %swap3A_213] {strides = array<i32>} : memref<80x128xf32, #tpu.memory_space<vmem>>, vector<1x16xf32>,
      %swap3A_215 = vector.shape_cast %swap3A_214 : vector<1x16xf32> to vector<16xf32>
      %swap3A_216 = vector.shape_cast %max3A_208 : vector<16xf32> to vector<1x16xf32>
      tpu.vector_store %arg9[%swap3A, %swap3A_213], %swap3A_216 {strides = array<i32>} : memref<80x128xf32, #tpu.memory_space<vmem>>, vector<1x16xf32>,
      %mul3A_217 = arith.constant 2 : i32
      %mul3A_218 = arith.muli %scan3A_190, %mul3A_217 : i32
      %add3A_219 = arith.constant 0 : i32
      %add3A_220 = arith.addi %mul3A_218, %add3A_219 : i32
      %get3A_221 = arith.index_cast %add3A_220 : i32 to index
      %get3A_222 = arith.constant 16 : index
      %get3A_223 = tpu.vector_load %arg9[%get3A_221, %get3A_222] {strides = array<i32>} : memref<80x128xf32, #tpu.memory_space<vmem>>, vector<1x16xf32>,
      %get3A_224 = vector.shape_cast %get3A_223 : vector<1x16xf32> to vector<16xf32>
      %mul3A_225 = arith.constant 2 : i32
      %mul3A_226 = arith.muli %scan3A_190, %mul3A_225 : i32
      %add3A_227 = arith.constant 0 : i32
      %add3A_228 = arith.addi %mul3A_226, %add3A_227 : i32
      %get3A_229 = arith.index_cast %add3A_228 : i32 to index
      %get3A_230 = arith.constant 16 : index
      %get3A_231 = tpu.vector_load %arg10[%get3A_229, %get3A_230] {strides = array<i32>} : memref<80x128xf32, #tpu.memory_space<vmem>>, vector<1x16xf32>,
      %get3A_232 = vector.shape_cast %get3A_231 : vector<1x16xf32> to vector<16xf32>
      %add3A_233 = arith.addf %get3A_224, %get3A_232 : vector<16xf32>
      %max3A_234 = arith.constant 0.000000e+00 : f32
      %max3A_235 = vector.broadcast %max3A_234 : f32 to vector<16xf32>
      %max3A_236 = arith.maximumf %add3A_233, %max3A_235 : vector<16xf32>
      %mul3A_237 = arith.constant 2 : i32
      %mul3A_238 = arith.muli %scan3A_190, %mul3A_237 : i32
      %add3A_239 = arith.constant 0 : i32
      %add3A_240 = arith.addi %mul3A_238, %add3A_239 : i32
      %swap3A_241 = arith.index_cast %add3A_240 : i32 to index
      %swap3A_242 = arith.constant 16 : index
      %swap3A_243 = tpu.vector_load %arg9[%swap3A_241, %swap3A_242] {strides = array<i32>} : memref<80x128xf32, #tpu.memory_space<vmem>>, vector<1x16xf32>,
      %swap3A_244 = vector.shape_cast %swap3A_243 : vector<1x16xf32> to vector<16xf32>
      %swap3A_245 = vector.shape_cast %max3A_236 : vector<16xf32> to vector<1x16xf32>
      tpu.vector_store %arg9[%swap3A_241, %swap3A_242], %swap3A_245 {strides = array<i32>} : memref<80x128xf32, #tpu.memory_space<vmem>>, vector<1x16xf32>,
      %mul3A_246 = arith.constant 2 : i32
      %mul3A_247 = arith.muli %scan3A_190, %mul3A_246 : i32
      %add3A_248 = arith.constant 0 : i32
      %add3A_249 = arith.addi %mul3A_247, %add3A_248 : i32
      %get3A_250 = arith.index_cast %add3A_249 : i32 to index
      %get3A_251 = arith.constant 32 : index
      %get3A_252 = tpu.vector_load %arg9[%get3A_250, %get3A_251] {strides = array<i32>} : memref<80x128xf32, #tpu.memory_space<vmem>>, vector<1x16xf32>,
      %get3A_253 = vector.shape_cast %get3A_252 : vector<1x16xf32> to vector<16xf32>
      %mul3A_254 = arith.constant 2 : i32
      %mul3A_255 = arith.muli %scan3A_190, %mul3A_254 : i32
      %add3A_256 = arith.constant 0 : i32
      %add3A_257 = arith.addi %mul3A_255, %add3A_256 : i32
      %get3A_258 = arith.index_cast %add3A_257 : i32 to index
      %get3A_259 = arith.constant 32 : index
      %get3A_260 = tpu.vector_load %arg10[%get3A_258, %get3A_259] {strides = array<i32>} : memref<80x128xf32, #tpu.memory_space<vmem>>, vector<1x16xf32>,
      %get3A_261 = vector.shape_cast %get3A_260 : vector<1x16xf32> to vector<16xf32>
      %add3A_262 = arith.addf %get3A_253, %get3A_261 : vector<16xf32>
      %max3A_263 = arith.constant 0.000000e+00 : f32
      %max3A_264 = vector.broadcast %max3A_263 : f32 to vector<16xf32>
      %max3A_265 = arith.maximumf %add3A_262, %max3A_264 : vector<16xf32>
      %mul3A_266 = arith.constant 2 : i32
      %mul3A_267 = arith.muli %scan3A_190, %mul3A_266 : i32
      %add3A_268 = arith.constant 0 : i32
      %add3A_269 = arith.addi %mul3A_267, %add3A_268 : i32
      %swap3A_270 = arith.index_cast %add3A_269 : i32 to index
      %swap3A_271 = arith.constant 32 : index
      %swap3A_272 = tpu.vector_load %arg9[%swap3A_270, %swap3A_271] {strides = array<i32>} : memref<80x128xf32, #tpu.memory_space<vmem>>, vector<1x16xf32>,
      %swap3A_273 = vector.shape_cast %swap3A_272 : vector<1x16xf32> to vector<16xf32>
      %swap3A_274 = vector.shape_cast %max3A_265 : vector<16xf32> to vector<1x16xf32>
      tpu.vector_store %arg9[%swap3A_270, %swap3A_271], %swap3A_274 {strides = array<i32>} : memref<80x128xf32, #tpu.memory_space<vmem>>, vector<1x16xf32>,
      %mul3A_275 = arith.constant 2 : i32
      %mul3A_276 = arith.muli %scan3A_190, %mul3A_275 : i32
      %add3A_277 = arith.constant 0 : i32
      %add3A_278 = arith.addi %mul3A_276, %add3A_277 : i32
      %get3A_279 = arith.index_cast %add3A_278 : i32 to index
      %get3A_280 = arith.constant 48 : index
      %get3A_281 = tpu.vector_load %arg9[%get3A_279, %get3A_280] {strides = array<i32>} : memref<80x128xf32, #tpu.memory_space<vmem>>, vector<1x16xf32>,
      %get3A_282 = vector.shape_cast %get3A_281 : vector<1x16xf32> to vector<16xf32>
      %mul3A_283 = arith.constant 2 : i32
      %mul3A_284 = arith.muli %scan3A_190, %mul3A_283 : i32
      %add3A_285 = arith.constant 0 : i32
      %add3A_286 = arith.addi %mul3A_284, %add3A_285 : i32
      %get3A_287 = arith.index_cast %add3A_286 : i32 to index
      %get3A_288 = arith.constant 48 : index
      %get3A_289 = tpu.vector_load %arg10[%get3A_287, %get3A_288] {strides = array<i32>} : memref<80x128xf32, #tpu.memory_space<vmem>>, vector<1x16xf32>,
      %get3A_290 = vector.shape_cast %get3A_289 : vector<1x16xf32> to vector<16xf32>
      %add3A_291 = arith.addf %get3A_282, %get3A_290 : vector<16xf32>
      %max3A_292 = arith.constant 0.000000e+00 : f32
      %max3A_293 = vector.broadcast %max3A_292 : f32 to vector<16xf32>
      %max3A_294 = arith.maximumf %add3A_291, %max3A_293 : vector<16xf32>
      %mul3A_295 = arith.constant 2 : i32
      %mul3A_296 = arith.muli %scan3A_190, %mul3A_295 : i32
      %add3A_297 = arith.constant 0 : i32
      %add3A_298 = arith.addi %mul3A_296, %add3A_297 : i32
      %swap3A_299 = arith.index_cast %add3A_298 : i32 to index
      %swap3A_300 = arith.constant 48 : index
      %swap3A_301 = tpu.vector_load %arg9[%swap3A_299, %swap3A_300] {strides = array<i32>} : memref<80x128xf32, #tpu.memory_space<vmem>>, vector<1x16xf32>,
      %swap3A_302 = vector.shape_cast %swap3A_301 : vector<1x16xf32> to vector<16xf32>
      %swap3A_303 = vector.shape_cast %max3A_294 : vector<16xf32> to vector<1x16xf32>
      tpu.vector_store %arg9[%swap3A_299, %swap3A_300], %swap3A_303 {strides = array<i32>} : memref<80x128xf32, #tpu.memory_space<vmem>>, vector<1x16xf32>,
      %mul3A_304 = arith.constant 2 : i32
      %mul3A_305 = arith.muli %scan3A_190, %mul3A_304 : i32
      %add3A_306 = arith.constant 0 : i32
      %add3A_307 = arith.addi %mul3A_305, %add3A_306 : i32
      %get3A_308 = arith.index_cast %add3A_307 : i32 to index
      %get3A_309 = arith.constant 64 : index
      %get3A_310 = tpu.vector_load %arg9[%get3A_308, %get3A_309] {strides = array<i32>} : memref<80x128xf32, #tpu.memory_space<vmem>>, vector<1x16xf32>,
      %get3A_311 = vector.shape_cast %get3A_310 : vector<1x16xf32> to vector<16xf32>
      %mul3A_312 = arith.constant 2 : i32
      %mul3A_313 = arith.muli %scan3A_190, %mul3A_312 : i32
      %add3A_314 = arith.constant 0 : i32
      %add3A_315 = arith.addi %mul3A_313, %add3A_314 : i32
      %get3A_316 = arith.index_cast %add3A_315 : i32 to index
      %get3A_317 = arith.constant 64 : index
      %get3A_318 = tpu.vector_load %arg10[%get3A_316, %get3A_317] {strides = array<i32>} : memref<80x128xf32, #tpu.memory_space<vmem>>, vector<1x16xf32>,
      %get3A_319 = vector.shape_cast %get3A_318 : vector<1x16xf32> to vector<16xf32>
      %add3A_320 = arith.addf %get3A_311, %get3A_319 : vector<16xf32>
      %max3A_321 = arith.constant 0.000000e+00 : f32
      %max3A_322 = vector.broadcast %max3A_321 : f32 to vector<16xf32>
      %max3A_323 = arith.maximumf %add3A_320, %max3A_322 : vector<16xf32>
      %mul3A_324 = arith.constant 2 : i32
      %mul3A_325 = arith.muli %scan3A_190, %mul3A_324 : i32
      %add3A_326 = arith.constant 0 : i32
      %add3A_327 = arith.addi %mul3A_325, %add3A_326 : i32
      %swap3A_328 = arith.index_cast %add3A_327 : i32 to index
      %swap3A_329 = arith.constant 64 : index
      %swap3A_330 = tpu.vector_load %arg9[%swap3A_328, %swap3A_329] {strides = array<i32>} : memref<80x128xf32, #tpu.memory_space<vmem>>, vector<1x16xf32>,
      %swap3A_331 = vector.shape_cast %swap3A_330 : vector<1x16xf32> to vector<16xf32>
      %swap3A_332 = vector.shape_cast %max3A_323 : vector<16xf32> to vector<1x16xf32>
      tpu.vector_store %arg9[%swap3A_328, %swap3A_329], %swap3A_332 {strides = array<i32>} : memref<80x128xf32, #tpu.memory_space<vmem>>, vector<1x16xf32>,
      %mul3A_333 = arith.constant 2 : i32
      %mul3A_334 = arith.muli %scan3A_190, %mul3A_333 : i32
      %add3A_335 = arith.constant 0 : i32
      %add3A_336 = arith.addi %mul3A_334, %add3A_335 : i32
      %get3A_337 = arith.index_cast %add3A_336 : i32 to index
      %get3A_338 = arith.constant 80 : index
      %get3A_339 = tpu.vector_load %arg9[%get3A_337, %get3A_338] {strides = array<i32>} : memref<80x128xf32, #tpu.memory_space<vmem>>, vector<1x16xf32>,
      %get3A_340 = vector.shape_cast %get3A_339 : vector<1x16xf32> to vector<16xf32>
      %mul3A_341 = arith.constant 2 : i32
      %mul3A_342 = arith.muli %scan3A_190, %mul3A_341 : i32
      %add3A_343 = arith.constant 0 : i32
      %add3A_344 = arith.addi %mul3A_342, %add3A_343 : i32
      %get3A_345 = arith.index_cast %add3A_344 : i32 to index
      %get3A_346 = arith.constant 80 : index
      %get3A_347 = tpu.vector_load %arg10[%get3A_345, %get3A_346] {strides = array<i32>} : memref<80x128xf32, #tpu.memory_space<vmem>>, vector<1x16xf32>,
      %get3A_348 = vector.shape_cast %get3A_347 : vector<1x16xf32> to vector<16xf32>
      %add3A_349 = arith.addf %get3A_340, %get3A_348 : vector<16xf32>
      %max3A_350 = arith.constant 0.000000e+00 : f32
      %max3A_351 = vector.broadcast %max3A_350 : f32 to vector<16xf32>
      %max3A_352 = arith.maximumf %add3A_349, %max3A_351 : vector<16xf32>
      %mul3A_353 = arith.constant 2 : i32
      %mul3A_354 = arith.muli %scan3A_190, %mul3A_353 : i32
      %add3A_355 = arith.constant 0 : i32
      %add3A_356 = arith.addi %mul3A_354, %add3A_355 : i32
      %swap3A_357 = arith.index_cast %add3A_356 : i32 to index
      %swap3A_358 = arith.constant 80 : index
      %swap3A_359 = tpu.vector_load %arg9[%swap3A_357, %swap3A_358] {strides = array<i32>} : memref<80x128xf32, #tpu.memory_space<vmem>>, vector<1x16xf32>,
      %swap3A_360 = vector.shape_cast %swap3A_359 : vector<1x16xf32> to vector<16xf32>
      %swap3A_361 = vector.shape_cast %max3A_352 : vector<16xf32> to vector<1x16xf32>
      tpu.vector_store %arg9[%swap3A_357, %swap3A_358], %swap3A_361 {strides = array<i32>} : memref<80x128xf32, #tpu.memory_space<vmem>>, vector<1x16xf32>,
      %mul3A_362 = arith.constant 2 : i32
      %mul3A_363 = arith.muli %scan3A_190, %mul3A_362 : i32
      %add3A_364 = arith.constant 0 : i32
      %add3A_365 = arith.addi %mul3A_363, %add3A_364 : i32
      %get3A_366 = arith.index_cast %add3A_365 : i32 to index
      %get3A_367 = arith.constant 96 : index
      %get3A_368 = tpu.vector_load %arg9[%get3A_366, %get3A_367] {strides = array<i32>} : memref<80x128xf32, #tpu.memory_space<vmem>>, vector<1x16xf32>,
      %get3A_369 = vector.shape_cast %get3A_368 : vector<1x16xf32> to vector<16xf32>
      %mul3A_370 = arith.constant 2 : i32
      %mul3A_371 = arith.muli %scan3A_190, %mul3A_370 : i32
      %add3A_372 = arith.constant 0 : i32
      %add3A_373 = arith.addi %mul3A_371, %add3A_372 : i32
      %get3A_374 = arith.index_cast %add3A_373 : i32 to index
      %get3A_375 = arith.constant 96 : index
      %get3A_376 = tpu.vector_load %arg10[%get3A_374, %get3A_375] {strides = array<i32>} : memref<80x128xf32, #tpu.memory_space<vmem>>, vector<1x16xf32>,
      %get3A_377 = vector.shape_cast %get3A_376 : vector<1x16xf32> to vector<16xf32>
      %add3A_378 = arith.addf %get3A_369, %get3A_377 : vector<16xf32>
      %max3A_379 = arith.constant 0.000000e+00 : f32
      %max3A_380 = vector.broadcast %max3A_379 : f32 to vector<16xf32>
      %max3A_381 = arith.maximumf %add3A_378, %max3A_380 : vector<16xf32>
      %mul3A_382 = arith.constant 2 : i32
      %mul3A_383 = arith.muli %scan3A_190, %mul3A_382 : i32
      %add3A_384 = arith.constant 0 : i32
      %add3A_385 = arith.addi %mul3A_383, %add3A_384 : i32
      %swap3A_386 = arith.index_cast %add3A_385 : i32 to index
      %swap3A_387 = arith.constant 96 : index
      %swap3A_388 = tpu.vector_load %arg9[%swap3A_386, %swap3A_387] {strides = array<i32>} : memref<80x128xf32, #tpu.memory_space<vmem>>, vector<1x16xf32>,
      %swap3A_389 = vector.shape_cast %swap3A_388 : vector<1x16xf32> to vector<16xf32>
      %swap3A_390 = vector.shape_cast %max3A_381 : vector<16xf32> to vector<1x16xf32>
      tpu.vector_store %arg9[%swap3A_386, %swap3A_387], %swap3A_390 {strides = array<i32>} : memref<80x128xf32, #tpu.memory_space<vmem>>, vector<1x16xf32>,
      %mul3A_391 = arith.constant 2 : i32
      %mul3A_392 = arith.muli %scan3A_190, %mul3A_391 : i32
      %add3A_393 = arith.constant 0 : i32
      %add3A_394 = arith.addi %mul3A_392, %add3A_393 : i32
      %get3A_395 = arith.index_cast %add3A_394 : i32 to index
      %get3A_396 = arith.constant 112 : index
      %get3A_397 = tpu.vector_load %arg9[%get3A_395, %get3A_396] {strides = array<i32>} : memref<80x128xf32, #tpu.memory_space<vmem>>, vector<1x16xf32>,
      %get3A_398 = vector.shape_cast %get3A_397 : vector<1x16xf32> to vector<16xf32>
      %mul3A_399 = arith.constant 2 : i32
      %mul3A_400 = arith.muli %scan3A_190, %mul3A_399 : i32
      %add3A_401 = arith.constant 0 : i32
      %add3A_402 = arith.addi %mul3A_400, %add3A_401 : i32
      %get3A_403 = arith.index_cast %add3A_402 : i32 to index
      %get3A_404 = arith.constant 112 : index
      %get3A_405 = tpu.vector_load %arg10[%get3A_403, %get3A_404] {strides = array<i32>} : memref<80x128xf32, #tpu.memory_space<vmem>>, vector<1x16xf32>,
      %get3A_406 = vector.shape_cast %get3A_405 : vector<1x16xf32> to vector<16xf32>
      %add3A_407 = arith.addf %get3A_398, %get3A_406 : vector<16xf32>
      %max3A_408 = arith.constant 0.000000e+00 : f32
      %max3A_409 = vector.broadcast %max3A_408 : f32 to vector<16xf32>
      %max3A_410 = arith.maximumf %add3A_407, %max3A_409 : vector<16xf32>
      %mul3A_411 = arith.constant 2 : i32
      %mul3A_412 = arith.muli %scan3A_190, %mul3A_411 : i32
      %add3A_413 = arith.constant 0 : i32
      %add3A_414 = arith.addi %mul3A_412, %add3A_413 : i32
      %swap3A_415 = arith.index_cast %add3A_414 : i32 to index
      %swap3A_416 = arith.constant 112 : index
      %swap3A_417 = tpu.vector_load %arg9[%swap3A_415, %swap3A_416] {strides = array<i32>} : memref<80x128xf32, #tpu.memory_space<vmem>>, vector<1x16xf32>,
      %swap3A_418 = vector.shape_cast %swap3A_417 : vector<1x16xf32> to vector<16xf32>
      %swap3A_419 = vector.shape_cast %max3A_410 : vector<16xf32> to vector<1x16xf32>
      tpu.vector_store %arg9[%swap3A_415, %swap3A_416], %swap3A_419 {strides = array<i32>} : memref<80x128xf32, #tpu.memory_space<vmem>>, vector<1x16xf32>,
      %mul3A_420 = arith.constant 2 : i32
      %mul3A_421 = arith.muli %scan3A_190, %mul3A_420 : i32
      %add3A_422 = arith.constant 1 : i32
      %add3A_423 = arith.addi %mul3A_421, %add3A_422 : i32
      %get3A_424 = arith.index_cast %add3A_423 : i32 to index
      %get3A_425 = arith.constant 0 : index
      %get3A_426 = tpu.vector_load %arg9[%get3A_424, %get3A_425] {strides = array<i32>} : memref<80x128xf32, #tpu.memory_space<vmem>>, vector<1x16xf32>,
      %get3A_427 = vector.shape_cast %get3A_426 : vector<1x16xf32> to vector<16xf32>
      %mul3A_428 = arith.constant 2 : i32
      %mul3A_429 = arith.muli %scan3A_190, %mul3A_428 : i32
      %add3A_430 = arith.constant 1 : i32
      %add3A_431 = arith.addi %mul3A_429, %add3A_430 : i32
      %get3A_432 = arith.index_cast %add3A_431 : i32 to index
      %get3A_433 = arith.constant 0 : index
      %get3A_434 = tpu.vector_load %arg10[%get3A_432, %get3A_433] {strides = array<i32>} : memref<80x128xf32, #tpu.memory_space<vmem>>, vector<1x16xf32>,
      %get3A_435 = vector.shape_cast %get3A_434 : vector<1x16xf32> to vector<16xf32>
      %add3A_436 = arith.addf %get3A_427, %get3A_435 : vector<16xf32>
      %max3A_437 = arith.constant 0.000000e+00 : f32
      %max3A_438 = vector.broadcast %max3A_437 : f32 to vector<16xf32>
      %max3A_439 = arith.maximumf %add3A_436, %max3A_438 : vector<16xf32>
      %mul3A_440 = arith.constant 2 : i32
      %mul3A_441 = arith.muli %scan3A_190, %mul3A_440 : i32
      %add3A_442 = arith.constant 1 : i32
      %add3A_443 = arith.addi %mul3A_441, %add3A_442 : i32
      %swap3A_444 = arith.index_cast %add3A_443 : i32 to index
      %swap3A_445 = arith.constant 0 : index
      %swap3A_446 = tpu.vector_load %arg9[%swap3A_444, %swap3A_445] {strides = array<i32>} : memref<80x128xf32, #tpu.memory_space<vmem>>, vector<1x16xf32>,
      %swap3A_447 = vector.shape_cast %swap3A_446 : vector<1x16xf32> to vector<16xf32>
      %swap3A_448 = vector.shape_cast %max3A_439 : vector<16xf32> to vector<1x16xf32>
      tpu.vector_store %arg9[%swap3A_444, %swap3A_445], %swap3A_448 {strides = array<i32>} : memref<80x128xf32, #tpu.memory_space<vmem>>, vector<1x16xf32>,
      %mul3A_449 = arith.constant 2 : i32
      %mul3A_450 = arith.muli %scan3A_190, %mul3A_449 : i32
      %add3A_451 = arith.constant 1 : i32
      %add3A_452 = arith.addi %mul3A_450, %add3A_451 : i32
      %get3A_453 = arith.index_cast %add3A_452 : i32 to index
      %get3A_454 = arith.constant 16 : index
      %get3A_455 = tpu.vector_load %arg9[%get3A_453, %get3A_454] {strides = array<i32>} : memref<80x128xf32, #tpu.memory_space<vmem>>, vector<1x16xf32>,
      %get3A_456 = vector.shape_cast %get3A_455 : vector<1x16xf32> to vector<16xf32>
      %mul3A_457 = arith.constant 2 : i32
      %mul3A_458 = arith.muli %scan3A_190, %mul3A_457 : i32
      %add3A_459 = arith.constant 1 : i32
      %add3A_460 = arith.addi %mul3A_458, %add3A_459 : i32
      %get3A_461 = arith.index_cast %add3A_460 : i32 to index
      %get3A_462 = arith.constant 16 : index
      %get3A_463 = tpu.vector_load %arg10[%get3A_461, %get3A_462] {strides = array<i32>} : memref<80x128xf32, #tpu.memory_space<vmem>>, vector<1x16xf32>,
      %get3A_464 = vector.shape_cast %get3A_463 : vector<1x16xf32> to vector<16xf32>
      %add3A_465 = arith.addf %get3A_456, %get3A_464 : vector<16xf32>
      %max3A_466 = arith.constant 0.000000e+00 : f32
      %max3A_467 = vector.broadcast %max3A_466 : f32 to vector<16xf32>
      %max3A_468 = arith.maximumf %add3A_465, %max3A_467 : vector<16xf32>
      %mul3A_469 = arith.constant 2 : i32
      %mul3A_470 = arith.muli %scan3A_190, %mul3A_469 : i32
      %add3A_471 = arith.constant 1 : i32
      %add3A_472 = arith.addi %mul3A_470, %add3A_471 : i32
      %swap3A_473 = arith.index_cast %add3A_472 : i32 to index
      %swap3A_474 = arith.constant 16 : index
      %swap3A_475 = tpu.vector_load %arg9[%swap3A_473, %swap3A_474] {strides = array<i32>} : memref<80x128xf32, #tpu.memory_space<vmem>>, vector<1x16xf32>,
      %swap3A_476 = vector.shape_cast %swap3A_475 : vector<1x16xf32> to vector<16xf32>
      %swap3A_477 = vector.shape_cast %max3A_468 : vector<16xf32> to vector<1x16xf32>
      tpu.vector_store %arg9[%swap3A_473, %swap3A_474], %swap3A_477 {strides = array<i32>} : memref<80x128xf32, #tpu.memory_space<vmem>>, vector<1x16xf32>,
      %mul3A_478 = arith.constant 2 : i32
      %mul3A_479 = arith.muli %scan3A_190, %mul3A_478 : i32
      %add3A_480 = arith.constant 1 : i32
      %add3A_481 = arith.addi %mul3A_479, %add3A_480 : i32
      %get3A_482 = arith.index_cast %add3A_481 : i32 to index
      %get3A_483 = arith.constant 32 : index
      %get3A_484 = tpu.vector_load %arg9[%get3A_482, %get3A_483] {strides = array<i32>} : memref<80x128xf32, #tpu.memory_space<vmem>>, vector<1x16xf32>,
      %get3A_485 = vector.shape_cast %get3A_484 : vector<1x16xf32> to vector<16xf32>
      %mul3A_486 = arith.constant 2 : i32
      %mul3A_487 = arith.muli %scan3A_190, %mul3A_486 : i32
      %add3A_488 = arith.constant 1 : i32
      %add3A_489 = arith.addi %mul3A_487, %add3A_488 : i32
      %get3A_490 = arith.index_cast %add3A_489 : i32 to index
      %get3A_491 = arith.constant 32 : index
      %get3A_492 = tpu.vector_load %arg10[%get3A_490, %get3A_491] {strides = array<i32>} : memref<80x128xf32, #tpu.memory_space<vmem>>, vector<1x16xf32>,
      %get3A_493 = vector.shape_cast %get3A_492 : vector<1x16xf32> to vector<16xf32>
      %add3A_494 = arith.addf %get3A_485, %get3A_493 : vector<16xf32>
      %max3A_495 = arith.constant 0.000000e+00 : f32
      %max3A_496 = vector.broadcast %max3A_495 : f32 to vector<16xf32>
      %max3A_497 = arith.maximumf %add3A_494, %max3A_496 : vector<16xf32>
      %mul3A_498 = arith.constant 2 : i32
      %mul3A_499 = arith.muli %scan3A_190, %mul3A_498 : i32
      %add3A_500 = arith.constant 1 : i32
      %add3A_501 = arith.addi %mul3A_499, %add3A_500 : i32
      %swap3A_502 = arith.index_cast %add3A_501 : i32 to index
      %swap3A_503 = arith.constant 32 : index
      %swap3A_504 = tpu.vector_load %arg9[%swap3A_502, %swap3A_503] {strides = array<i32>} : memref<80x128xf32, #tpu.memory_space<vmem>>, vector<1x16xf32>,
      %swap3A_505 = vector.shape_cast %swap3A_504 : vector<1x16xf32> to vector<16xf32>
      %swap3A_506 = vector.shape_cast %max3A_497 : vector<16xf32> to vector<1x16xf32>
      tpu.vector_store %arg9[%swap3A_502, %swap3A_503], %swap3A_506 {strides = array<i32>} : memref<80x128xf32, #tpu.memory_space<vmem>>, vector<1x16xf32>,
      %mul3A_507 = arith.constant 2 : i32
      %mul3A_508 = arith.muli %scan3A_190, %mul3A_507 : i32
      %add3A_509 = arith.constant 1 : i32
      %add3A_510 = arith.addi %mul3A_508, %add3A_509 : i32
      %get3A_511 = arith.index_cast %add3A_510 : i32 to index
      %get3A_512 = arith.constant 48 : index
      %get3A_513 = tpu.vector_load %arg9[%get3A_511, %get3A_512] {strides = array<i32>} : memref<80x128xf32, #tpu.memory_space<vmem>>, vector<1x16xf32>,
      %get3A_514 = vector.shape_cast %get3A_513 : vector<1x16xf32> to vector<16xf32>
      %mul3A_515 = arith.constant 2 : i32
      %mul3A_516 = arith.muli %scan3A_190, %mul3A_515 : i32
      %add3A_517 = arith.constant 1 : i32
      %add3A_518 = arith.addi %mul3A_516, %add3A_517 : i32
      %get3A_519 = arith.index_cast %add3A_518 : i32 to index
      %get3A_520 = arith.constant 48 : index
      %get3A_521 = tpu.vector_load %arg10[%get3A_519, %get3A_520] {strides = array<i32>} : memref<80x128xf32, #tpu.memory_space<vmem>>, vector<1x16xf32>,
      %get3A_522 = vector.shape_cast %get3A_521 : vector<1x16xf32> to vector<16xf32>
      %add3A_523 = arith.addf %get3A_514, %get3A_522 : vector<16xf32>
      %max3A_524 = arith.constant 0.000000e+00 : f32
      %max3A_525 = vector.broadcast %max3A_524 : f32 to vector<16xf32>
      %max3A_526 = arith.maximumf %add3A_523, %max3A_525 : vector<16xf32>
      %mul3A_527 = arith.constant 2 : i32
      %mul3A_528 = arith.muli %scan3A_190, %mul3A_527 : i32
      %add3A_529 = arith.constant 1 : i32
      %add3A_530 = arith.addi %mul3A_528, %add3A_529 : i32
      %swap3A_531 = arith.index_cast %add3A_530 : i32 to index
      %swap3A_532 = arith.constant 48 : index
      %swap3A_533 = tpu.vector_load %arg9[%swap3A_531, %swap3A_532] {strides = array<i32>} : memref<80x128xf32, #tpu.memory_space<vmem>>, vector<1x16xf32>,
      %swap3A_534 = vector.shape_cast %swap3A_533 : vector<1x16xf32> to vector<16xf32>
      %swap3A_535 = vector.shape_cast %max3A_526 : vector<16xf32> to vector<1x16xf32>
      tpu.vector_store %arg9[%swap3A_531, %swap3A_532], %swap3A_535 {strides = array<i32>} : memref<80x128xf32, #tpu.memory_space<vmem>>, vector<1x16xf32>,
      %mul3A_536 = arith.constant 2 : i32
      %mul3A_537 = arith.muli %scan3A_190, %mul3A_536 : i32
      %add3A_538 = arith.constant 1 : i32
      %add3A_539 = arith.addi %mul3A_537, %add3A_538 : i32
      %get3A_540 = arith.index_cast %add3A_539 : i32 to index
      %get3A_541 = arith.constant 64 : index
      %get3A_542 = tpu.vector_load %arg9[%get3A_540, %get3A_541] {strides = array<i32>} : memref<80x128xf32, #tpu.memory_space<vmem>>, vector<1x16xf32>,
      %get3A_543 = vector.shape_cast %get3A_542 : vector<1x16xf32> to vector<16xf32>
      %mul3A_544 = arith.constant 2 : i32
      %mul3A_545 = arith.muli %scan3A_190, %mul3A_544 : i32
      %add3A_546 = arith.constant 1 : i32
      %add3A_547 = arith.addi %mul3A_545, %add3A_546 : i32
      %get3A_548 = arith.index_cast %add3A_547 : i32 to index
      %get3A_549 = arith.constant 64 : index
      %get3A_550 = tpu.vector_load %arg10[%get3A_548, %get3A_549] {strides = array<i32>} : memref<80x128xf32, #tpu.memory_space<vmem>>, vector<1x16xf32>,
      %get3A_551 = vector.shape_cast %get3A_550 : vector<1x16xf32> to vector<16xf32>
      %add3A_552 = arith.addf %get3A_543, %get3A_551 : vector<16xf32>
      %max3A_553 = arith.constant 0.000000e+00 : f32
      %max3A_554 = vector.broadcast %max3A_553 : f32 to vector<16xf32>
      %max3A_555 = arith.maximumf %add3A_552, %max3A_554 : vector<16xf32>
      %mul3A_556 = arith.constant 2 : i32
      %mul3A_557 = arith.muli %scan3A_190, %mul3A_556 : i32
      %add3A_558 = arith.constant 1 : i32
      %add3A_559 = arith.addi %mul3A_557, %add3A_558 : i32
      %swap3A_560 = arith.index_cast %add3A_559 : i32 to index
      %swap3A_561 = arith.constant 64 : index
      %swap3A_562 = tpu.vector_load %arg9[%swap3A_560, %swap3A_561] {strides = array<i32>} : memref<80x128xf32, #tpu.memory_space<vmem>>, vector<1x16xf32>,
      %swap3A_563 = vector.shape_cast %swap3A_562 : vector<1x16xf32> to vector<16xf32>
      %swap3A_564 = vector.shape_cast %max3A_555 : vector<16xf32> to vector<1x16xf32>
      tpu.vector_store %arg9[%swap3A_560, %swap3A_561], %swap3A_564 {strides = array<i32>} : memref<80x128xf32, #tpu.memory_space<vmem>>, vector<1x16xf32>,
      %mul3A_565 = arith.constant 2 : i32
      %mul3A_566 = arith.muli %scan3A_190, %mul3A_565 : i32
      %add3A_567 = arith.constant 1 : i32
      %add3A_568 = arith.addi %mul3A_566, %add3A_567 : i32
      %get3A_569 = arith.index_cast %add3A_568 : i32 to index
      %get3A_570 = arith.constant 80 : index
      %get3A_571 = tpu.vector_load %arg9[%get3A_569, %get3A_570] {strides = array<i32>} : memref<80x128xf32, #tpu.memory_space<vmem>>, vector<1x16xf32>,
      %get3A_572 = vector.shape_cast %get3A_571 : vector<1x16xf32> to vector<16xf32>
      %mul3A_573 = arith.constant 2 : i32
      %mul3A_574 = arith.muli %scan3A_190, %mul3A_573 : i32
      %add3A_575 = arith.constant 1 : i32
      %add3A_576 = arith.addi %mul3A_574, %add3A_575 : i32
      %get3A_577 = arith.index_cast %add3A_576 : i32 to index
      %get3A_578 = arith.constant 80 : index
      %get3A_579 = tpu.vector_load %arg10[%get3A_577, %get3A_578] {strides = array<i32>} : memref<80x128xf32, #tpu.memory_space<vmem>>, vector<1x16xf32>,
      %get3A_580 = vector.shape_cast %get3A_579 : vector<1x16xf32> to vector<16xf32>
      %add3A_581 = arith.addf %get3A_572, %get3A_580 : vector<16xf32>
      %max3A_582 = arith.constant 0.000000e+00 : f32
      %max3A_583 = vector.broadcast %max3A_582 : f32 to vector<16xf32>
      %max3A_584 = arith.maximumf %add3A_581, %max3A_583 : vector<16xf32>
      %mul3A_585 = arith.constant 2 : i32
      %mul3A_586 = arith.muli %scan3A_190, %mul3A_585 : i32
      %add3A_587 = arith.constant 1 : i32
      %add3A_588 = arith.addi %mul3A_586, %add3A_587 : i32
      %swap3A_589 = arith.index_cast %add3A_588 : i32 to index
      %swap3A_590 = arith.constant 80 : index
      %swap3A_591 = tpu.vector_load %arg9[%swap3A_589, %swap3A_590] {strides = array<i32>} : memref<80x128xf32, #tpu.memory_space<vmem>>, vector<1x16xf32>,
      %swap3A_592 = vector.shape_cast %swap3A_591 : vector<1x16xf32> to vector<16xf32>
      %swap3A_593 = vector.shape_cast %max3A_584 : vector<16xf32> to vector<1x16xf32>
      tpu.vector_store %arg9[%swap3A_589, %swap3A_590], %swap3A_593 {strides = array<i32>} : memref<80x128xf32, #tpu.memory_space<vmem>>, vector<1x16xf32>,
      %mul3A_594 = arith.constant 2 : i32
      %mul3A_595 = arith.muli %scan3A_190, %mul3A_594 : i32
      %add3A_596 = arith.constant 1 : i32
      %add3A_597 = arith.addi %mul3A_595, %add3A_596 : i32
      %get3A_598 = arith.index_cast %add3A_597 : i32 to index
      %get3A_599 = arith.constant 96 : index
      %get3A_600 = tpu.vector_load %arg9[%get3A_598, %get3A_599] {strides = array<i32>} : memref<80x128xf32, #tpu.memory_space<vmem>>, vector<1x16xf32>,
      %get3A_601 = vector.shape_cast %get3A_600 : vector<1x16xf32> to vector<16xf32>
      %mul3A_602 = arith.constant 2 : i32
      %mul3A_603 = arith.muli %scan3A_190, %mul3A_602 : i32
      %add3A_604 = arith.constant 1 : i32
      %add3A_605 = arith.addi %mul3A_603, %add3A_604 : i32
      %get3A_606 = arith.index_cast %add3A_605 : i32 to index
      %get3A_607 = arith.constant 96 : index
      %get3A_608 = tpu.vector_load %arg10[%get3A_606, %get3A_607] {strides = array<i32>} : memref<80x128xf32, #tpu.memory_space<vmem>>, vector<1x16xf32>,
      %get3A_609 = vector.shape_cast %get3A_608 : vector<1x16xf32> to vector<16xf32>
      %add3A_610 = arith.addf %get3A_601, %get3A_609 : vector<16xf32>
      %max3A_611 = arith.constant 0.000000e+00 : f32
      %max3A_612 = vector.broadcast %max3A_611 : f32 to vector<16xf32>
      %max3A_613 = arith.maximumf %add3A_610, %max3A_612 : vector<16xf32>
      %mul3A_614 = arith.constant 2 : i32
      %mul3A_615 = arith.muli %scan3A_190, %mul3A_614 : i32
      %add3A_616 = arith.constant 1 : i32
      %add3A_617 = arith.addi %mul3A_615, %add3A_616 : i32
      %swap3A_618 = arith.index_cast %add3A_617 : i32 to index
      %swap3A_619 = arith.constant 96 : index
      %swap3A_620 = tpu.vector_load %arg9[%swap3A_618, %swap3A_619] {strides = array<i32>} : memref<80x128xf32, #tpu.memory_space<vmem>>, vector<1x16xf32>,
      %swap3A_621 = vector.shape_cast %swap3A_620 : vector<1x16xf32> to vector<16xf32>
      %swap3A_622 = vector.shape_cast %max3A_613 : vector<16xf32> to vector<1x16xf32>
      tpu.vector_store %arg9[%swap3A_618, %swap3A_619], %swap3A_622 {strides = array<i32>} : memref<80x128xf32, #tpu.memory_space<vmem>>, vector<1x16xf32>,
      %mul3A_623 = arith.constant 2 : i32
      %mul3A_624 = arith.muli %scan3A_190, %mul3A_623 : i32
      %add3A_625 = arith.constant 1 : i32
      %add3A_626 = arith.addi %mul3A_624, %add3A_625 : i32
      %get3A_627 = arith.index_cast %add3A_626 : i32 to index
      %get3A_628 = arith.constant 112 : index
      %get3A_629 = tpu.vector_load %arg9[%get3A_627, %get3A_628] {strides = array<i32>} : memref<80x128xf32, #tpu.memory_space<vmem>>, vector<1x16xf32>,
      %get3A_630 = vector.shape_cast %get3A_629 : vector<1x16xf32> to vector<16xf32>
      %mul3A_631 = arith.constant 2 : i32
      %mul3A_632 = arith.muli %scan3A_190, %mul3A_631 : i32
      %add3A_633 = arith.constant 1 : i32
      %add3A_634 = arith.addi %mul3A_632, %add3A_633 : i32
      %get3A_635 = arith.index_cast %add3A_634 : i32 to index
      %get3A_636 = arith.constant 112 : index
      %get3A_637 = tpu.vector_load %arg10[%get3A_635, %get3A_636] {strides = array<i32>} : memref<80x128xf32, #tpu.memory_space<vmem>>, vector<1x16xf32>,
      %get3A_638 = vector.shape_cast %get3A_637 : vector<1x16xf32> to vector<16xf32>
      %add3A_639 = arith.addf %get3A_630, %get3A_638 : vector<16xf32>
      %max3A_640 = arith.constant 0.000000e+00 : f32
      %max3A_641 = vector.broadcast %max3A_640 : f32 to vector<16xf32>
      %max3A_642 = arith.maximumf %add3A_639, %max3A_641 : vector<16xf32>
      %mul3A_643 = arith.constant 2 : i32
      %mul3A_644 = arith.muli %scan3A_190, %mul3A_643 : i32
      %add3A_645 = arith.constant 1 : i32
      %add3A_646 = arith.addi %mul3A_644, %add3A_645 : i32
      %swap3A_647 = arith.index_cast %add3A_646 : i32 to index
      %swap3A_648 = arith.constant 112 : index
      %swap3A_649 = tpu.vector_load %arg9[%swap3A_647, %swap3A_648] {strides = array<i32>} : memref<80x128xf32, #tpu.memory_space<vmem>>, vector<1x16xf32>,
      %swap3A_650 = vector.shape_cast %swap3A_649 : vector<1x16xf32> to vector<16xf32>
      %swap3A_651 = vector.shape_cast %max3A_642 : vector<16xf32> to vector<1x16xf32>
      tpu.vector_store %arg9[%swap3A_647, %swap3A_648], %swap3A_651 {strides = array<i32>} : memref<80x128xf32, #tpu.memory_space<vmem>>, vector<1x16xf32>,
    }
    %scan3A_104 = arith.constant 40 : i32
    %dma_start3A_105 = arith.constant 0 : i32
    %dma_start3A_106 = arith.constant 0 : i32
    %dma_start3A_107 = tpu.memref_slice %arg15[%dma_start3A_105, %dma_start3A_106] : memref<10240x128xf32, #tpu.memory_space<vmem_shared>> -> memref<10240x128xf32, #tpu.memory_space<vmem_shared>>
    tpu.enqueue_indirect_dma source(%arg9 : memref<80x128xf32, #tpu.memory_space<vmem>>) target(%dma_start3A_107 : memref<10240x128xf32, #tpu.memory_space<vmem_shared>>) offsets(%arg8 : memref<80xi32, #tpu.memory_space<vmem>>) semaphore(%arg18 : memref<!tpu.dma_semaphore, #tpu.memory_space<semaphore_mem>>) {add = true}
    %dma_wait3A_108 = arith.constant 0 : i32
    %dma_wait3A_109 = arith.constant 0 : i32
    %dma_wait3A_110 = tpu.memref_slice %arg2[%dma_wait3A_108, %dma_wait3A_109] : memref<10000x128xf32, #tpu.memory_space<hbm>> -> memref<10000x128xf32, #tpu.memory_space<hbm>>
    tpu.wait_indirect_dma semaphore(%arg20 : memref<!tpu.dma_semaphore, #tpu.memory_space<semaphore_mem>>) src(%dma_wait3A_110 : memref<10000x128xf32, #tpu.memory_space<hbm>>) dst(%arg13 : memref<80x128xf32, #tpu.memory_space<vmem>>)
    %scan3A_111 = arith.constant 0 : i32
    %scan3A_112 = arith.constant 0 : i32
    %scan3A_113 = arith.constant 40 : i32
    %scan3A_114 = arith.addi %scan3A_112, %scan3A_113 : i32
    %scan3A_115 = arith.constant 1 : i32
    scf.for %scan3A_190 = %scan3A_112 to %scan3A_114 step %scan3A_115  : i32 {
      %mul3A_191 = arith.constant 2 : i32
      %mul3A_192 = arith.muli %scan3A_190, %mul3A_191 : i32
      %add3A_193 = arith.constant 0 : i32
      %add3A_194 = arith.addi %mul3A_192, %add3A_193 : i32
      %get3A = arith.index_cast %add3A_194 : i32 to index
      %get3A_195 = arith.constant 0 : index
      %get3A_196 = tpu.vector_load %arg13[%get3A, %get3A_195] {strides = array<i32>} : memref<80x128xf32, #tpu.memory_space<vmem>>, vector<1x16xf32>,
      %get3A_197 = vector.shape_cast %get3A_196 : vector<1x16xf32> to vector<16xf32>
      %mul3A_198 = arith.constant 2 : i32
      %mul3A_199 = arith.muli %scan3A_190, %mul3A_198 : i32
      %add3A_200 = arith.constant 0 : i32
      %add3A_201 = arith.addi %mul3A_199, %add3A_200 : i32
      %get3A_202 = arith.index_cast %add3A_201 : i32 to index
      %get3A_203 = arith.constant 0 : index
      %get3A_204 = tpu.vector_load %arg14[%get3A_202, %get3A_203] {strides = array<i32>} : memref<80x128xf32, #tpu.memory_space<vmem>>, vector<1x16xf32>,
      %get3A_205 = vector.shape_cast %get3A_204 : vector<1x16xf32> to vector<16xf32>
      %add3A_206 = arith.addf %get3A_197, %get3A_205 : vector<16xf32>
      %max3A = arith.constant 0.000000e+00 : f32
      %max3A_207 = vector.broadcast %max3A : f32 to vector<16xf32>
      %max3A_208 = arith.maximumf %add3A_206, %max3A_207 : vector<16xf32>
      %mul3A_209 = arith.constant 2 : i32
      %mul3A_210 = arith.muli %scan3A_190, %mul3A_209 : i32
      %add3A_211 = arith.constant 0 : i32
      %add3A_212 = arith.addi %mul3A_210, %add3A_211 : i32
      %swap3A = arith.index_cast %add3A_212 : i32 to index
      %swap3A_213 = arith.constant 0 : index
      %swap3A_214 = tpu.vector_load %arg13[%swap3A, %swap3A_213] {strides = array<i32>} : memref<80x128xf32, #tpu.memory_space<vmem>>, vector<1x16xf32>,
      %swap3A_215 = vector.shape_cast %swap3A_214 : vector<1x16xf32> to vector<16xf32>
      %swap3A_216 = vector.shape_cast %max3A_208 : vector<16xf32> to vector<1x16xf32>
      tpu.vector_store %arg13[%swap3A, %swap3A_213], %swap3A_216 {strides = array<i32>} : memref<80x128xf32, #tpu.memory_space<vmem>>, vector<1x16xf32>,
      %mul3A_217 = arith.constant 2 : i32
      %mul3A_218 = arith.muli %scan3A_190, %mul3A_217 : i32
      %add3A_219 = arith.constant 0 : i32
      %add3A_220 = arith.addi %mul3A_218, %add3A_219 : i32
      %get3A_221 = arith.index_cast %add3A_220 : i32 to index
      %get3A_222 = arith.constant 16 : index
      %get3A_223 = tpu.vector_load %arg13[%get3A_221, %get3A_222] {strides = array<i32>} : memref<80x128xf32, #tpu.memory_space<vmem>>, vector<1x16xf32>,
      %get3A_224 = vector.shape_cast %get3A_223 : vector<1x16xf32> to vector<16xf32>
      %mul3A_225 = arith.constant 2 : i32
      %mul3A_226 = arith.muli %scan3A_190, %mul3A_225 : i32
      %add3A_227 = arith.constant 0 : i32
      %add3A_228 = arith.addi %mul3A_226, %add3A_227 : i32
      %get3A_229 = arith.index_cast %add3A_228 : i32 to index
      %get3A_230 = arith.constant 16 : index
      %get3A_231 = tpu.vector_load %arg14[%get3A_229, %get3A_230] {strides = array<i32>} : memref<80x128xf32, #tpu.memory_space<vmem>>, vector<1x16xf32>,
      %get3A_232 = vector.shape_cast %get3A_231 : vector<1x16xf32> to vector<16xf32>
      %add3A_233 = arith.addf %get3A_224, %get3A_232 : vector<16xf32>
      %max3A_234 = arith.constant 0.000000e+00 : f32
      %max3A_235 = vector.broadcast %max3A_234 : f32 to vector<16xf32>
      %max3A_236 = arith.maximumf %add3A_233, %max3A_235 : vector<16xf32>
      %mul3A_237 = arith.constant 2 : i32
      %mul3A_238 = arith.muli %scan3A_190, %mul3A_237 : i32
      %add3A_239 = arith.constant 0 : i32
      %add3A_240 = arith.addi %mul3A_238, %add3A_239 : i32
      %swap3A_241 = arith.index_cast %add3A_240 : i32 to index
      %swap3A_242 = arith.constant 16 : index
      %swap3A_243 = tpu.vector_load %arg13[%swap3A_241, %swap3A_242] {strides = array<i32>} : memref<80x128xf32, #tpu.memory_space<vmem>>, vector<1x16xf32>,
      %swap3A_244 = vector.shape_cast %swap3A_243 : vector<1x16xf32> to vector<16xf32>
      %swap3A_245 = vector.shape_cast %max3A_236 : vector<16xf32> to vector<1x16xf32>
      tpu.vector_store %arg13[%swap3A_241, %swap3A_242], %swap3A_245 {strides = array<i32>} : memref<80x128xf32, #tpu.memory_space<vmem>>, vector<1x16xf32>,
      %mul3A_246 = arith.constant 2 : i32
      %mul3A_247 = arith.muli %scan3A_190, %mul3A_246 : i32
      %add3A_248 = arith.constant 0 : i32
      %add3A_249 = arith.addi %mul3A_247, %add3A_248 : i32
      %get3A_250 = arith.index_cast %add3A_249 : i32 to index
      %get3A_251 = arith.constant 32 : index
      %get3A_252 = tpu.vector_load %arg13[%get3A_250, %get3A_251] {strides = array<i32>} : memref<80x128xf32, #tpu.memory_space<vmem>>, vector<1x16xf32>,
      %get3A_253 = vector.shape_cast %get3A_252 : vector<1x16xf32> to vector<16xf32>
      %mul3A_254 = arith.constant 2 : i32
      %mul3A_255 = arith.muli %scan3A_190, %mul3A_254 : i32
      %add3A_256 = arith.constant 0 : i32
      %add3A_257 = arith.addi %mul3A_255, %add3A_256 : i32
      %get3A_258 = arith.index_cast %add3A_257 : i32 to index
      %get3A_259 = arith.constant 32 : index
      %get3A_260 = tpu.vector_load %arg14[%get3A_258, %get3A_259] {strides = array<i32>} : memref<80x128xf32, #tpu.memory_space<vmem>>, vector<1x16xf32>,
      %get3A_261 = vector.shape_cast %get3A_260 : vector<1x16xf32> to vector<16xf32>
      %add3A_262 = arith.addf %get3A_253, %get3A_261 : vector<16xf32>
      %max3A_263 = arith.constant 0.000000e+00 : f32
      %max3A_264 = vector.broadcast %max3A_263 : f32 to vector<16xf32>
      %max3A_265 = arith.maximumf %add3A_262, %max3A_264 : vector<16xf32>
      %mul3A_266 = arith.constant 2 : i32
      %mul3A_267 = arith.muli %scan3A_190, %mul3A_266 : i32
      %add3A_268 = arith.constant 0 : i32
      %add3A_269 = arith.addi %mul3A_267, %add3A_268 : i32
      %swap3A_270 = arith.index_cast %add3A_269 : i32 to index
      %swap3A_271 = arith.constant 32 : index
      %swap3A_272 = tpu.vector_load %arg13[%swap3A_270, %swap3A_271] {strides = array<i32>} : memref<80x128xf32, #tpu.memory_space<vmem>>, vector<1x16xf32>,
      %swap3A_273 = vector.shape_cast %swap3A_272 : vector<1x16xf32> to vector<16xf32>
      %swap3A_274 = vector.shape_cast %max3A_265 : vector<16xf32> to vector<1x16xf32>
      tpu.vector_store %arg13[%swap3A_270, %swap3A_271], %swap3A_274 {strides = array<i32>} : memref<80x128xf32, #tpu.memory_space<vmem>>, vector<1x16xf32>,
      %mul3A_275 = arith.constant 2 : i32
      %mul3A_276 = arith.muli %scan3A_190, %mul3A_275 : i32
      %add3A_277 = arith.constant 0 : i32
      %add3A_278 = arith.addi %mul3A_276, %add3A_277 : i32
      %get3A_279 = arith.index_cast %add3A_278 : i32 to index
      %get3A_280 = arith.constant 48 : index
      %get3A_281 = tpu.vector_load %arg13[%get3A_279, %get3A_280] {strides = array<i32>} : memref<80x128xf32, #tpu.memory_space<vmem>>, vector<1x16xf32>,
      %get3A_282 = vector.shape_cast %get3A_281 : vector<1x16xf32> to vector<16xf32>
      %mul3A_283 = arith.constant 2 : i32
      %mul3A_284 = arith.muli %scan3A_190, %mul3A_283 : i32
      %add3A_285 = arith.constant 0 : i32
      %add3A_286 = arith.addi %mul3A_284, %add3A_285 : i32
      %get3A_287 = arith.index_cast %add3A_286 : i32 to index
      %get3A_288 = arith.constant 48 : index
      %get3A_289 = tpu.vector_load %arg14[%get3A_287, %get3A_288] {strides = array<i32>} : memref<80x128xf32, #tpu.memory_space<vmem>>, vector<1x16xf32>,
      %get3A_290 = vector.shape_cast %get3A_289 : vector<1x16xf32> to vector<16xf32>
      %add3A_291 = arith.addf %get3A_282, %get3A_290 : vector<16xf32>
      %max3A_292 = arith.constant 0.000000e+00 : f32
      %max3A_293 = vector.broadcast %max3A_292 : f32 to vector<16xf32>
      %max3A_294 = arith.maximumf %add3A_291, %max3A_293 : vector<16xf32>
      %mul3A_295 = arith.constant 2 : i32
      %mul3A_296 = arith.muli %scan3A_190, %mul3A_295 : i32
      %add3A_297 = arith.constant 0 : i32
      %add3A_298 = arith.addi %mul3A_296, %add3A_297 : i32
      %swap3A_299 = arith.index_cast %add3A_298 : i32 to index
      %swap3A_300 = arith.constant 48 : index
      %swap3A_301 = tpu.vector_load %arg13[%swap3A_299, %swap3A_300] {strides = array<i32>} : memref<80x128xf32, #tpu.memory_space<vmem>>, vector<1x16xf32>,
      %swap3A_302 = vector.shape_cast %swap3A_301 : vector<1x16xf32> to vector<16xf32>
      %swap3A_303 = vector.shape_cast %max3A_294 : vector<16xf32> to vector<1x16xf32>
      tpu.vector_store %arg13[%swap3A_299, %swap3A_300], %swap3A_303 {strides = array<i32>} : memref<80x128xf32, #tpu.memory_space<vmem>>, vector<1x16xf32>,
      %mul3A_304 = arith.constant 2 : i32
      %mul3A_305 = arith.muli %scan3A_190, %mul3A_304 : i32
      %add3A_306 = arith.constant 0 : i32
      %add3A_307 = arith.addi %mul3A_305, %add3A_306 : i32
      %get3A_308 = arith.index_cast %add3A_307 : i32 to index
      %get3A_309 = arith.constant 64 : index
      %get3A_310 = tpu.vector_load %arg13[%get3A_308, %get3A_309] {strides = array<i32>} : memref<80x128xf32, #tpu.memory_space<vmem>>, vector<1x16xf32>,
      %get3A_311 = vector.shape_cast %get3A_310 : vector<1x16xf32> to vector<16xf32>
      %mul3A_312 = arith.constant 2 : i32
      %mul3A_313 = arith.muli %scan3A_190, %mul3A_312 : i32
      %add3A_314 = arith.constant 0 : i32
      %add3A_315 = arith.addi %mul3A_313, %add3A_314 : i32
      %get3A_316 = arith.index_cast %add3A_315 : i32 to index
      %get3A_317 = arith.constant 64 : index
      %get3A_318 = tpu.vector_load %arg14[%get3A_316, %get3A_317] {strides = array<i32>} : memref<80x128xf32, #tpu.memory_space<vmem>>, vector<1x16xf32>,
      %get3A_319 = vector.shape_cast %get3A_318 : vector<1x16xf32> to vector<16xf32>
      %add3A_320 = arith.addf %get3A_311, %get3A_319 : vector<16xf32>
      %max3A_321 = arith.constant 0.000000e+00 : f32
      %max3A_322 = vector.broadcast %max3A_321 : f32 to vector<16xf32>
      %max3A_323 = arith.maximumf %add3A_320, %max3A_322 : vector<16xf32>
      %mul3A_324 = arith.constant 2 : i32
      %mul3A_325 = arith.muli %scan3A_190, %mul3A_324 : i32
      %add3A_326 = arith.constant 0 : i32
      %add3A_327 = arith.addi %mul3A_325, %add3A_326 : i32
      %swap3A_328 = arith.index_cast %add3A_327 : i32 to index
      %swap3A_329 = arith.constant 64 : index
      %swap3A_330 = tpu.vector_load %arg13[%swap3A_328, %swap3A_329] {strides = array<i32>} : memref<80x128xf32, #tpu.memory_space<vmem>>, vector<1x16xf32>,
      %swap3A_331 = vector.shape_cast %swap3A_330 : vector<1x16xf32> to vector<16xf32>
      %swap3A_332 = vector.shape_cast %max3A_323 : vector<16xf32> to vector<1x16xf32>
      tpu.vector_store %arg13[%swap3A_328, %swap3A_329], %swap3A_332 {strides = array<i32>} : memref<80x128xf32, #tpu.memory_space<vmem>>, vector<1x16xf32>,
      %mul3A_333 = arith.constant 2 : i32
      %mul3A_334 = arith.muli %scan3A_190, %mul3A_333 : i32
      %add3A_335 = arith.constant 0 : i32
      %add3A_336 = arith.addi %mul3A_334, %add3A_335 : i32
      %get3A_337 = arith.index_cast %add3A_336 : i32 to index
      %get3A_338 = arith.constant 80 : index
      %get3A_339 = tpu.vector_load %arg13[%get3A_337, %get3A_338] {strides = array<i32>} : memref<80x128xf32, #tpu.memory_space<vmem>>, vector<1x16xf32>,
      %get3A_340 = vector.shape_cast %get3A_339 : vector<1x16xf32> to vector<16xf32>
      %mul3A_341 = arith.constant 2 : i32
      %mul3A_342 = arith.muli %scan3A_190, %mul3A_341 : i32
      %add3A_343 = arith.constant 0 : i32
      %add3A_344 = arith.addi %mul3A_342, %add3A_343 : i32
      %get3A_345 = arith.index_cast %add3A_344 : i32 to index
      %get3A_346 = arith.constant 80 : index
      %get3A_347 = tpu.vector_load %arg14[%get3A_345, %get3A_346] {strides = array<i32>} : memref<80x128xf32, #tpu.memory_space<vmem>>, vector<1x16xf32>,
      %get3A_348 = vector.shape_cast %get3A_347 : vector<1x16xf32> to vector<16xf32>
      %add3A_349 = arith.addf %get3A_340, %get3A_348 : vector<16xf32>
      %max3A_350 = arith.constant 0.000000e+00 : f32
      %max3A_351 = vector.broadcast %max3A_350 : f32 to vector<16xf32>
      %max3A_352 = arith.maximumf %add3A_349, %max3A_351 : vector<16xf32>
      %mul3A_353 = arith.constant 2 : i32
      %mul3A_354 = arith.muli %scan3A_190, %mul3A_353 : i32
      %add3A_355 = arith.constant 0 : i32
      %add3A_356 = arith.addi %mul3A_354, %add3A_355 : i32
      %swap3A_357 = arith.index_cast %add3A_356 : i32 to index
      %swap3A_358 = arith.constant 80 : index
      %swap3A_359 = tpu.vector_load %arg13[%swap3A_357, %swap3A_358] {strides = array<i32>} : memref<80x128xf32, #tpu.memory_space<vmem>>, vector<1x16xf32>,
      %swap3A_360 = vector.shape_cast %swap3A_359 : vector<1x16xf32> to vector<16xf32>
      %swap3A_361 = vector.shape_cast %max3A_352 : vector<16xf32> to vector<1x16xf32>
      tpu.vector_store %arg13[%swap3A_357, %swap3A_358], %swap3A_361 {strides = array<i32>} : memref<80x128xf32, #tpu.memory_space<vmem>>, vector<1x16xf32>,
      %mul3A_362 = arith.constant 2 : i32
      %mul3A_363 = arith.muli %scan3A_190, %mul3A_362 : i32
      %add3A_364 = arith.constant 0 : i32
      %add3A_365 = arith.addi %mul3A_363, %add3A_364 : i32
      %get3A_366 = arith.index_cast %add3A_365 : i32 to index
      %get3A_367 = arith.constant 96 : index
      %get3A_368 = tpu.vector_load %arg13[%get3A_366, %get3A_367] {strides = array<i32>} : memref<80x128xf32, #tpu.memory_space<vmem>>, vector<1x16xf32>,
      %get3A_369 = vector.shape_cast %get3A_368 : vector<1x16xf32> to vector<16xf32>
      %mul3A_370 = arith.constant 2 : i32
      %mul3A_371 = arith.muli %scan3A_190, %mul3A_370 : i32
      %add3A_372 = arith.constant 0 : i32
      %add3A_373 = arith.addi %mul3A_371, %add3A_372 : i32
      %get3A_374 = arith.index_cast %add3A_373 : i32 to index
      %get3A_375 = arith.constant 96 : index
      %get3A_376 = tpu.vector_load %arg14[%get3A_374, %get3A_375] {strides = array<i32>} : memref<80x128xf32, #tpu.memory_space<vmem>>, vector<1x16xf32>,
      %get3A_377 = vector.shape_cast %get3A_376 : vector<1x16xf32> to vector<16xf32>
      %add3A_378 = arith.addf %get3A_369, %get3A_377 : vector<16xf32>
      %max3A_379 = arith.constant 0.000000e+00 : f32
      %max3A_380 = vector.broadcast %max3A_379 : f32 to vector<16xf32>
      %max3A_381 = arith.maximumf %add3A_378, %max3A_380 : vector<16xf32>
      %mul3A_382 = arith.constant 2 : i32
      %mul3A_383 = arith.muli %scan3A_190, %mul3A_382 : i32
      %add3A_384 = arith.constant 0 : i32
      %add3A_385 = arith.addi %mul3A_383, %add3A_384 : i32
      %swap3A_386 = arith.index_cast %add3A_385 : i32 to index
      %swap3A_387 = arith.constant 96 : index
      %swap3A_388 = tpu.vector_load %arg13[%swap3A_386, %swap3A_387] {strides = array<i32>} : memref<80x128xf32, #tpu.memory_space<vmem>>, vector<1x16xf32>,
      %swap3A_389 = vector.shape_cast %swap3A_388 : vector<1x16xf32> to vector<16xf32>
      %swap3A_390 = vector.shape_cast %max3A_381 : vector<16xf32> to vector<1x16xf32>
      tpu.vector_store %arg13[%swap3A_386, %swap3A_387], %swap3A_390 {strides = array<i32>} : memref<80x128xf32, #tpu.memory_space<vmem>>, vector<1x16xf32>,
      %mul3A_391 = arith.constant 2 : i32
      %mul3A_392 = arith.muli %scan3A_190, %mul3A_391 : i32
      %add3A_393 = arith.constant 0 : i32
      %add3A_394 = arith.addi %mul3A_392, %add3A_393 : i32
      %get3A_395 = arith.index_cast %add3A_394 : i32 to index
      %get3A_396 = arith.constant 112 : index
      %get3A_397 = tpu.vector_load %arg13[%get3A_395, %get3A_396] {strides = array<i32>} : memref<80x128xf32, #tpu.memory_space<vmem>>, vector<1x16xf32>,
      %get3A_398 = vector.shape_cast %get3A_397 : vector<1x16xf32> to vector<16xf32>
      %mul3A_399 = arith.constant 2 : i32
      %mul3A_400 = arith.muli %scan3A_190, %mul3A_399 : i32
      %add3A_401 = arith.constant 0 : i32
      %add3A_402 = arith.addi %mul3A_400, %add3A_401 : i32
      %get3A_403 = arith.index_cast %add3A_402 : i32 to index
      %get3A_404 = arith.constant 112 : index
      %get3A_405 = tpu.vector_load %arg14[%get3A_403, %get3A_404] {strides = array<i32>} : memref<80x128xf32, #tpu.memory_space<vmem>>, vector<1x16xf32>,
      %get3A_406 = vector.shape_cast %get3A_405 : vector<1x16xf32> to vector<16xf32>
      %add3A_407 = arith.addf %get3A_398, %get3A_406 : vector<16xf32>
      %max3A_408 = arith.constant 0.000000e+00 : f32
      %max3A_409 = vector.broadcast %max3A_408 : f32 to vector<16xf32>
      %max3A_410 = arith.maximumf %add3A_407, %max3A_409 : vector<16xf32>
      %mul3A_411 = arith.constant 2 : i32
      %mul3A_412 = arith.muli %scan3A_190, %mul3A_411 : i32
      %add3A_413 = arith.constant 0 : i32
      %add3A_414 = arith.addi %mul3A_412, %add3A_413 : i32
      %swap3A_415 = arith.index_cast %add3A_414 : i32 to index
      %swap3A_416 = arith.constant 112 : index
      %swap3A_417 = tpu.vector_load %arg13[%swap3A_415, %swap3A_416] {strides = array<i32>} : memref<80x128xf32, #tpu.memory_space<vmem>>, vector<1x16xf32>,
      %swap3A_418 = vector.shape_cast %swap3A_417 : vector<1x16xf32> to vector<16xf32>
      %swap3A_419 = vector.shape_cast %max3A_410 : vector<16xf32> to vector<1x16xf32>
      tpu.vector_store %arg13[%swap3A_415, %swap3A_416], %swap3A_419 {strides = array<i32>} : memref<80x128xf32, #tpu.memory_space<vmem>>, vector<1x16xf32>,
      %mul3A_420 = arith.constant 2 : i32
      %mul3A_421 = arith.muli %scan3A_190, %mul3A_420 : i32
      %add3A_422 = arith.constant 1 : i32
      %add3A_423 = arith.addi %mul3A_421, %add3A_422 : i32
      %get3A_424 = arith.index_cast %add3A_423 : i32 to index
      %get3A_425 = arith.constant 0 : index
      %get3A_426 = tpu.vector_load %arg13[%get3A_424, %get3A_425] {strides = array<i32>} : memref<80x128xf32, #tpu.memory_space<vmem>>, vector<1x16xf32>,
      %get3A_427 = vector.shape_cast %get3A_426 : vector<1x16xf32> to vector<16xf32>
      %mul3A_428 = arith.constant 2 : i32
      %mul3A_429 = arith.muli %scan3A_190, %mul3A_428 : i32
      %add3A_430 = arith.constant 1 : i32
      %add3A_431 = arith.addi %mul3A_429, %add3A_430 : i32
      %get3A_432 = arith.index_cast %add3A_431 : i32 to index
      %get3A_433 = arith.constant 0 : index
      %get3A_434 = tpu.vector_load %arg14[%get3A_432, %get3A_433] {strides = array<i32>} : memref<80x128xf32, #tpu.memory_space<vmem>>, vector<1x16xf32>,
      %get3A_435 = vector.shape_cast %get3A_434 : vector<1x16xf32> to vector<16xf32>
      %add3A_436 = arith.addf %get3A_427, %get3A_435 : vector<16xf32>
      %max3A_437 = arith.constant 0.000000e+00 : f32
      %max3A_438 = vector.broadcast %max3A_437 : f32 to vector<16xf32>
      %max3A_439 = arith.maximumf %add3A_436, %max3A_438 : vector<16xf32>
      %mul3A_440 = arith.constant 2 : i32
      %mul3A_441 = arith.muli %scan3A_190, %mul3A_440 : i32
      %add3A_442 = arith.constant 1 : i32
      %add3A_443 = arith.addi %mul3A_441, %add3A_442 : i32
      %swap3A_444 = arith.index_cast %add3A_443 : i32 to index
      %swap3A_445 = arith.constant 0 : index
      %swap3A_446 = tpu.vector_load %arg13[%swap3A_444, %swap3A_445] {strides = array<i32>} : memref<80x128xf32, #tpu.memory_space<vmem>>, vector<1x16xf32>,
      %swap3A_447 = vector.shape_cast %swap3A_446 : vector<1x16xf32> to vector<16xf32>
      %swap3A_448 = vector.shape_cast %max3A_439 : vector<16xf32> to vector<1x16xf32>
      tpu.vector_store %arg13[%swap3A_444, %swap3A_445], %swap3A_448 {strides = array<i32>} : memref<80x128xf32, #tpu.memory_space<vmem>>, vector<1x16xf32>,
      %mul3A_449 = arith.constant 2 : i32
      %mul3A_450 = arith.muli %scan3A_190, %mul3A_449 : i32
      %add3A_451 = arith.constant 1 : i32
      %add3A_452 = arith.addi %mul3A_450, %add3A_451 : i32
      %get3A_453 = arith.index_cast %add3A_452 : i32 to index
      %get3A_454 = arith.constant 16 : index
      %get3A_455 = tpu.vector_load %arg13[%get3A_453, %get3A_454] {strides = array<i32>} : memref<80x128xf32, #tpu.memory_space<vmem>>, vector<1x16xf32>,
      %get3A_456 = vector.shape_cast %get3A_455 : vector<1x16xf32> to vector<16xf32>
      %mul3A_457 = arith.constant 2 : i32
      %mul3A_458 = arith.muli %scan3A_190, %mul3A_457 : i32
      %add3A_459 = arith.constant 1 : i32
      %add3A_460 = arith.addi %mul3A_458, %add3A_459 : i32
      %get3A_461 = arith.index_cast %add3A_460 : i32 to index
      %get3A_462 = arith.constant 16 : index
      %get3A_463 = tpu.vector_load %arg14[%get3A_461, %get3A_462] {strides = array<i32>} : memref<80x128xf32, #tpu.memory_space<vmem>>, vector<1x16xf32>,
      %get3A_464 = vector.shape_cast %get3A_463 : vector<1x16xf32> to vector<16xf32>
      %add3A_465 = arith.addf %get3A_456, %get3A_464 : vector<16xf32>
      %max3A_466 = arith.constant 0.000000e+00 : f32
      %max3A_467 = vector.broadcast %max3A_466 : f32 to vector<16xf32>
      %max3A_468 = arith.maximumf %add3A_465, %max3A_467 : vector<16xf32>
      %mul3A_469 = arith.constant 2 : i32
      %mul3A_470 = arith.muli %scan3A_190, %mul3A_469 : i32
      %add3A_471 = arith.constant 1 : i32
      %add3A_472 = arith.addi %mul3A_470, %add3A_471 : i32
      %swap3A_473 = arith.index_cast %add3A_472 : i32 to index
      %swap3A_474 = arith.constant 16 : index
      %swap3A_475 = tpu.vector_load %arg13[%swap3A_473, %swap3A_474] {strides = array<i32>} : memref<80x128xf32, #tpu.memory_space<vmem>>, vector<1x16xf32>,
      %swap3A_476 = vector.shape_cast %swap3A_475 : vector<1x16xf32> to vector<16xf32>
      %swap3A_477 = vector.shape_cast %max3A_468 : vector<16xf32> to vector<1x16xf32>
      tpu.vector_store %arg13[%swap3A_473, %swap3A_474], %swap3A_477 {strides = array<i32>} : memref<80x128xf32, #tpu.memory_space<vmem>>, vector<1x16xf32>,
      %mul3A_478 = arith.constant 2 : i32
      %mul3A_479 = arith.muli %scan3A_190, %mul3A_478 : i32
      %add3A_480 = arith.constant 1 : i32
      %add3A_481 = arith.addi %mul3A_479, %add3A_480 : i32
      %get3A_482 = arith.index_cast %add3A_481 : i32 to index
      %get3A_483 = arith.constant 32 : index
      %get3A_484 = tpu.vector_load %arg13[%get3A_482, %get3A_483] {strides = array<i32>} : memref<80x128xf32, #tpu.memory_space<vmem>>, vector<1x16xf32>,
      %get3A_485 = vector.shape_cast %get3A_484 : vector<1x16xf32> to vector<16xf32>
      %mul3A_486 = arith.constant 2 : i32
      %mul3A_487 = arith.muli %scan3A_190, %mul3A_486 : i32
      %add3A_488 = arith.constant 1 : i32
      %add3A_489 = arith.addi %mul3A_487, %add3A_488 : i32
      %get3A_490 = arith.index_cast %add3A_489 : i32 to index
      %get3A_491 = arith.constant 32 : index
      %get3A_492 = tpu.vector_load %arg14[%get3A_490, %get3A_491] {strides = array<i32>} : memref<80x128xf32, #tpu.memory_space<vmem>>, vector<1x16xf32>,
      %get3A_493 = vector.shape_cast %get3A_492 : vector<1x16xf32> to vector<16xf32>
      %add3A_494 = arith.addf %get3A_485, %get3A_493 : vector<16xf32>
      %max3A_495 = arith.constant 0.000000e+00 : f32
      %max3A_496 = vector.broadcast %max3A_495 : f32 to vector<16xf32>
      %max3A_497 = arith.maximumf %add3A_494, %max3A_496 : vector<16xf32>
      %mul3A_498 = arith.constant 2 : i32
      %mul3A_499 = arith.muli %scan3A_190, %mul3A_498 : i32
      %add3A_500 = arith.constant 1 : i32
      %add3A_501 = arith.addi %mul3A_499, %add3A_500 : i32
      %swap3A_502 = arith.index_cast %add3A_501 : i32 to index
      %swap3A_503 = arith.constant 32 : index
      %swap3A_504 = tpu.vector_load %arg13[%swap3A_502, %swap3A_503] {strides = array<i32>} : memref<80x128xf32, #tpu.memory_space<vmem>>, vector<1x16xf32>,
      %swap3A_505 = vector.shape_cast %swap3A_504 : vector<1x16xf32> to vector<16xf32>
      %swap3A_506 = vector.shape_cast %max3A_497 : vector<16xf32> to vector<1x16xf32>
      tpu.vector_store %arg13[%swap3A_502, %swap3A_503], %swap3A_506 {strides = array<i32>} : memref<80x128xf32, #tpu.memory_space<vmem>>, vector<1x16xf32>,
      %mul3A_507 = arith.constant 2 : i32
      %mul3A_508 = arith.muli %scan3A_190, %mul3A_507 : i32
      %add3A_509 = arith.constant 1 : i32
      %add3A_510 = arith.addi %mul3A_508, %add3A_509 : i32
      %get3A_511 = arith.index_cast %add3A_510 : i32 to index
      %get3A_512 = arith.constant 48 : index
      %get3A_513 = tpu.vector_load %arg13[%get3A_511, %get3A_512] {strides = array<i32>} : memref<80x128xf32, #tpu.memory_space<vmem>>, vector<1x16xf32>,
      %get3A_514 = vector.shape_cast %get3A_513 : vector<1x16xf32> to vector<16xf32>
      %mul3A_515 = arith.constant 2 : i32
      %mul3A_516 = arith.muli %scan3A_190, %mul3A_515 : i32
      %add3A_517 = arith.constant 1 : i32
      %add3A_518 = arith.addi %mul3A_516, %add3A_517 : i32
      %get3A_519 = arith.index_cast %add3A_518 : i32 to index
      %get3A_520 = arith.constant 48 : index
      %get3A_521 = tpu.vector_load %arg14[%get3A_519, %get3A_520] {strides = array<i32>} : memref<80x128xf32, #tpu.memory_space<vmem>>, vector<1x16xf32>,
      %get3A_522 = vector.shape_cast %get3A_521 : vector<1x16xf32> to vector<16xf32>
      %add3A_523 = arith.addf %get3A_514, %get3A_522 : vector<16xf32>
      %max3A_524 = arith.constant 0.000000e+00 : f32
      %max3A_525 = vector.broadcast %max3A_524 : f32 to vector<16xf32>
      %max3A_526 = arith.maximumf %add3A_523, %max3A_525 : vector<16xf32>
      %mul3A_527 = arith.constant 2 : i32
      %mul3A_528 = arith.muli %scan3A_190, %mul3A_527 : i32
      %add3A_529 = arith.constant 1 : i32
      %add3A_530 = arith.addi %mul3A_528, %add3A_529 : i32
      %swap3A_531 = arith.index_cast %add3A_530 : i32 to index
      %swap3A_532 = arith.constant 48 : index
      %swap3A_533 = tpu.vector_load %arg13[%swap3A_531, %swap3A_532] {strides = array<i32>} : memref<80x128xf32, #tpu.memory_space<vmem>>, vector<1x16xf32>,
      %swap3A_534 = vector.shape_cast %swap3A_533 : vector<1x16xf32> to vector<16xf32>
      %swap3A_535 = vector.shape_cast %max3A_526 : vector<16xf32> to vector<1x16xf32>
      tpu.vector_store %arg13[%swap3A_531, %swap3A_532], %swap3A_535 {strides = array<i32>} : memref<80x128xf32, #tpu.memory_space<vmem>>, vector<1x16xf32>,
      %mul3A_536 = arith.constant 2 : i32
      %mul3A_537 = arith.muli %scan3A_190, %mul3A_536 : i32
      %add3A_538 = arith.constant 1 : i32
      %add3A_539 = arith.addi %mul3A_537, %add3A_538 : i32
      %get3A_540 = arith.index_cast %add3A_539 : i32 to index
      %get3A_541 = arith.constant 64 : index
      %get3A_542 = tpu.vector_load %arg13[%get3A_540, %get3A_541] {strides = array<i32>} : memref<80x128xf32, #tpu.memory_space<vmem>>, vector<1x16xf32>,
      %get3A_543 = vector.shape_cast %get3A_542 : vector<1x16xf32> to vector<16xf32>
      %mul3A_544 = arith.constant 2 : i32
      %mul3A_545 = arith.muli %scan3A_190, %mul3A_544 : i32
      %add3A_546 = arith.constant 1 : i32
      %add3A_547 = arith.addi %mul3A_545, %add3A_546 : i32
      %get3A_548 = arith.index_cast %add3A_547 : i32 to index
      %get3A_549 = arith.constant 64 : index
      %get3A_550 = tpu.vector_load %arg14[%get3A_548, %get3A_549] {strides = array<i32>} : memref<80x128xf32, #tpu.memory_space<vmem>>, vector<1x16xf32>,
      %get3A_551 = vector.shape_cast %get3A_550 : vector<1x16xf32> to vector<16xf32>
      %add3A_552 = arith.addf %get3A_543, %get3A_551 : vector<16xf32>
      %max3A_553 = arith.constant 0.000000e+00 : f32
      %max3A_554 = vector.broadcast %max3A_553 : f32 to vector<16xf32>
      %max3A_555 = arith.maximumf %add3A_552, %max3A_554 : vector<16xf32>
      %mul3A_556 = arith.constant 2 : i32
      %mul3A_557 = arith.muli %scan3A_190, %mul3A_556 : i32
      %add3A_558 = arith.constant 1 : i32
      %add3A_559 = arith.addi %mul3A_557, %add3A_558 : i32
      %swap3A_560 = arith.index_cast %add3A_559 : i32 to index
      %swap3A_561 = arith.constant 64 : index
      %swap3A_562 = tpu.vector_load %arg13[%swap3A_560, %swap3A_561] {strides = array<i32>} : memref<80x128xf32, #tpu.memory_space<vmem>>, vector<1x16xf32>,
      %swap3A_563 = vector.shape_cast %swap3A_562 : vector<1x16xf32> to vector<16xf32>
      %swap3A_564 = vector.shape_cast %max3A_555 : vector<16xf32> to vector<1x16xf32>
      tpu.vector_store %arg13[%swap3A_560, %swap3A_561], %swap3A_564 {strides = array<i32>} : memref<80x128xf32, #tpu.memory_space<vmem>>, vector<1x16xf32>,
      %mul3A_565 = arith.constant 2 : i32
      %mul3A_566 = arith.muli %scan3A_190, %mul3A_565 : i32
      %add3A_567 = arith.constant 1 : i32
      %add3A_568 = arith.addi %mul3A_566, %add3A_567 : i32
      %get3A_569 = arith.index_cast %add3A_568 : i32 to index
      %get3A_570 = arith.constant 80 : index
      %get3A_571 = tpu.vector_load %arg13[%get3A_569, %get3A_570] {strides = array<i32>} : memref<80x128xf32, #tpu.memory_space<vmem>>, vector<1x16xf32>,
      %get3A_572 = vector.shape_cast %get3A_571 : vector<1x16xf32> to vector<16xf32>
      %mul3A_573 = arith.constant 2 : i32
      %mul3A_574 = arith.muli %scan3A_190, %mul3A_573 : i32
      %add3A_575 = arith.constant 1 : i32
      %add3A_576 = arith.addi %mul3A_574, %add3A_575 : i32
      %get3A_577 = arith.index_cast %add3A_576 : i32 to index
      %get3A_578 = arith.constant 80 : index
      %get3A_579 = tpu.vector_load %arg14[%get3A_577, %get3A_578] {strides = array<i32>} : memref<80x128xf32, #tpu.memory_space<vmem>>, vector<1x16xf32>,
      %get3A_580 = vector.shape_cast %get3A_579 : vector<1x16xf32> to vector<16xf32>
      %add3A_581 = arith.addf %get3A_572, %get3A_580 : vector<16xf32>
      %max3A_582 = arith.constant 0.000000e+00 : f32
      %max3A_583 = vector.broadcast %max3A_582 : f32 to vector<16xf32>
      %max3A_584 = arith.maximumf %add3A_581, %max3A_583 : vector<16xf32>
      %mul3A_585 = arith.constant 2 : i32
      %mul3A_586 = arith.muli %scan3A_190, %mul3A_585 : i32
      %add3A_587 = arith.constant 1 : i32
      %add3A_588 = arith.addi %mul3A_586, %add3A_587 : i32
      %swap3A_589 = arith.index_cast %add3A_588 : i32 to index
      %swap3A_590 = arith.constant 80 : index
      %swap3A_591 = tpu.vector_load %arg13[%swap3A_589, %swap3A_590] {strides = array<i32>} : memref<80x128xf32, #tpu.memory_space<vmem>>, vector<1x16xf32>,
      %swap3A_592 = vector.shape_cast %swap3A_591 : vector<1x16xf32> to vector<16xf32>
      %swap3A_593 = vector.shape_cast %max3A_584 : vector<16xf32> to vector<1x16xf32>
      tpu.vector_store %arg13[%swap3A_589, %swap3A_590], %swap3A_593 {strides = array<i32>} : memref<80x128xf32, #tpu.memory_space<vmem>>, vector<1x16xf32>,
      %mul3A_594 = arith.constant 2 : i32
      %mul3A_595 = arith.muli %scan3A_190, %mul3A_594 : i32
      %add3A_596 = arith.constant 1 : i32
      %add3A_597 = arith.addi %mul3A_595, %add3A_596 : i32
      %get3A_598 = arith.index_cast %add3A_597 : i32 to index
      %get3A_599 = arith.constant 96 : index
      %get3A_600 = tpu.vector_load %arg13[%get3A_598, %get3A_599] {strides = array<i32>} : memref<80x128xf32, #tpu.memory_space<vmem>>, vector<1x16xf32>,
      %get3A_601 = vector.shape_cast %get3A_600 : vector<1x16xf32> to vector<16xf32>
      %mul3A_602 = arith.constant 2 : i32
      %mul3A_603 = arith.muli %scan3A_190, %mul3A_602 : i32
      %add3A_604 = arith.constant 1 : i32
      %add3A_605 = arith.addi %mul3A_603, %add3A_604 : i32
      %get3A_606 = arith.index_cast %add3A_605 : i32 to index
      %get3A_607 = arith.constant 96 : index
      %get3A_608 = tpu.vector_load %arg14[%get3A_606, %get3A_607] {strides = array<i32>} : memref<80x128xf32, #tpu.memory_space<vmem>>, vector<1x16xf32>,
      %get3A_609 = vector.shape_cast %get3A_608 : vector<1x16xf32> to vector<16xf32>
      %add3A_610 = arith.addf %get3A_601, %get3A_609 : vector<16xf32>
      %max3A_611 = arith.constant 0.000000e+00 : f32
      %max3A_612 = vector.broadcast %max3A_611 : f32 to vector<16xf32>
      %max3A_613 = arith.maximumf %add3A_610, %max3A_612 : vector<16xf32>
      %mul3A_614 = arith.constant 2 : i32
      %mul3A_615 = arith.muli %scan3A_190, %mul3A_614 : i32
      %add3A_616 = arith.constant 1 : i32
      %add3A_617 = arith.addi %mul3A_615, %add3A_616 : i32
      %swap3A_618 = arith.index_cast %add3A_617 : i32 to index
      %swap3A_619 = arith.constant 96 : index
      %swap3A_620 = tpu.vector_load %arg13[%swap3A_618, %swap3A_619] {strides = array<i32>} : memref<80x128xf32, #tpu.memory_space<vmem>>, vector<1x16xf32>,
      %swap3A_621 = vector.shape_cast %swap3A_620 : vector<1x16xf32> to vector<16xf32>
      %swap3A_622 = vector.shape_cast %max3A_613 : vector<16xf32> to vector<1x16xf32>
      tpu.vector_store %arg13[%swap3A_618, %swap3A_619], %swap3A_622 {strides = array<i32>} : memref<80x128xf32, #tpu.memory_space<vmem>>, vector<1x16xf32>,
      %mul3A_623 = arith.constant 2 : i32
      %mul3A_624 = arith.muli %scan3A_190, %mul3A_623 : i32
      %add3A_625 = arith.constant 1 : i32
      %add3A_626 = arith.addi %mul3A_624, %add3A_625 : i32
      %get3A_627 = arith.index_cast %add3A_626 : i32 to index
      %get3A_628 = arith.constant 112 : index
      %get3A_629 = tpu.vector_load %arg13[%get3A_627, %get3A_628] {strides = array<i32>} : memref<80x128xf32, #tpu.memory_space<vmem>>, vector<1x16xf32>,
      %get3A_630 = vector.shape_cast %get3A_629 : vector<1x16xf32> to vector<16xf32>
      %mul3A_631 = arith.constant 2 : i32
      %mul3A_632 = arith.muli %scan3A_190, %mul3A_631 : i32
      %add3A_633 = arith.constant 1 : i32
      %add3A_634 = arith.addi %mul3A_632, %add3A_633 : i32
      %get3A_635 = arith.index_cast %add3A_634 : i32 to index
      %get3A_636 = arith.constant 112 : index
      %get3A_637 = tpu.vector_load %arg14[%get3A_635, %get3A_636] {strides = array<i32>} : memref<80x128xf32, #tpu.memory_space<vmem>>, vector<1x16xf32>,
      %get3A_638 = vector.shape_cast %get3A_637 : vector<1x16xf32> to vector<16xf32>
      %add3A_639 = arith.addf %get3A_630, %get3A_638 : vector<16xf32>
      %max3A_640 = arith.constant 0.000000e+00 : f32
      %max3A_641 = vector.broadcast %max3A_640 : f32 to vector<16xf32>
      %max3A_642 = arith.maximumf %add3A_639, %max3A_641 : vector<16xf32>
      %mul3A_643 = arith.constant 2 : i32
      %mul3A_644 = arith.muli %scan3A_190, %mul3A_643 : i32
      %add3A_645 = arith.constant 1 : i32
      %add3A_646 = arith.addi %mul3A_644, %add3A_645 : i32
      %swap3A_647 = arith.index_cast %add3A_646 : i32 to index
      %swap3A_648 = arith.constant 112 : index
      %swap3A_649 = tpu.vector_load %arg13[%swap3A_647, %swap3A_648] {strides = array<i32>} : memref<80x128xf32, #tpu.memory_space<vmem>>, vector<1x16xf32>,
      %swap3A_650 = vector.shape_cast %swap3A_649 : vector<1x16xf32> to vector<16xf32>
      %swap3A_651 = vector.shape_cast %max3A_642 : vector<16xf32> to vector<1x16xf32>
      tpu.vector_store %arg13[%swap3A_647, %swap3A_648], %swap3A_651 {strides = array<i32>} : memref<80x128xf32, #tpu.memory_space<vmem>>, vector<1x16xf32>,
    }
    %scan3A_116 = arith.constant 40 : i32
    %dma_start3A_117 = arith.constant 0 : i32
    %dma_start3A_118 = arith.constant 0 : i32
    %dma_start3A_119 = tpu.memref_slice %arg15[%dma_start3A_117, %dma_start3A_118] : memref<10240x128xf32, #tpu.memory_space<vmem_shared>> -> memref<10240x128xf32, #tpu.memory_space<vmem_shared>>
    tpu.enqueue_indirect_dma source(%arg13 : memref<80x128xf32, #tpu.memory_space<vmem>>) target(%dma_start3A_119 : memref<10240x128xf32, #tpu.memory_space<vmem_shared>>) offsets(%arg12 : memref<80xi32, #tpu.memory_space<vmem>>) semaphore(%arg21 : memref<!tpu.dma_semaphore, #tpu.memory_space<semaphore_mem>>) {add = true}
    %dma_wait3A_120 = arith.constant 0 : i32
    %dma_wait3A_121 = arith.constant 0 : i32
    %dma_wait3A_122 = tpu.memref_slice %arg15[%dma_wait3A_120, %dma_wait3A_121] : memref<10240x128xf32, #tpu.memory_space<vmem_shared>> -> memref<10240x128xf32, #tpu.memory_space<vmem_shared>>
    tpu.wait_indirect_dma semaphore(%arg18 : memref<!tpu.dma_semaphore, #tpu.memory_space<semaphore_mem>>) src(%arg9 : memref<80x128xf32, #tpu.memory_space<vmem>>) dst(%dma_wait3A_122 : memref<10240x128xf32, #tpu.memory_space<vmem_shared>>)
    %mul3A_123 = arith.constant 2 : i32
    %mul3A_124 = arith.muli %mul3A_123, %scan3A_95 : i32
    %add3A_125 = arith.constant 2 : i32
    %add3A_126 = arith.addi %mul3A_124, %add3A_125 : i32
    %mul3A_127 = arith.constant 10000 : i32
    %mul3A_128 = arith.muli %add3A, %mul3A_127 : i32
    %mul3A_129 = arith.constant 80 : i32
    %mul3A_130 = arith.muli %add3A_126, %mul3A_129 : i32
    %add3A_131 = arith.addi %mul3A_128, %mul3A_130 : i32
    %dma_start3A_132 = tpu.memref_slice %arg4[%add3A_131] : memref<320000xi32, #tpu.memory_space<hbm>> -> memref<80xi32, #tpu.memory_space<hbm>>
    %dma_start3A_133 = tpu.memref_slice %arg4[%add3A_131] : memref<320000xi32, #tpu.memory_space<hbm>> -> memref<80xi32, #tpu.memory_space<hbm>>
    tpu.enqueue_dma source(%dma_start3A_133 : memref<80xi32, #tpu.memory_space<hbm>>) target(%arg7 : memref<80xi32, #tpu.memory_space<vmem>>) target_semaphore(%arg16 : memref<!tpu.dma_semaphore, #tpu.memory_space<semaphore_mem>>)
    %dma_start3A_134 = tpu.memref_slice %arg5[%add3A_131] : memref<320000xi32, #tpu.memory_space<hbm>> -> memref<80xi32, #tpu.memory_space<hbm>>
    %dma_start3A_135 = tpu.memref_slice %arg5[%add3A_131] : memref<320000xi32, #tpu.memory_space<hbm>> -> memref<80xi32, #tpu.memory_space<hbm>>
    tpu.enqueue_dma source(%dma_start3A_135 : memref<80xi32, #tpu.memory_space<hbm>>) target(%arg8 : memref<80xi32, #tpu.memory_space<vmem>>) target_semaphore(%arg16 : memref<!tpu.dma_semaphore, #tpu.memory_space<semaphore_mem>>)
    %dma_start3A_136 = arith.constant 0 : i32
    %dma_start3A_137 = tpu.memref_slice %arg3[%add3A_131, %dma_start3A_136] : memref<320000x128xf32, #tpu.memory_space<hbm>> -> memref<80x128xf32, #tpu.memory_space<hbm>>
    %dma_start3A_138 = arith.constant 0 : i32
    %dma_start3A_139 = tpu.memref_slice %arg3[%add3A_131, %dma_start3A_138] : memref<320000x128xf32, #tpu.memory_space<hbm>> -> memref<80x128xf32, #tpu.memory_space<hbm>>
    tpu.enqueue_dma source(%dma_start3A_139 : memref<80x128xf32, #tpu.memory_space<hbm>>) target(%arg10 : memref<80x128xf32, #tpu.memory_space<vmem>>) target_semaphore(%arg16 : memref<!tpu.dma_semaphore, #tpu.memory_space<semaphore_mem>>)
    %dma_wait3A_140 = arith.constant 0 : i32
    %dma_wait3A_141 = tpu.memref_slice %arg4[%dma_wait3A_140] : memref<320000xi32, #tpu.memory_space<hbm>> -> memref<80xi32, #tpu.memory_space<hbm>>
    %dma_wait3A_142 = arith.constant 0 : i32
    %dma_wait3A_143 = tpu.memref_slice %arg4[%dma_wait3A_142] : memref<320000xi32, #tpu.memory_space<hbm>> -> memref<80xi32, #tpu.memory_space<hbm>>
    tpu.wait_dma2 semaphore(%arg16 : memref<!tpu.dma_semaphore, #tpu.memory_space<semaphore_mem>>) src(%dma_wait3A_143 : memref<80xi32, #tpu.memory_space<hbm>>) dst(%arg7 : memref<80xi32, #tpu.memory_space<vmem>>)
    %dma_wait3A_144 = arith.constant 0 : i32
    %dma_wait3A_145 = tpu.memref_slice %arg5[%dma_wait3A_144] : memref<320000xi32, #tpu.memory_space<hbm>> -> memref<80xi32, #tpu.memory_space<hbm>>
    %dma_wait3A_146 = arith.constant 0 : i32
    %dma_wait3A_147 = tpu.memref_slice %arg5[%dma_wait3A_146] : memref<320000xi32, #tpu.memory_space<hbm>> -> memref<80xi32, #tpu.memory_space<hbm>>
    tpu.wait_dma2 semaphore(%arg16 : memref<!tpu.dma_semaphore, #tpu.memory_space<semaphore_mem>>) src(%dma_wait3A_147 : memref<80xi32, #tpu.memory_space<hbm>>) dst(%arg8 : memref<80xi32, #tpu.memory_space<vmem>>)
    %dma_wait3A_148 = arith.constant 0 : i32
    %dma_wait3A_149 = arith.constant 0 : i32
    %dma_wait3A_150 = tpu.memref_slice %arg3[%dma_wait3A_148, %dma_wait3A_149] : memref<320000x128xf32, #tpu.memory_space<hbm>> -> memref<80x128xf32, #tpu.memory_space<hbm>>
    %dma_wait3A_151 = arith.constant 0 : i32
    %dma_wait3A_152 = arith.constant 0 : i32
    %dma_wait3A_153 = tpu.memref_slice %arg3[%dma_wait3A_151, %dma_wait3A_152] : memref<320000x128xf32, #tpu.memory_space<hbm>> -> memref<80x128xf32, #tpu.memory_space<hbm>>
    tpu.wait_dma2 semaphore(%arg16 : memref<!tpu.dma_semaphore, #tpu.memory_space<semaphore_mem>>) src(%dma_wait3A_153 : memref<80x128xf32, #tpu.memory_space<hbm>>) dst(%arg10 : memref<80x128xf32, #tpu.memory_space<vmem>>)
    %dma_start3A_154 = arith.constant 0 : i32
    %dma_start3A_155 = arith.constant 0 : i32
    %dma_start3A_156 = tpu.memref_slice %arg2[%dma_start3A_154, %dma_start3A_155] : memref<10000x128xf32, #tpu.memory_space<hbm>> -> memref<10000x128xf32, #tpu.memory_space<hbm>>
    tpu.enqueue_indirect_dma source(%dma_start3A_156 : memref<10000x128xf32, #tpu.memory_space<hbm>>) target(%arg9 : memref<80x128xf32, #tpu.memory_space<vmem>>) offsets(%arg7 : memref<80xi32, #tpu.memory_space<vmem>>) semaphore(%arg17 : memref<!tpu.dma_semaphore, #tpu.memory_space<semaphore_mem>>)
    %dma_wait3A_157 = arith.constant 0 : i32
    %dma_wait3A_158 = arith.constant 0 : i32
    %dma_wait3A_159 = tpu.memref_slice %arg15[%dma_wait3A_157, %dma_wait3A_158] : memref<10240x128xf32, #tpu.memory_space<vmem_shared>> -> memref<10240x128xf32, #tpu.memory_space<vmem_shared>>
    tpu.wait_indirect_dma semaphore(%arg21 : memref<!tpu.dma_semaphore, #tpu.memory_space<semaphore_mem>>) src(%arg13 : memref<80x128xf32, #tpu.memory_space<vmem>>) dst(%dma_wait3A_159 : memref<10240x128xf32, #tpu.memory_space<vmem_shared>>)
    %mul3A_160 = arith.constant 2 : i32
    %mul3A_161 = arith.muli %mul3A_160, %scan3A_95 : i32
    %add3A_162 = arith.constant 3 : i32
    %add3A_163 = arith.addi %mul3A_161, %add3A_162 : i32
    %lt3A = arith.constant 3 : i32
    %lt3A_164 = arith.cmpi slt, %add3A_163, %lt3A : i32
    %convert_element_type3A = arith.extui %lt3A_164 : i1 to i32
    %cond3A = arith.constant 0 : i32
    %cond3A_165 = arith.cmpi ne, %convert_element_type3A, %cond3A : i32
    scf.if %cond3A_165 {
      %mul3A_190 = arith.constant 2 : i32
      %mul3A_191 = arith.muli %mul3A_190, %scan3A_95 : i32
      %add3A_192 = arith.constant 3 : i32
      %add3A_193 = arith.addi %mul3A_191, %add3A_192 : i32
      %mul3A_194 = arith.constant 10000 : i32
      %mul3A_195 = arith.muli %add3A, %mul3A_194 : i32
      %mul3A_196 = arith.constant 80 : i32
      %mul3A_197 = arith.muli %add3A_193, %mul3A_196 : i32
      %add3A_198 = arith.addi %mul3A_195, %mul3A_197 : i32
      %dma_start3A_199 = tpu.memref_slice %arg4[%add3A_198] : memref<320000xi32, #tpu.memory_space<hbm>> -> memref<80xi32, #tpu.memory_space<hbm>>
      %dma_start3A_200 = tpu.memref_slice %arg4[%add3A_198] : memref<320000xi32, #tpu.memory_space<hbm>> -> memref<80xi32, #tpu.memory_space<hbm>>
      tpu.enqueue_dma source(%dma_start3A_200 : memref<80xi32, #tpu.memory_space<hbm>>) target(%arg11 : memref<80xi32, #tpu.memory_space<vmem>>) target_semaphore(%arg19 : memref<!tpu.dma_semaphore, #tpu.memory_space<semaphore_mem>>)
      %dma_start3A_201 = tpu.memref_slice %arg5[%add3A_198] : memref<320000xi32, #tpu.memory_space<hbm>> -> memref<80xi32, #tpu.memory_space<hbm>>
      %dma_start3A_202 = tpu.memref_slice %arg5[%add3A_198] : memref<320000xi32, #tpu.memory_space<hbm>> -> memref<80xi32, #tpu.memory_space<hbm>>
      tpu.enqueue_dma source(%dma_start3A_202 : memref<80xi32, #tpu.memory_space<hbm>>) target(%arg12 : memref<80xi32, #tpu.memory_space<vmem>>) target_semaphore(%arg19 : memref<!tpu.dma_semaphore, #tpu.memory_space<semaphore_mem>>)
      %dma_start3A_203 = arith.constant 0 : i32
      %dma_start3A_204 = tpu.memref_slice %arg3[%add3A_198, %dma_start3A_203] : memref<320000x128xf32, #tpu.memory_space<hbm>> -> memref<80x128xf32, #tpu.memory_space<hbm>>
      %dma_start3A_205 = arith.constant 0 : i32
      %dma_start3A_206 = tpu.memref_slice %arg3[%add3A_198, %dma_start3A_205] : memref<320000x128xf32, #tpu.memory_space<hbm>> -> memref<80x128xf32, #tpu.memory_space<hbm>>
      tpu.enqueue_dma source(%dma_start3A_206 : memref<80x128xf32, #tpu.memory_space<hbm>>) target(%arg14 : memref<80x128xf32, #tpu.memory_space<vmem>>) target_semaphore(%arg19 : memref<!tpu.dma_semaphore, #tpu.memory_space<semaphore_mem>>)
      %dma_wait3A_207 = arith.constant 0 : i32
      %dma_wait3A_208 = tpu.memref_slice %arg4[%dma_wait3A_207] : memref<320000xi32, #tpu.memory_space<hbm>> -> memref<80xi32, #tpu.memory_space<hbm>>
      %dma_wait3A_209 = arith.constant 0 : i32
      %dma_wait3A_210 = tpu.memref_slice %arg4[%dma_wait3A_209] : memref<320000xi32, #tpu.memory_space<hbm>> -> memref<80xi32, #tpu.memory_space<hbm>>
      tpu.wait_dma2 semaphore(%arg19 : memref<!tpu.dma_semaphore, #tpu.memory_space<semaphore_mem>>) src(%dma_wait3A_210 : memref<80xi32, #tpu.memory_space<hbm>>) dst(%arg11 : memref<80xi32, #tpu.memory_space<vmem>>)
      %dma_wait3A_211 = arith.constant 0 : i32
      %dma_wait3A_212 = tpu.memref_slice %arg5[%dma_wait3A_211] : memref<320000xi32, #tpu.memory_space<hbm>> -> memref<80xi32, #tpu.memory_space<hbm>>
      %dma_wait3A_213 = arith.constant 0 : i32
      %dma_wait3A_214 = tpu.memref_slice %arg5[%dma_wait3A_213] : memref<320000xi32, #tpu.memory_space<hbm>> -> memref<80xi32, #tpu.memory_space<hbm>>
      tpu.wait_dma2 semaphore(%arg19 : memref<!tpu.dma_semaphore, #tpu.memory_space<semaphore_mem>>) src(%dma_wait3A_214 : memref<80xi32, #tpu.memory_space<hbm>>) dst(%arg12 : memref<80xi32, #tpu.memory_space<vmem>>)
      %dma_wait3A_215 = arith.constant 0 : i32
      %dma_wait3A_216 = arith.constant 0 : i32
      %dma_wait3A_217 = tpu.memref_slice %arg3[%dma_wait3A_215, %dma_wait3A_216] : memref<320000x128xf32, #tpu.memory_space<hbm>> -> memref<80x128xf32, #tpu.memory_space<hbm>>
      %dma_wait3A_218 = arith.constant 0 : i32
      %dma_wait3A_219 = arith.constant 0 : i32
      %dma_wait3A_220 = tpu.memref_slice %arg3[%dma_wait3A_218, %dma_wait3A_219] : memref<320000x128xf32, #tpu.memory_space<hbm>> -> memref<80x128xf32, #tpu.memory_space<hbm>>
      tpu.wait_dma2 semaphore(%arg19 : memref<!tpu.dma_semaphore, #tpu.memory_space<semaphore_mem>>) src(%dma_wait3A_220 : memref<80x128xf32, #tpu.memory_space<hbm>>) dst(%arg14 : memref<80x128xf32, #tpu.memory_space<vmem>>)
      %dma_start3A_221 = arith.constant 0 : i32
      %dma_start3A_222 = arith.constant 0 : i32
      %dma_start3A_223 = tpu.memref_slice %arg2[%dma_start3A_221, %dma_start3A_222] : memref<10000x128xf32, #tpu.memory_space<hbm>> -> memref<10000x128xf32, #tpu.memory_space<hbm>>
      tpu.enqueue_indirect_dma source(%dma_start3A_223 : memref<10000x128xf32, #tpu.memory_space<hbm>>) target(%arg13 : memref<80x128xf32, #tpu.memory_space<vmem>>) offsets(%arg11 : memref<80xi32, #tpu.memory_space<vmem>>) semaphore(%arg20 : memref<!tpu.dma_semaphore, #tpu.memory_space<semaphore_mem>>)
    } else {
    }
    %scan3A_166 = arith.constant 1 : i32
    %dma_wait3A_167 = arith.constant 0 : i32
    %dma_wait3A_168 = arith.constant 0 : i32
    %dma_wait3A_169 = tpu.memref_slice %arg2[%dma_wait3A_167, %dma_wait3A_168] : memref<10000x128xf32, #tpu.memory_space<hbm>> -> memref<10000x128xf32, #tpu.memory_space<hbm>>
    tpu.wait_indirect_dma semaphore(%arg17 : memref<!tpu.dma_semaphore, #tpu.memory_space<semaphore_mem>>) src(%dma_wait3A_169 : memref<10000x128xf32, #tpu.memory_space<hbm>>) dst(%arg9 : memref<80x128xf32, #tpu.memory_space<vmem>>)
    %scan3A_170 = arith.constant 0 : i32
    %scan3A_171 = arith.constant 0 : i32
    %scan3A_172 = arith.constant 40 : i32
    %scan3A_173 = arith.addi %scan3A_171, %scan3A_172 : i32
    %scan3A_174 = arith.constant 1 : i32
    scf.for %scan3A_190 = %scan3A_171 to %scan3A_173 step %scan3A_174  : i32 {
      %mul3A_191 = arith.constant 2 : i32
      %mul3A_192 = arith.muli %scan3A_190, %mul3A_191 : i32
      %add3A_193 = arith.constant 0 : i32
      %add3A_194 = arith.addi %mul3A_192, %add3A_193 : i32
      %get3A = arith.index_cast %add3A_194 : i32 to index
      %get3A_195 = arith.constant 0 : index
      %get3A_196 = tpu.vector_load %arg9[%get3A, %get3A_195] {strides = array<i32>} : memref<80x128xf32, #tpu.memory_space<vmem>>, vector<1x16xf32>,
      %get3A_197 = vector.shape_cast %get3A_196 : vector<1x16xf32> to vector<16xf32>
      %mul3A_198 = arith.constant 2 : i32
      %mul3A_199 = arith.muli %scan3A_190, %mul3A_198 : i32
      %add3A_200 = arith.constant 0 : i32
      %add3A_201 = arith.addi %mul3A_199, %add3A_200 : i32
      %get3A_202 = arith.index_cast %add3A_201 : i32 to index
      %get3A_203 = arith.constant 0 : index
      %get3A_204 = tpu.vector_load %arg10[%get3A_202, %get3A_203] {strides = array<i32>} : memref<80x128xf32, #tpu.memory_space<vmem>>, vector<1x16xf32>,
      %get3A_205 = vector.shape_cast %get3A_204 : vector<1x16xf32> to vector<16xf32>
      %add3A_206 = arith.addf %get3A_197, %get3A_205 : vector<16xf32>
      %max3A = arith.constant 0.000000e+00 : f32
      %max3A_207 = vector.broadcast %max3A : f32 to vector<16xf32>
      %max3A_208 = arith.maximumf %add3A_206, %max3A_207 : vector<16xf32>
      %mul3A_209 = arith.constant 2 : i32
      %mul3A_210 = arith.muli %scan3A_190, %mul3A_209 : i32
      %add3A_211 = arith.constant 0 : i32
      %add3A_212 = arith.addi %mul3A_210, %add3A_211 : i32
      %swap3A = arith.index_cast %add3A_212 : i32 to index
      %swap3A_213 = arith.constant 0 : index
      %swap3A_214 = tpu.vector_load %arg9[%swap3A, %swap3A_213] {strides = array<i32>} : memref<80x128xf32, #tpu.memory_space<vmem>>, vector<1x16xf32>,
      %swap3A_215 = vector.shape_cast %swap3A_214 : vector<1x16xf32> to vector<16xf32>
      %swap3A_216 = vector.shape_cast %max3A_208 : vector<16xf32> to vector<1x16xf32>
      tpu.vector_store %arg9[%swap3A, %swap3A_213], %swap3A_216 {strides = array<i32>} : memref<80x128xf32, #tpu.memory_space<vmem>>, vector<1x16xf32>,
      %mul3A_217 = arith.constant 2 : i32
      %mul3A_218 = arith.muli %scan3A_190, %mul3A_217 : i32
      %add3A_219 = arith.constant 0 : i32
      %add3A_220 = arith.addi %mul3A_218, %add3A_219 : i32
      %get3A_221 = arith.index_cast %add3A_220 : i32 to index
      %get3A_222 = arith.constant 16 : index
      %get3A_223 = tpu.vector_load %arg9[%get3A_221, %get3A_222] {strides = array<i32>} : memref<80x128xf32, #tpu.memory_space<vmem>>, vector<1x16xf32>,
      %get3A_224 = vector.shape_cast %get3A_223 : vector<1x16xf32> to vector<16xf32>
      %mul3A_225 = arith.constant 2 : i32
      %mul3A_226 = arith.muli %scan3A_190, %mul3A_225 : i32
      %add3A_227 = arith.constant 0 : i32
      %add3A_228 = arith.addi %mul3A_226, %add3A_227 : i32
      %get3A_229 = arith.index_cast %add3A_228 : i32 to index
      %get3A_230 = arith.constant 16 : index
      %get3A_231 = tpu.vector_load %arg10[%get3A_229, %get3A_230] {strides = array<i32>} : memref<80x128xf32, #tpu.memory_space<vmem>>, vector<1x16xf32>,
      %get3A_232 = vector.shape_cast %get3A_231 : vector<1x16xf32> to vector<16xf32>
      %add3A_233 = arith.addf %get3A_224, %get3A_232 : vector<16xf32>
      %max3A_234 = arith.constant 0.000000e+00 : f32
      %max3A_235 = vector.broadcast %max3A_234 : f32 to vector<16xf32>
      %max3A_236 = arith.maximumf %add3A_233, %max3A_235 : vector<16xf32>
      %mul3A_237 = arith.constant 2 : i32
      %mul3A_238 = arith.muli %scan3A_190, %mul3A_237 : i32
      %add3A_239 = arith.constant 0 : i32
      %add3A_240 = arith.addi %mul3A_238, %add3A_239 : i32
      %swap3A_241 = arith.index_cast %add3A_240 : i32 to index
      %swap3A_242 = arith.constant 16 : index
      %swap3A_243 = tpu.vector_load %arg9[%swap3A_241, %swap3A_242] {strides = array<i32>} : memref<80x128xf32, #tpu.memory_space<vmem>>, vector<1x16xf32>,
      %swap3A_244 = vector.shape_cast %swap3A_243 : vector<1x16xf32> to vector<16xf32>
      %swap3A_245 = vector.shape_cast %max3A_236 : vector<16xf32> to vector<1x16xf32>
      tpu.vector_store %arg9[%swap3A_241, %swap3A_242], %swap3A_245 {strides = array<i32>} : memref<80x128xf32, #tpu.memory_space<vmem>>, vector<1x16xf32>,
      %mul3A_246 = arith.constant 2 : i32
      %mul3A_247 = arith.muli %scan3A_190, %mul3A_246 : i32
      %add3A_248 = arith.constant 0 : i32
      %add3A_249 = arith.addi %mul3A_247, %add3A_248 : i32
      %get3A_250 = arith.index_cast %add3A_249 : i32 to index
      %get3A_251 = arith.constant 32 : index
      %get3A_252 = tpu.vector_load %arg9[%get3A_250, %get3A_251] {strides = array<i32>} : memref<80x128xf32, #tpu.memory_space<vmem>>, vector<1x16xf32>,
      %get3A_253 = vector.shape_cast %get3A_252 : vector<1x16xf32> to vector<16xf32>
      %mul3A_254 = arith.constant 2 : i32
      %mul3A_255 = arith.muli %scan3A_190, %mul3A_254 : i32
      %add3A_256 = arith.constant 0 : i32
      %add3A_257 = arith.addi %mul3A_255, %add3A_256 : i32
      %get3A_258 = arith.index_cast %add3A_257 : i32 to index
      %get3A_259 = arith.constant 32 : index
      %get3A_260 = tpu.vector_load %arg10[%get3A_258, %get3A_259] {strides = array<i32>} : memref<80x128xf32, #tpu.memory_space<vmem>>, vector<1x16xf32>,
      %get3A_261 = vector.shape_cast %get3A_260 : vector<1x16xf32> to vector<16xf32>
      %add3A_262 = arith.addf %get3A_253, %get3A_261 : vector<16xf32>
      %max3A_263 = arith.constant 0.000000e+00 : f32
      %max3A_264 = vector.broadcast %max3A_263 : f32 to vector<16xf32>
      %max3A_265 = arith.maximumf %add3A_262, %max3A_264 : vector<16xf32>
      %mul3A_266 = arith.constant 2 : i32
      %mul3A_267 = arith.muli %scan3A_190, %mul3A_266 : i32
      %add3A_268 = arith.constant 0 : i32
      %add3A_269 = arith.addi %mul3A_267, %add3A_268 : i32
      %swap3A_270 = arith.index_cast %add3A_269 : i32 to index
      %swap3A_271 = arith.constant 32 : index
      %swap3A_272 = tpu.vector_load %arg9[%swap3A_270, %swap3A_271] {strides = array<i32>} : memref<80x128xf32, #tpu.memory_space<vmem>>, vector<1x16xf32>,
      %swap3A_273 = vector.shape_cast %swap3A_272 : vector<1x16xf32> to vector<16xf32>
      %swap3A_274 = vector.shape_cast %max3A_265 : vector<16xf32> to vector<1x16xf32>
      tpu.vector_store %arg9[%swap3A_270, %swap3A_271], %swap3A_274 {strides = array<i32>} : memref<80x128xf32, #tpu.memory_space<vmem>>, vector<1x16xf32>,
      %mul3A_275 = arith.constant 2 : i32
      %mul3A_276 = arith.muli %scan3A_190, %mul3A_275 : i32
      %add3A_277 = arith.constant 0 : i32
      %add3A_278 = arith.addi %mul3A_276, %add3A_277 : i32
      %get3A_279 = arith.index_cast %add3A_278 : i32 to index
      %get3A_280 = arith.constant 48 : index
      %get3A_281 = tpu.vector_load %arg9[%get3A_279, %get3A_280] {strides = array<i32>} : memref<80x128xf32, #tpu.memory_space<vmem>>, vector<1x16xf32>,
      %get3A_282 = vector.shape_cast %get3A_281 : vector<1x16xf32> to vector<16xf32>
      %mul3A_283 = arith.constant 2 : i32
      %mul3A_284 = arith.muli %scan3A_190, %mul3A_283 : i32
      %add3A_285 = arith.constant 0 : i32
      %add3A_286 = arith.addi %mul3A_284, %add3A_285 : i32
      %get3A_287 = arith.index_cast %add3A_286 : i32 to index
      %get3A_288 = arith.constant 48 : index
      %get3A_289 = tpu.vector_load %arg10[%get3A_287, %get3A_288] {strides = array<i32>} : memref<80x128xf32, #tpu.memory_space<vmem>>, vector<1x16xf32>,
      %get3A_290 = vector.shape_cast %get3A_289 : vector<1x16xf32> to vector<16xf32>
      %add3A_291 = arith.addf %get3A_282, %get3A_290 : vector<16xf32>
      %max3A_292 = arith.constant 0.000000e+00 : f32
      %max3A_293 = vector.broadcast %max3A_292 : f32 to vector<16xf32>
      %max3A_294 = arith.maximumf %add3A_291, %max3A_293 : vector<16xf32>
      %mul3A_295 = arith.constant 2 : i32
      %mul3A_296 = arith.muli %scan3A_190, %mul3A_295 : i32
      %add3A_297 = arith.constant 0 : i32
      %add3A_298 = arith.addi %mul3A_296, %add3A_297 : i32
      %swap3A_299 = arith.index_cast %add3A_298 : i32 to index
      %swap3A_300 = arith.constant 48 : index
      %swap3A_301 = tpu.vector_load %arg9[%swap3A_299, %swap3A_300] {strides = array<i32>} : memref<80x128xf32, #tpu.memory_space<vmem>>, vector<1x16xf32>,
      %swap3A_302 = vector.shape_cast %swap3A_301 : vector<1x16xf32> to vector<16xf32>
      %swap3A_303 = vector.shape_cast %max3A_294 : vector<16xf32> to vector<1x16xf32>
      tpu.vector_store %arg9[%swap3A_299, %swap3A_300], %swap3A_303 {strides = array<i32>} : memref<80x128xf32, #tpu.memory_space<vmem>>, vector<1x16xf32>,
      %mul3A_304 = arith.constant 2 : i32
      %mul3A_305 = arith.muli %scan3A_190, %mul3A_304 : i32
      %add3A_306 = arith.constant 0 : i32
      %add3A_307 = arith.addi %mul3A_305, %add3A_306 : i32
      %get3A_308 = arith.index_cast %add3A_307 : i32 to index
      %get3A_309 = arith.constant 64 : index
      %get3A_310 = tpu.vector_load %arg9[%get3A_308, %get3A_309] {strides = array<i32>} : memref<80x128xf32, #tpu.memory_space<vmem>>, vector<1x16xf32>,
      %get3A_311 = vector.shape_cast %get3A_310 : vector<1x16xf32> to vector<16xf32>
      %mul3A_312 = arith.constant 2 : i32
      %mul3A_313 = arith.muli %scan3A_190, %mul3A_312 : i32
      %add3A_314 = arith.constant 0 : i32
      %add3A_315 = arith.addi %mul3A_313, %add3A_314 : i32
      %get3A_316 = arith.index_cast %add3A_315 : i32 to index
      %get3A_317 = arith.constant 64 : index
      %get3A_318 = tpu.vector_load %arg10[%get3A_316, %get3A_317] {strides = array<i32>} : memref<80x128xf32, #tpu.memory_space<vmem>>, vector<1x16xf32>,
      %get3A_319 = vector.shape_cast %get3A_318 : vector<1x16xf32> to vector<16xf32>
      %add3A_320 = arith.addf %get3A_311, %get3A_319 : vector<16xf32>
      %max3A_321 = arith.constant 0.000000e+00 : f32
      %max3A_322 = vector.broadcast %max3A_321 : f32 to vector<16xf32>
      %max3A_323 = arith.maximumf %add3A_320, %max3A_322 : vector<16xf32>
      %mul3A_324 = arith.constant 2 : i32
      %mul3A_325 = arith.muli %scan3A_190, %mul3A_324 : i32
      %add3A_326 = arith.constant 0 : i32
      %add3A_327 = arith.addi %mul3A_325, %add3A_326 : i32
      %swap3A_328 = arith.index_cast %add3A_327 : i32 to index
      %swap3A_329 = arith.constant 64 : index
      %swap3A_330 = tpu.vector_load %arg9[%swap3A_328, %swap3A_329] {strides = array<i32>} : memref<80x128xf32, #tpu.memory_space<vmem>>, vector<1x16xf32>,
      %swap3A_331 = vector.shape_cast %swap3A_330 : vector<1x16xf32> to vector<16xf32>
      %swap3A_332 = vector.shape_cast %max3A_323 : vector<16xf32> to vector<1x16xf32>
      tpu.vector_store %arg9[%swap3A_328, %swap3A_329], %swap3A_332 {strides = array<i32>} : memref<80x128xf32, #tpu.memory_space<vmem>>, vector<1x16xf32>,
      %mul3A_333 = arith.constant 2 : i32
      %mul3A_334 = arith.muli %scan3A_190, %mul3A_333 : i32
      %add3A_335 = arith.constant 0 : i32
      %add3A_336 = arith.addi %mul3A_334, %add3A_335 : i32
      %get3A_337 = arith.index_cast %add3A_336 : i32 to index
      %get3A_338 = arith.constant 80 : index
      %get3A_339 = tpu.vector_load %arg9[%get3A_337, %get3A_338] {strides = array<i32>} : memref<80x128xf32, #tpu.memory_space<vmem>>, vector<1x16xf32>,
      %get3A_340 = vector.shape_cast %get3A_339 : vector<1x16xf32> to vector<16xf32>
      %mul3A_341 = arith.constant 2 : i32
      %mul3A_342 = arith.muli %scan3A_190, %mul3A_341 : i32
      %add3A_343 = arith.constant 0 : i32
      %add3A_344 = arith.addi %mul3A_342, %add3A_343 : i32
      %get3A_345 = arith.index_cast %add3A_344 : i32 to index
      %get3A_346 = arith.constant 80 : index
      %get3A_347 = tpu.vector_load %arg10[%get3A_345, %get3A_346] {strides = array<i32>} : memref<80x128xf32, #tpu.memory_space<vmem>>, vector<1x16xf32>,
      %get3A_348 = vector.shape_cast %get3A_347 : vector<1x16xf32> to vector<16xf32>
      %add3A_349 = arith.addf %get3A_340, %get3A_348 : vector<16xf32>
      %max3A_350 = arith.constant 0.000000e+00 : f32
      %max3A_351 = vector.broadcast %max3A_350 : f32 to vector<16xf32>
      %max3A_352 = arith.maximumf %add3A_349, %max3A_351 : vector<16xf32>
      %mul3A_353 = arith.constant 2 : i32
      %mul3A_354 = arith.muli %scan3A_190, %mul3A_353 : i32
      %add3A_355 = arith.constant 0 : i32
      %add3A_356 = arith.addi %mul3A_354, %add3A_355 : i32
      %swap3A_357 = arith.index_cast %add3A_356 : i32 to index
      %swap3A_358 = arith.constant 80 : index
      %swap3A_359 = tpu.vector_load %arg9[%swap3A_357, %swap3A_358] {strides = array<i32>} : memref<80x128xf32, #tpu.memory_space<vmem>>, vector<1x16xf32>,
      %swap3A_360 = vector.shape_cast %swap3A_359 : vector<1x16xf32> to vector<16xf32>
      %swap3A_361 = vector.shape_cast %max3A_352 : vector<16xf32> to vector<1x16xf32>
      tpu.vector_store %arg9[%swap3A_357, %swap3A_358], %swap3A_361 {strides = array<i32>} : memref<80x128xf32, #tpu.memory_space<vmem>>, vector<1x16xf32>,
      %mul3A_362 = arith.constant 2 : i32
      %mul3A_363 = arith.muli %scan3A_190, %mul3A_362 : i32
      %add3A_364 = arith.constant 0 : i32
      %add3A_365 = arith.addi %mul3A_363, %add3A_364 : i32
      %get3A_366 = arith.index_cast %add3A_365 : i32 to index
      %get3A_367 = arith.constant 96 : index
      %get3A_368 = tpu.vector_load %arg9[%get3A_366, %get3A_367] {strides = array<i32>} : memref<80x128xf32, #tpu.memory_space<vmem>>, vector<1x16xf32>,
      %get3A_369 = vector.shape_cast %get3A_368 : vector<1x16xf32> to vector<16xf32>
      %mul3A_370 = arith.constant 2 : i32
      %mul3A_371 = arith.muli %scan3A_190, %mul3A_370 : i32
      %add3A_372 = arith.constant 0 : i32
      %add3A_373 = arith.addi %mul3A_371, %add3A_372 : i32
      %get3A_374 = arith.index_cast %add3A_373 : i32 to index
      %get3A_375 = arith.constant 96 : index
      %get3A_376 = tpu.vector_load %arg10[%get3A_374, %get3A_375] {strides = array<i32>} : memref<80x128xf32, #tpu.memory_space<vmem>>, vector<1x16xf32>,
      %get3A_377 = vector.shape_cast %get3A_376 : vector<1x16xf32> to vector<16xf32>
      %add3A_378 = arith.addf %get3A_369, %get3A_377 : vector<16xf32>
      %max3A_379 = arith.constant 0.000000e+00 : f32
      %max3A_380 = vector.broadcast %max3A_379 : f32 to vector<16xf32>
      %max3A_381 = arith.maximumf %add3A_378, %max3A_380 : vector<16xf32>
      %mul3A_382 = arith.constant 2 : i32
      %mul3A_383 = arith.muli %scan3A_190, %mul3A_382 : i32
      %add3A_384 = arith.constant 0 : i32
      %add3A_385 = arith.addi %mul3A_383, %add3A_384 : i32
      %swap3A_386 = arith.index_cast %add3A_385 : i32 to index
      %swap3A_387 = arith.constant 96 : index
      %swap3A_388 = tpu.vector_load %arg9[%swap3A_386, %swap3A_387] {strides = array<i32>} : memref<80x128xf32, #tpu.memory_space<vmem>>, vector<1x16xf32>,
      %swap3A_389 = vector.shape_cast %swap3A_388 : vector<1x16xf32> to vector<16xf32>
      %swap3A_390 = vector.shape_cast %max3A_381 : vector<16xf32> to vector<1x16xf32>
      tpu.vector_store %arg9[%swap3A_386, %swap3A_387], %swap3A_390 {strides = array<i32>} : memref<80x128xf32, #tpu.memory_space<vmem>>, vector<1x16xf32>,
      %mul3A_391 = arith.constant 2 : i32
      %mul3A_392 = arith.muli %scan3A_190, %mul3A_391 : i32
      %add3A_393 = arith.constant 0 : i32
      %add3A_394 = arith.addi %mul3A_392, %add3A_393 : i32
      %get3A_395 = arith.index_cast %add3A_394 : i32 to index
      %get3A_396 = arith.constant 112 : index
      %get3A_397 = tpu.vector_load %arg9[%get3A_395, %get3A_396] {strides = array<i32>} : memref<80x128xf32, #tpu.memory_space<vmem>>, vector<1x16xf32>,
      %get3A_398 = vector.shape_cast %get3A_397 : vector<1x16xf32> to vector<16xf32>
      %mul3A_399 = arith.constant 2 : i32
      %mul3A_400 = arith.muli %scan3A_190, %mul3A_399 : i32
      %add3A_401 = arith.constant 0 : i32
      %add3A_402 = arith.addi %mul3A_400, %add3A_401 : i32
      %get3A_403 = arith.index_cast %add3A_402 : i32 to index
      %get3A_404 = arith.constant 112 : index
      %get3A_405 = tpu.vector_load %arg10[%get3A_403, %get3A_404] {strides = array<i32>} : memref<80x128xf32, #tpu.memory_space<vmem>>, vector<1x16xf32>,
      %get3A_406 = vector.shape_cast %get3A_405 : vector<1x16xf32> to vector<16xf32>
      %add3A_407 = arith.addf %get3A_398, %get3A_406 : vector<16xf32>
      %max3A_408 = arith.constant 0.000000e+00 : f32
      %max3A_409 = vector.broadcast %max3A_408 : f32 to vector<16xf32>
      %max3A_410 = arith.maximumf %add3A_407, %max3A_409 : vector<16xf32>
      %mul3A_411 = arith.constant 2 : i32
      %mul3A_412 = arith.muli %scan3A_190, %mul3A_411 : i32
      %add3A_413 = arith.constant 0 : i32
      %add3A_414 = arith.addi %mul3A_412, %add3A_413 : i32
      %swap3A_415 = arith.index_cast %add3A_414 : i32 to index
      %swap3A_416 = arith.constant 112 : index
      %swap3A_417 = tpu.vector_load %arg9[%swap3A_415, %swap3A_416] {strides = array<i32>} : memref<80x128xf32, #tpu.memory_space<vmem>>, vector<1x16xf32>,
      %swap3A_418 = vector.shape_cast %swap3A_417 : vector<1x16xf32> to vector<16xf32>
      %swap3A_419 = vector.shape_cast %max3A_410 : vector<16xf32> to vector<1x16xf32>
      tpu.vector_store %arg9[%swap3A_415, %swap3A_416], %swap3A_419 {strides = array<i32>} : memref<80x128xf32, #tpu.memory_space<vmem>>, vector<1x16xf32>,
      %mul3A_420 = arith.constant 2 : i32
      %mul3A_421 = arith.muli %scan3A_190, %mul3A_420 : i32
      %add3A_422 = arith.constant 1 : i32
      %add3A_423 = arith.addi %mul3A_421, %add3A_422 : i32
      %get3A_424 = arith.index_cast %add3A_423 : i32 to index
      %get3A_425 = arith.constant 0 : index
      %get3A_426 = tpu.vector_load %arg9[%get3A_424, %get3A_425] {strides = array<i32>} : memref<80x128xf32, #tpu.memory_space<vmem>>, vector<1x16xf32>,
      %get3A_427 = vector.shape_cast %get3A_426 : vector<1x16xf32> to vector<16xf32>
      %mul3A_428 = arith.constant 2 : i32
      %mul3A_429 = arith.muli %scan3A_190, %mul3A_428 : i32
      %add3A_430 = arith.constant 1 : i32
      %add3A_431 = arith.addi %mul3A_429, %add3A_430 : i32
      %get3A_432 = arith.index_cast %add3A_431 : i32 to index
      %get3A_433 = arith.constant 0 : index
      %get3A_434 = tpu.vector_load %arg10[%get3A_432, %get3A_433] {strides = array<i32>} : memref<80x128xf32, #tpu.memory_space<vmem>>, vector<1x16xf32>,
      %get3A_435 = vector.shape_cast %get3A_434 : vector<1x16xf32> to vector<16xf32>
      %add3A_436 = arith.addf %get3A_427, %get3A_435 : vector<16xf32>
      %max3A_437 = arith.constant 0.000000e+00 : f32
      %max3A_438 = vector.broadcast %max3A_437 : f32 to vector<16xf32>
      %max3A_439 = arith.maximumf %add3A_436, %max3A_438 : vector<16xf32>
      %mul3A_440 = arith.constant 2 : i32
      %mul3A_441 = arith.muli %scan3A_190, %mul3A_440 : i32
      %add3A_442 = arith.constant 1 : i32
      %add3A_443 = arith.addi %mul3A_441, %add3A_442 : i32
      %swap3A_444 = arith.index_cast %add3A_443 : i32 to index
      %swap3A_445 = arith.constant 0 : index
      %swap3A_446 = tpu.vector_load %arg9[%swap3A_444, %swap3A_445] {strides = array<i32>} : memref<80x128xf32, #tpu.memory_space<vmem>>, vector<1x16xf32>,
      %swap3A_447 = vector.shape_cast %swap3A_446 : vector<1x16xf32> to vector<16xf32>
      %swap3A_448 = vector.shape_cast %max3A_439 : vector<16xf32> to vector<1x16xf32>
      tpu.vector_store %arg9[%swap3A_444, %swap3A_445], %swap3A_448 {strides = array<i32>} : memref<80x128xf32, #tpu.memory_space<vmem>>, vector<1x16xf32>,
      %mul3A_449 = arith.constant 2 : i32
      %mul3A_450 = arith.muli %scan3A_190, %mul3A_449 : i32
      %add3A_451 = arith.constant 1 : i32
      %add3A_452 = arith.addi %mul3A_450, %add3A_451 : i32
      %get3A_453 = arith.index_cast %add3A_452 : i32 to index
      %get3A_454 = arith.constant 16 : index
      %get3A_455 = tpu.vector_load %arg9[%get3A_453, %get3A_454] {strides = array<i32>} : memref<80x128xf32, #tpu.memory_space<vmem>>, vector<1x16xf32>,
      %get3A_456 = vector.shape_cast %get3A_455 : vector<1x16xf32> to vector<16xf32>
      %mul3A_457 = arith.constant 2 : i32
      %mul3A_458 = arith.muli %scan3A_190, %mul3A_457 : i32
      %add3A_459 = arith.constant 1 : i32
      %add3A_460 = arith.addi %mul3A_458, %add3A_459 : i32
      %get3A_461 = arith.index_cast %add3A_460 : i32 to index
      %get3A_462 = arith.constant 16 : index
      %get3A_463 = tpu.vector_load %arg10[%get3A_461, %get3A_462] {strides = array<i32>} : memref<80x128xf32, #tpu.memory_space<vmem>>, vector<1x16xf32>,
      %get3A_464 = vector.shape_cast %get3A_463 : vector<1x16xf32> to vector<16xf32>
      %add3A_465 = arith.addf %get3A_456, %get3A_464 : vector<16xf32>
      %max3A_466 = arith.constant 0.000000e+00 : f32
      %max3A_467 = vector.broadcast %max3A_466 : f32 to vector<16xf32>
      %max3A_468 = arith.maximumf %add3A_465, %max3A_467 : vector<16xf32>
      %mul3A_469 = arith.constant 2 : i32
      %mul3A_470 = arith.muli %scan3A_190, %mul3A_469 : i32
      %add3A_471 = arith.constant 1 : i32
      %add3A_472 = arith.addi %mul3A_470, %add3A_471 : i32
      %swap3A_473 = arith.index_cast %add3A_472 : i32 to index
      %swap3A_474 = arith.constant 16 : index
      %swap3A_475 = tpu.vector_load %arg9[%swap3A_473, %swap3A_474] {strides = array<i32>} : memref<80x128xf32, #tpu.memory_space<vmem>>, vector<1x16xf32>,
      %swap3A_476 = vector.shape_cast %swap3A_475 : vector<1x16xf32> to vector<16xf32>
      %swap3A_477 = vector.shape_cast %max3A_468 : vector<16xf32> to vector<1x16xf32>
      tpu.vector_store %arg9[%swap3A_473, %swap3A_474], %swap3A_477 {strides = array<i32>} : memref<80x128xf32, #tpu.memory_space<vmem>>, vector<1x16xf32>,
      %mul3A_478 = arith.constant 2 : i32
      %mul3A_479 = arith.muli %scan3A_190, %mul3A_478 : i32
      %add3A_480 = arith.constant 1 : i32
      %add3A_481 = arith.addi %mul3A_479, %add3A_480 : i32
      %get3A_482 = arith.index_cast %add3A_481 : i32 to index
      %get3A_483 = arith.constant 32 : index
      %get3A_484 = tpu.vector_load %arg9[%get3A_482, %get3A_483] {strides = array<i32>} : memref<80x128xf32, #tpu.memory_space<vmem>>, vector<1x16xf32>,
      %get3A_485 = vector.shape_cast %get3A_484 : vector<1x16xf32> to vector<16xf32>
      %mul3A_486 = arith.constant 2 : i32
      %mul3A_487 = arith.muli %scan3A_190, %mul3A_486 : i32
      %add3A_488 = arith.constant 1 : i32
      %add3A_489 = arith.addi %mul3A_487, %add3A_488 : i32
      %get3A_490 = arith.index_cast %add3A_489 : i32 to index
      %get3A_491 = arith.constant 32 : index
      %get3A_492 = tpu.vector_load %arg10[%get3A_490, %get3A_491] {strides = array<i32>} : memref<80x128xf32, #tpu.memory_space<vmem>>, vector<1x16xf32>,
      %get3A_493 = vector.shape_cast %get3A_492 : vector<1x16xf32> to vector<16xf32>
      %add3A_494 = arith.addf %get3A_485, %get3A_493 : vector<16xf32>
      %max3A_495 = arith.constant 0.000000e+00 : f32
      %max3A_496 = vector.broadcast %max3A_495 : f32 to vector<16xf32>
      %max3A_497 = arith.maximumf %add3A_494, %max3A_496 : vector<16xf32>
      %mul3A_498 = arith.constant 2 : i32
      %mul3A_499 = arith.muli %scan3A_190, %mul3A_498 : i32
      %add3A_500 = arith.constant 1 : i32
      %add3A_501 = arith.addi %mul3A_499, %add3A_500 : i32
      %swap3A_502 = arith.index_cast %add3A_501 : i32 to index
      %swap3A_503 = arith.constant 32 : index
      %swap3A_504 = tpu.vector_load %arg9[%swap3A_502, %swap3A_503] {strides = array<i32>} : memref<80x128xf32, #tpu.memory_space<vmem>>, vector<1x16xf32>,
      %swap3A_505 = vector.shape_cast %swap3A_504 : vector<1x16xf32> to vector<16xf32>
      %swap3A_506 = vector.shape_cast %max3A_497 : vector<16xf32> to vector<1x16xf32>
      tpu.vector_store %arg9[%swap3A_502, %swap3A_503], %swap3A_506 {strides = array<i32>} : memref<80x128xf32, #tpu.memory_space<vmem>>, vector<1x16xf32>,
      %mul3A_507 = arith.constant 2 : i32
      %mul3A_508 = arith.muli %scan3A_190, %mul3A_507 : i32
      %add3A_509 = arith.constant 1 : i32
      %add3A_510 = arith.addi %mul3A_508, %add3A_509 : i32
      %get3A_511 = arith.index_cast %add3A_510 : i32 to index
      %get3A_512 = arith.constant 48 : index
      %get3A_513 = tpu.vector_load %arg9[%get3A_511, %get3A_512] {strides = array<i32>} : memref<80x128xf32, #tpu.memory_space<vmem>>, vector<1x16xf32>,
      %get3A_514 = vector.shape_cast %get3A_513 : vector<1x16xf32> to vector<16xf32>
      %mul3A_515 = arith.constant 2 : i32
      %mul3A_516 = arith.muli %scan3A_190, %mul3A_515 : i32
      %add3A_517 = arith.constant 1 : i32
      %add3A_518 = arith.addi %mul3A_516, %add3A_517 : i32
      %get3A_519 = arith.index_cast %add3A_518 : i32 to index
      %get3A_520 = arith.constant 48 : index
      %get3A_521 = tpu.vector_load %arg10[%get3A_519, %get3A_520] {strides = array<i32>} : memref<80x128xf32, #tpu.memory_space<vmem>>, vector<1x16xf32>,
      %get3A_522 = vector.shape_cast %get3A_521 : vector<1x16xf32> to vector<16xf32>
      %add3A_523 = arith.addf %get3A_514, %get3A_522 : vector<16xf32>
      %max3A_524 = arith.constant 0.000000e+00 : f32
      %max3A_525 = vector.broadcast %max3A_524 : f32 to vector<16xf32>
      %max3A_526 = arith.maximumf %add3A_523, %max3A_525 : vector<16xf32>
      %mul3A_527 = arith.constant 2 : i32
      %mul3A_528 = arith.muli %scan3A_190, %mul3A_527 : i32
      %add3A_529 = arith.constant 1 : i32
      %add3A_530 = arith.addi %mul3A_528, %add3A_529 : i32
      %swap3A_531 = arith.index_cast %add3A_530 : i32 to index
      %swap3A_532 = arith.constant 48 : index
      %swap3A_533 = tpu.vector_load %arg9[%swap3A_531, %swap3A_532] {strides = array<i32>} : memref<80x128xf32, #tpu.memory_space<vmem>>, vector<1x16xf32>,
      %swap3A_534 = vector.shape_cast %swap3A_533 : vector<1x16xf32> to vector<16xf32>
      %swap3A_535 = vector.shape_cast %max3A_526 : vector<16xf32> to vector<1x16xf32>
      tpu.vector_store %arg9[%swap3A_531, %swap3A_532], %swap3A_535 {strides = array<i32>} : memref<80x128xf32, #tpu.memory_space<vmem>>, vector<1x16xf32>,
      %mul3A_536 = arith.constant 2 : i32
      %mul3A_537 = arith.muli %scan3A_190, %mul3A_536 : i32
      %add3A_538 = arith.constant 1 : i32
      %add3A_539 = arith.addi %mul3A_537, %add3A_538 : i32
      %get3A_540 = arith.index_cast %add3A_539 : i32 to index
      %get3A_541 = arith.constant 64 : index
      %get3A_542 = tpu.vector_load %arg9[%get3A_540, %get3A_541] {strides = array<i32>} : memref<80x128xf32, #tpu.memory_space<vmem>>, vector<1x16xf32>,
      %get3A_543 = vector.shape_cast %get3A_542 : vector<1x16xf32> to vector<16xf32>
      %mul3A_544 = arith.constant 2 : i32
      %mul3A_545 = arith.muli %scan3A_190, %mul3A_544 : i32
      %add3A_546 = arith.constant 1 : i32
      %add3A_547 = arith.addi %mul3A_545, %add3A_546 : i32
      %get3A_548 = arith.index_cast %add3A_547 : i32 to index
      %get3A_549 = arith.constant 64 : index
      %get3A_550 = tpu.vector_load %arg10[%get3A_548, %get3A_549] {strides = array<i32>} : memref<80x128xf32, #tpu.memory_space<vmem>>, vector<1x16xf32>,
      %get3A_551 = vector.shape_cast %get3A_550 : vector<1x16xf32> to vector<16xf32>
      %add3A_552 = arith.addf %get3A_543, %get3A_551 : vector<16xf32>
      %max3A_553 = arith.constant 0.000000e+00 : f32
      %max3A_554 = vector.broadcast %max3A_553 : f32 to vector<16xf32>
      %max3A_555 = arith.maximumf %add3A_552, %max3A_554 : vector<16xf32>
      %mul3A_556 = arith.constant 2 : i32
      %mul3A_557 = arith.muli %scan3A_190, %mul3A_556 : i32
      %add3A_558 = arith.constant 1 : i32
      %add3A_559 = arith.addi %mul3A_557, %add3A_558 : i32
      %swap3A_560 = arith.index_cast %add3A_559 : i32 to index
      %swap3A_561 = arith.constant 64 : index
      %swap3A_562 = tpu.vector_load %arg9[%swap3A_560, %swap3A_561] {strides = array<i32>} : memref<80x128xf32, #tpu.memory_space<vmem>>, vector<1x16xf32>,
      %swap3A_563 = vector.shape_cast %swap3A_562 : vector<1x16xf32> to vector<16xf32>
      %swap3A_564 = vector.shape_cast %max3A_555 : vector<16xf32> to vector<1x16xf32>
      tpu.vector_store %arg9[%swap3A_560, %swap3A_561], %swap3A_564 {strides = array<i32>} : memref<80x128xf32, #tpu.memory_space<vmem>>, vector<1x16xf32>,
      %mul3A_565 = arith.constant 2 : i32
      %mul3A_566 = arith.muli %scan3A_190, %mul3A_565 : i32
      %add3A_567 = arith.constant 1 : i32
      %add3A_568 = arith.addi %mul3A_566, %add3A_567 : i32
      %get3A_569 = arith.index_cast %add3A_568 : i32 to index
      %get3A_570 = arith.constant 80 : index
      %get3A_571 = tpu.vector_load %arg9[%get3A_569, %get3A_570] {strides = array<i32>} : memref<80x128xf32, #tpu.memory_space<vmem>>, vector<1x16xf32>,
      %get3A_572 = vector.shape_cast %get3A_571 : vector<1x16xf32> to vector<16xf32>
      %mul3A_573 = arith.constant 2 : i32
      %mul3A_574 = arith.muli %scan3A_190, %mul3A_573 : i32
      %add3A_575 = arith.constant 1 : i32
      %add3A_576 = arith.addi %mul3A_574, %add3A_575 : i32
      %get3A_577 = arith.index_cast %add3A_576 : i32 to index
      %get3A_578 = arith.constant 80 : index
      %get3A_579 = tpu.vector_load %arg10[%get3A_577, %get3A_578] {strides = array<i32>} : memref<80x128xf32, #tpu.memory_space<vmem>>, vector<1x16xf32>,
      %get3A_580 = vector.shape_cast %get3A_579 : vector<1x16xf32> to vector<16xf32>
      %add3A_581 = arith.addf %get3A_572, %get3A_580 : vector<16xf32>
      %max3A_582 = arith.constant 0.000000e+00 : f32
      %max3A_583 = vector.broadcast %max3A_582 : f32 to vector<16xf32>
      %max3A_584 = arith.maximumf %add3A_581, %max3A_583 : vector<16xf32>
      %mul3A_585 = arith.constant 2 : i32
      %mul3A_586 = arith.muli %scan3A_190, %mul3A_585 : i32
      %add3A_587 = arith.constant 1 : i32
      %add3A_588 = arith.addi %mul3A_586, %add3A_587 : i32
      %swap3A_589 = arith.index_cast %add3A_588 : i32 to index
      %swap3A_590 = arith.constant 80 : index
      %swap3A_591 = tpu.vector_load %arg9[%swap3A_589, %swap3A_590] {strides = array<i32>} : memref<80x128xf32, #tpu.memory_space<vmem>>, vector<1x16xf32>,
      %swap3A_592 = vector.shape_cast %swap3A_591 : vector<1x16xf32> to vector<16xf32>
      %swap3A_593 = vector.shape_cast %max3A_584 : vector<16xf32> to vector<1x16xf32>
      tpu.vector_store %arg9[%swap3A_589, %swap3A_590], %swap3A_593 {strides = array<i32>} : memref<80x128xf32, #tpu.memory_space<vmem>>, vector<1x16xf32>,
      %mul3A_594 = arith.constant 2 : i32
      %mul3A_595 = arith.muli %scan3A_190, %mul3A_594 : i32
      %add3A_596 = arith.constant 1 : i32
      %add3A_597 = arith.addi %mul3A_595, %add3A_596 : i32
      %get3A_598 = arith.index_cast %add3A_597 : i32 to index
      %get3A_599 = arith.constant 96 : index
      %get3A_600 = tpu.vector_load %arg9[%get3A_598, %get3A_599] {strides = array<i32>} : memref<80x128xf32, #tpu.memory_space<vmem>>, vector<1x16xf32>,
      %get3A_601 = vector.shape_cast %get3A_600 : vector<1x16xf32> to vector<16xf32>
      %mul3A_602 = arith.constant 2 : i32
      %mul3A_603 = arith.muli %scan3A_190, %mul3A_602 : i32
      %add3A_604 = arith.constant 1 : i32
      %add3A_605 = arith.addi %mul3A_603, %add3A_604 : i32
      %get3A_606 = arith.index_cast %add3A_605 : i32 to index
      %get3A_607 = arith.constant 96 : index
      %get3A_608 = tpu.vector_load %arg10[%get3A_606, %get3A_607] {strides = array<i32>} : memref<80x128xf32, #tpu.memory_space<vmem>>, vector<1x16xf32>,
      %get3A_609 = vector.shape_cast %get3A_608 : vector<1x16xf32> to vector<16xf32>
      %add3A_610 = arith.addf %get3A_601, %get3A_609 : vector<16xf32>
      %max3A_611 = arith.constant 0.000000e+00 : f32
      %max3A_612 = vector.broadcast %max3A_611 : f32 to vector<16xf32>
      %max3A_613 = arith.maximumf %add3A_610, %max3A_612 : vector<16xf32>
      %mul3A_614 = arith.constant 2 : i32
      %mul3A_615 = arith.muli %scan3A_190, %mul3A_614 : i32
      %add3A_616 = arith.constant 1 : i32
      %add3A_617 = arith.addi %mul3A_615, %add3A_616 : i32
      %swap3A_618 = arith.index_cast %add3A_617 : i32 to index
      %swap3A_619 = arith.constant 96 : index
      %swap3A_620 = tpu.vector_load %arg9[%swap3A_618, %swap3A_619] {strides = array<i32>} : memref<80x128xf32, #tpu.memory_space<vmem>>, vector<1x16xf32>,
      %swap3A_621 = vector.shape_cast %swap3A_620 : vector<1x16xf32> to vector<16xf32>
      %swap3A_622 = vector.shape_cast %max3A_613 : vector<16xf32> to vector<1x16xf32>
      tpu.vector_store %arg9[%swap3A_618, %swap3A_619], %swap3A_622 {strides = array<i32>} : memref<80x128xf32, #tpu.memory_space<vmem>>, vector<1x16xf32>,
      %mul3A_623 = arith.constant 2 : i32
      %mul3A_624 = arith.muli %scan3A_190, %mul3A_623 : i32
      %add3A_625 = arith.constant 1 : i32
      %add3A_626 = arith.addi %mul3A_624, %add3A_625 : i32
      %get3A_627 = arith.index_cast %add3A_626 : i32 to index
      %get3A_628 = arith.constant 112 : index
      %get3A_629 = tpu.vector_load %arg9[%get3A_627, %get3A_628] {strides = array<i32>} : memref<80x128xf32, #tpu.memory_space<vmem>>, vector<1x16xf32>,
      %get3A_630 = vector.shape_cast %get3A_629 : vector<1x16xf32> to vector<16xf32>
      %mul3A_631 = arith.constant 2 : i32
      %mul3A_632 = arith.muli %scan3A_190, %mul3A_631 : i32
      %add3A_633 = arith.constant 1 : i32
      %add3A_634 = arith.addi %mul3A_632, %add3A_633 : i32
      %get3A_635 = arith.index_cast %add3A_634 : i32 to index
      %get3A_636 = arith.constant 112 : index
      %get3A_637 = tpu.vector_load %arg10[%get3A_635, %get3A_636] {strides = array<i32>} : memref<80x128xf32, #tpu.memory_space<vmem>>, vector<1x16xf32>,
      %get3A_638 = vector.shape_cast %get3A_637 : vector<1x16xf32> to vector<16xf32>
      %add3A_639 = arith.addf %get3A_630, %get3A_638 : vector<16xf32>
      %max3A_640 = arith.constant 0.000000e+00 : f32
      %max3A_641 = vector.broadcast %max3A_640 : f32 to vector<16xf32>
      %max3A_642 = arith.maximumf %add3A_639, %max3A_641 : vector<16xf32>
      %mul3A_643 = arith.constant 2 : i32
      %mul3A_644 = arith.muli %scan3A_190, %mul3A_643 : i32
      %add3A_645 = arith.constant 1 : i32
      %add3A_646 = arith.addi %mul3A_644, %add3A_645 : i32
      %swap3A_647 = arith.index_cast %add3A_646 : i32 to index
      %swap3A_648 = arith.constant 112 : index
      %swap3A_649 = tpu.vector_load %arg9[%swap3A_647, %swap3A_648] {strides = array<i32>} : memref<80x128xf32, #tpu.memory_space<vmem>>, vector<1x16xf32>,
      %swap3A_650 = vector.shape_cast %swap3A_649 : vector<1x16xf32> to vector<16xf32>
      %swap3A_651 = vector.shape_cast %max3A_642 : vector<16xf32> to vector<1x16xf32>
      tpu.vector_store %arg9[%swap3A_647, %swap3A_648], %swap3A_651 {strides = array<i32>} : memref<80x128xf32, #tpu.memory_space<vmem>>, vector<1x16xf32>,
    }
    %scan3A_175 = arith.constant 40 : i32
    %dma_start3A_176 = arith.constant 0 : i32
    %dma_start3A_177 = arith.constant 0 : i32
    %dma_start3A_178 = tpu.memref_slice %arg15[%dma_start3A_176, %dma_start3A_177] : memref<10240x128xf32, #tpu.memory_space<vmem_shared>> -> memref<10240x128xf32, #tpu.memory_space<vmem_shared>>
    tpu.enqueue_indirect_dma source(%arg9 : memref<80x128xf32, #tpu.memory_space<vmem>>) target(%dma_start3A_178 : memref<10240x128xf32, #tpu.memory_space<vmem_shared>>) offsets(%arg8 : memref<80xi32, #tpu.memory_space<vmem>>) semaphore(%arg18 : memref<!tpu.dma_semaphore, #tpu.memory_space<semaphore_mem>>) {add = true}
    %dma_wait3A_179 = arith.constant 0 : i32
    %dma_wait3A_180 = arith.constant 0 : i32
    %dma_wait3A_181 = tpu.memref_slice %arg15[%dma_wait3A_179, %dma_wait3A_180] : memref<10240x128xf32, #tpu.memory_space<vmem_shared>> -> memref<10240x128xf32, #tpu.memory_space<vmem_shared>>
    tpu.wait_indirect_dma semaphore(%arg18 : memref<!tpu.dma_semaphore, #tpu.memory_space<semaphore_mem>>) src(%arg9 : memref<80x128xf32, #tpu.memory_space<vmem>>) dst(%dma_wait3A_181 : memref<10240x128xf32, #tpu.memory_space<vmem_shared>>)
    %barrier3A_182 = arith.constant 0 : index
    tpu.barrier barrier_id(%barrier3A_182)
    %mul3A_183 = arith.constant 640 : i32
    %mul3A_184 = arith.muli %arg1, %mul3A_183 : i32
    %mul3A_185 = arith.constant 10240 : i32
    %mul3A_186 = arith.muli %arg0, %mul3A_185 : i32
    %mul3A_187 = arith.constant 640 : i32
    %mul3A_188 = arith.muli %arg1, %mul3A_187 : i32
    %add3A_189 = arith.addi %mul3A_186, %mul3A_188 : i32
    "tpu.region"() ({
      %run_scoped3A = tpu.sem_alloc : memref<!tpu.dma_semaphore, #tpu.memory_space<semaphore_mem>>
      %dma_start3A_190 = arith.constant 0 : i32
      %dma_start3A_191 = tpu.memref_slice %arg6[%add3A_189, %dma_start3A_190] : memref<20480x128xf32, #tpu.memory_space<hbm>> -> memref<640x128xf32, #tpu.memory_space<hbm>>
      %dma_start3A_192 = arith.constant 0 : i32
      %dma_start3A_193 = tpu.memref_slice %arg15[%mul3A_184, %dma_start3A_192] : memref<10240x128xf32, #tpu.memory_space<vmem_shared>> -> memref<640x128xf32, #tpu.memory_space<vmem_shared>>
      tpu.enqueue_dma source(%dma_start3A_193 : memref<640x128xf32, #tpu.memory_space<vmem_shared>>) target(%dma_start3A_191 : memref<640x128xf32, #tpu.memory_space<hbm>>) target_semaphore(%run_scoped3A : memref<!tpu.dma_semaphore, #tpu.memory_space<semaphore_mem>>)
      %dma_wait3A_194 = arith.constant 0 : i32
      %dma_wait3A_195 = tpu.memref_slice %arg6[%add3A_189, %dma_wait3A_194] : memref<20480x128xf32, #tpu.memory_space<hbm>> -> memref<640x128xf32, #tpu.memory_space<hbm>>
      %dma_wait3A_196 = arith.constant 0 : i32
      %dma_wait3A_197 = tpu.memref_slice %arg15[%mul3A_184, %dma_wait3A_196] : memref<10240x128xf32, #tpu.memory_space<vmem_shared>> -> memref<640x128xf32, #tpu.memory_space<vmem_shared>>
      tpu.wait_dma2 semaphore(%run_scoped3A : memref<!tpu.dma_semaphore, #tpu.memory_space<semaphore_mem>>) src(%dma_wait3A_197 : memref<640x128xf32, #tpu.memory_space<vmem_shared>>) dst(%dma_wait3A_195 : memref<640x128xf32, #tpu.memory_space<hbm>>)
      tpu.yield
    }) : () -> ()
    return
  }
}

module attributes {stable_mosaic.version = 14 : i64} {
  func.func @_h_body(%arg0: i32, %arg1: memref<1000x128xf32, #tpu.memory_space<vmem>>, %arg2: memref<128x128xf32, #tpu.memory_space<vmem>>, %arg3: memref<1x128xf32, #tpu.memory_space<vmem>>, %arg4: memref<1000x128xf32, #tpu.memory_space<vmem>>) attributes {dimension_semantics = [#tpu.dimension_semantics<arbitrary>], iteration_bounds = array<i64: 10>, scalar_prefetch = 0 : i64, scratch_operands = 0 : i64, tpu.core_type = #tpu.core_type<tc>, window_params = [{transform_indices = @transform_0, window_bounds = array<i64: 1000, 128>}, {pipeline_mode = #tpu.pipeline_mode<synchronous>, transform_indices = @transform_1, window_bounds = array<i64: 128, 128>}, {pipeline_mode = #tpu.pipeline_mode<synchronous>, transform_indices = @transform_2, window_bounds = array<i64: 1, 128>}, {transform_indices = @transform_3, window_bounds = array<i64: 1000, 128>}]} {
    %get3A = arith.constant 0 : index
    %get3A_0 = arith.constant 0 : index
    %get3A_1 = vector.load %arg1[%get3A, %get3A_0] : memref<1000x128xf32, #tpu.memory_space<vmem>>, vector<1000x128xf32>
    %get3A_2 = arith.constant 0 : index
    %get3A_3 = arith.constant 0 : index
    %get3A_4 = vector.load %arg2[%get3A_2, %get3A_3] : memref<128x128xf32, #tpu.memory_space<vmem>>, vector<128x128xf32>
    %dot_general3A = arith.constant dense<0.000000e+00> : vector<1000x128xf32>
    %dot_general3A_5 = tpu.matmul %get3A_1, %get3A_4, %dot_general3A {dimension_numbers = #tpu.dot_dimension_numbers<[1], [0], [0], [1], [0, 0, 1, 1], [], []>, transpose_lhs_hint = false} : vector<1000x128xf32>, vector<128x128xf32>, vector<1000x128xf32> -> vector<1000x128xf32>
    %get3A_6 = arith.constant 0 : index
    %get3A_7 = arith.constant 0 : index
    %get3A_8 = vector.load %arg3[%get3A_6, %get3A_7] : memref<1x128xf32, #tpu.memory_space<vmem>>, vector<1x128xf32>
    %add3A = vector.broadcast %get3A_8 : vector<1x128xf32> to vector<1000x128xf32>
    %add3A_9 = arith.addf %dot_general3A_5, %add3A : vector<1000x128xf32>
    %max3A = arith.constant 0.000000e+00 : f32
    %max3A_10 = vector.broadcast %max3A : f32 to vector<1000x128xf32>
    %max3A_11 = arith.maximumf %add3A_9, %max3A_10 : vector<1000x128xf32>
    %swap3A = arith.constant 0 : index
    %swap3A_12 = arith.constant 0 : index
    %swap3A_13 = vector.load %arg4[%swap3A, %swap3A_12] : memref<1000x128xf32, #tpu.memory_space<vmem>>, vector<1000x128xf32>
    tpu.vector_store %arg4[%swap3A, %swap3A_12], %max3A_11 {strides = array<i32>} : memref<1000x128xf32, #tpu.memory_space<vmem>>, vector<1000x128xf32>,
    return
  }
  func.func @transform_0(%arg0: i32) -> (i32, i32) {
    %c0_i32 = arith.constant 0 : i32
    %c0_i32_0 = arith.constant 0 : i32
    return %arg0, %c0_i32 : i32, i32
  }
  func.func @transform_1(%arg0: i32) -> (i32, i32) {
    %c0_i32 = arith.constant 0 : i32
    %c0_i32_0 = arith.constant 0 : i32
    %c0_i32_1 = arith.constant 0 : i32
    return %c0_i32, %c0_i32_0 : i32, i32
  }
  func.func @transform_2(%arg0: i32) -> (i32, i32) {
    %c0_i32 = arith.constant 0 : i32
    %c0_i32_0 = arith.constant 0 : i32
    %c0_i32_1 = arith.constant 0 : i32
    return %c0_i32, %c0_i32_0 : i32, i32
  }
  func.func @transform_3(%arg0: i32) -> (i32, i32) {
    %c0_i32 = arith.constant 0 : i32
    %c0_i32_0 = arith.constant 0 : i32
    return %arg0, %c0_i32 : i32, i32
  }
}

module attributes {stable_mosaic.version = 14 : i64} {
  func.func @_post_body(%arg0: i32, %arg1: memref<1000x128xf32, #tpu.memory_space<vmem>>, %arg2: memref<1x1000x128xf32, #tpu.memory_space<vmem>>, %arg3: memref<1x1000x128xf32, #tpu.memory_space<vmem>>, %arg4: memref<1x1x1000xi32, #tpu.memory_space<vmem>>, %arg5: memref<1x16xf32, #tpu.memory_space<vmem>>, %arg6: memref<128x256xf32, #tpu.memory_space<vmem>>, %arg7: memref<1x256xf32, #tpu.memory_space<vmem>>, %arg8: memref<256x128xf32, #tpu.memory_space<vmem>>, %arg9: memref<1x128xf32, #tpu.memory_space<vmem>>, %arg10: memref<128x128xf32, #tpu.memory_space<vmem>>, %arg11: memref<1x128xf32, #tpu.memory_space<vmem>>, %arg12: memref<1x128xf32, #tpu.memory_space<vmem>>, %arg13: memref<128x128xf32, #tpu.memory_space<vmem>>, %arg14: memref<1x128xf32, #tpu.memory_space<vmem>>, %arg15: memref<128x1xf32, #tpu.memory_space<vmem>>, %arg16: memref<1x1xf32, #tpu.memory_space<vmem>>, %arg17: memref<16x1xf32, #tpu.memory_space<vmem>>, %arg18: memref<16x128xf32, #tpu.memory_space<vmem>>) attributes {dimension_semantics = [#tpu.dimension_semantics<arbitrary>], iteration_bounds = array<i64: 10>, scalar_prefetch = 0 : i64, scratch_operands = 1 : i64, tpu.core_type = #tpu.core_type<tc>, window_params = [{transform_indices = @transform_0, window_bounds = array<i64: 1000, 128>}, {transform_indices = @transform_1, window_bounds = array<i64: 1, 1000, 128>}, {transform_indices = @transform_2, window_bounds = array<i64: 1, 1000, 128>}, {transform_indices = @transform_3, window_bounds = array<i64: 1, 1, 1000>}, {pipeline_mode = #tpu.pipeline_mode<synchronous>, transform_indices = @transform_4, window_bounds = array<i64: 1, 16>}, {pipeline_mode = #tpu.pipeline_mode<synchronous>, transform_indices = @transform_5, window_bounds = array<i64: 128, 256>}, {pipeline_mode = #tpu.pipeline_mode<synchronous>, transform_indices = @transform_6, window_bounds = array<i64: 1, 256>}, {pipeline_mode = #tpu.pipeline_mode<synchronous>, transform_indices = @transform_7, window_bounds = array<i64: 256, 128>}, {pipeline_mode = #tpu.pipeline_mode<synchronous>, transform_indices = @transform_8, window_bounds = array<i64: 1, 128>}, {pipeline_mode = #tpu.pipeline_mode<synchronous>, transform_indices = @transform_9, window_bounds = array<i64: 128, 128>}, {pipeline_mode = #tpu.pipeline_mode<synchronous>, transform_indices = @transform_10, window_bounds = array<i64: 1, 128>}, {pipeline_mode = #tpu.pipeline_mode<synchronous>, transform_indices = @transform_11, window_bounds = array<i64: 1, 128>}, {pipeline_mode = #tpu.pipeline_mode<synchronous>, transform_indices = @transform_12, window_bounds = array<i64: 128, 128>}, {pipeline_mode = #tpu.pipeline_mode<synchronous>, transform_indices = @transform_13, window_bounds = array<i64: 1, 128>}, {pipeline_mode = #tpu.pipeline_mode<synchronous>, transform_indices = @transform_14, window_bounds = array<i64: 128, 1>}, {pipeline_mode = #tpu.pipeline_mode<synchronous>, transform_indices = @transform_15, window_bounds = array<i64: 1, 1>}, {pipeline_mode = #tpu.pipeline_mode<synchronous>, transform_indices = @transform_16, window_bounds = array<i64: 16, 1>}]} {
    %get3A = arith.constant 0 : index
    %get3A_0 = arith.constant 0 : index
    %get3A_1 = vector.load %arg1[%get3A, %get3A_0] : memref<1000x128xf32, #tpu.memory_space<vmem>>, vector<1000x128xf32>
    %get3A_2 = arith.constant 0 : index
    %get3A_3 = arith.constant 0 : index
    %get3A_4 = arith.constant 0 : index
    %get3A_5 = vector.load %arg2[%get3A_2, %get3A_3, %get3A_4] : memref<1x1000x128xf32, #tpu.memory_space<vmem>>, vector<1x1000x128xf32>
    %get3A_6 = vector.shape_cast %get3A_5 : vector<1x1000x128xf32> to vector<1000x128xf32>
    %add3A = arith.addf %get3A_1, %get3A_6 : vector<1000x128xf32>
    %get3A_7 = arith.constant 0 : index
    %get3A_8 = arith.constant 0 : index
    %get3A_9 = arith.constant 0 : index
    %get3A_10 = vector.load %arg3[%get3A_7, %get3A_8, %get3A_9] : memref<1x1000x128xf32, #tpu.memory_space<vmem>>, vector<1x1000x128xf32>
    %get3A_11 = vector.shape_cast %get3A_10 : vector<1x1000x128xf32> to vector<1000x128xf32>
    %add3A_12 = arith.addf %add3A, %get3A_11 : vector<1000x128xf32>
    %get3A_13 = arith.constant 0 : index
    %get3A_14 = arith.constant 0 : index
    %get3A_15 = vector.load %arg6[%get3A_13, %get3A_14] : memref<128x256xf32, #tpu.memory_space<vmem>>, vector<128x256xf32>
    %dot_general3A = arith.constant dense<0.000000e+00> : vector<1000x256xf32>
    %dot_general3A_16 = tpu.matmul %add3A_12, %get3A_15, %dot_general3A {dimension_numbers = #tpu.dot_dimension_numbers<[1], [0], [0], [1], [0, 0, 1, 1], [], []>, transpose_lhs_hint = false} : vector<1000x128xf32>, vector<128x256xf32>, vector<1000x256xf32> -> vector<1000x256xf32>
    %get3A_17 = arith.constant 0 : index
    %get3A_18 = arith.constant 0 : index
    %get3A_19 = vector.load %arg7[%get3A_17, %get3A_18] : memref<1x256xf32, #tpu.memory_space<vmem>>, vector<1x256xf32>
    %add3A_20 = vector.broadcast %get3A_19 : vector<1x256xf32> to vector<1000x256xf32>
    %add3A_21 = arith.addf %dot_general3A_16, %add3A_20 : vector<1000x256xf32>
    %max3A = arith.constant 0.000000e+00 : f32
    %max3A_22 = vector.broadcast %max3A : f32 to vector<1000x256xf32>
    %max3A_23 = arith.maximumf %add3A_21, %max3A_22 : vector<1000x256xf32>
    %get3A_24 = arith.constant 0 : index
    %get3A_25 = arith.constant 0 : index
    %get3A_26 = vector.load %arg8[%get3A_24, %get3A_25] : memref<256x128xf32, #tpu.memory_space<vmem>>, vector<256x128xf32>
    %dot_general3A_27 = arith.constant dense<0.000000e+00> : vector<1000x128xf32>
    %dot_general3A_28 = tpu.matmul %max3A_23, %get3A_26, %dot_general3A_27 {dimension_numbers = #tpu.dot_dimension_numbers<[1], [0], [0], [1], [0, 0, 1, 1], [], []>, transpose_lhs_hint = false} : vector<1000x256xf32>, vector<256x128xf32>, vector<1000x128xf32> -> vector<1000x128xf32>
    %get3A_29 = arith.constant 0 : index
    %get3A_30 = arith.constant 0 : index
    %get3A_31 = vector.load %arg9[%get3A_29, %get3A_30] : memref<1x128xf32, #tpu.memory_space<vmem>>, vector<1x128xf32>
    %add3A_32 = vector.broadcast %get3A_31 : vector<1x128xf32> to vector<1000x128xf32>
    %add3A_33 = arith.addf %dot_general3A_28, %add3A_32 : vector<1000x128xf32>
    %max3A_34 = arith.constant 0.000000e+00 : f32
    %max3A_35 = vector.broadcast %max3A_34 : f32 to vector<1000x128xf32>
    %max3A_36 = arith.maximumf %add3A_33, %max3A_35 : vector<1000x128xf32>
    %get3A_37 = arith.constant 0 : index
    %get3A_38 = arith.constant 0 : index
    %get3A_39 = arith.constant 0 : index
    %get3A_40 = vector.load %arg4[%get3A_37, %get3A_38, %get3A_39] : memref<1x1x1000xi32, #tpu.memory_space<vmem>>, vector<1x1x1000xi32>
    %get3A_41 = vector.shape_cast %get3A_40 : vector<1x1x1000xi32> to vector<1000xi32>
    %broadcast_in_dim3A = vector.shape_cast %get3A_41 : vector<1000xi32> to vector<1000x1xi32>
    %iota3A = tpu.iota {dimensions = array<i32: 1>} : vector<1000x16xi32>
    %eq3A = vector.broadcast %broadcast_in_dim3A : vector<1000x1xi32> to vector<1000x16xi32>
    %eq3A_42 = arith.cmpi eq, %eq3A, %iota3A : vector<1000x16xi32>
    %convert_element_type3A = arith.extui %eq3A_42 : vector<1000x16xi1> to vector<1000x16xi32>
    %convert_element_type3A_43 = arith.sitofp %convert_element_type3A : vector<1000x16xi32> to vector<1000x16xf32>
    %dot_general3A_44 = arith.constant dense<0.000000e+00> : vector<16x128xf32>
    %dot_general3A_45 = tpu.matmul %convert_element_type3A_43, %max3A_36, %dot_general3A_44 {dimension_numbers = #tpu.dot_dimension_numbers<[0], [0], [1], [1], [0, 1, 1, 1], [], []>, transpose_lhs_hint = false} : vector<1000x16xf32>, vector<1000x128xf32>, vector<16x128xf32> -> vector<16x128xf32>
    %eq3A_46 = arith.constant 0 : i32
    %eq3A_47 = arith.cmpi eq, %arg0, %eq3A_46 : i32
    %convert_element_type3A_48 = arith.extui %eq3A_47 : i1 to i32
    %cond3A = arith.constant 0 : i32
    %cond3A_49 = arith.cmpi ne, %convert_element_type3A_48, %cond3A : i32
    scf.if %cond3A_49 {
      %swap3A = arith.constant 0 : index
      %swap3A_59 = arith.constant 0 : index
      %swap3A_60 = vector.load %arg18[%swap3A, %swap3A_59] : memref<16x128xf32, #tpu.memory_space<vmem>>, vector<16x128xf32>
      tpu.vector_store %arg18[%swap3A, %swap3A_59], %dot_general3A_45 {strides = array<i32>} : memref<16x128xf32, #tpu.memory_space<vmem>>, vector<16x128xf32>,
    } else {
    }
    %gt3A = arith.constant 0 : i32
    %gt3A_50 = arith.cmpi sgt, %arg0, %gt3A : i32
    %convert_element_type3A_51 = arith.extui %gt3A_50 : i1 to i32
    %cond3A_52 = arith.constant 0 : i32
    %cond3A_53 = arith.cmpi ne, %convert_element_type3A_51, %cond3A_52 : i32
    scf.if %cond3A_53 {
      %get3A_59 = arith.constant 0 : index
      %get3A_60 = arith.constant 0 : index
      %get3A_61 = vector.load %arg18[%get3A_59, %get3A_60] : memref<16x128xf32, #tpu.memory_space<vmem>>, vector<16x128xf32>
      %add3A_62 = arith.addf %get3A_61, %dot_general3A_45 : vector<16x128xf32>
      %swap3A = arith.constant 0 : index
      %swap3A_63 = arith.constant 0 : index
      %swap3A_64 = vector.load %arg18[%swap3A, %swap3A_63] : memref<16x128xf32, #tpu.memory_space<vmem>>, vector<16x128xf32>
      tpu.vector_store %arg18[%swap3A, %swap3A_63], %add3A_62 {strides = array<i32>} : memref<16x128xf32, #tpu.memory_space<vmem>>, vector<16x128xf32>,
    } else {
    }
    %eq3A_54 = arith.constant 9 : i32
    %eq3A_55 = arith.cmpi eq, %arg0, %eq3A_54 : i32
    %convert_element_type3A_56 = arith.extui %eq3A_55 : i1 to i32
    %cond3A_57 = arith.constant 0 : i32
    %cond3A_58 = arith.cmpi ne, %convert_element_type3A_56, %cond3A_57 : i32
    scf.if %cond3A_58 {
      %get3A_59 = arith.constant 0 : index
      %get3A_60 = arith.constant 0 : index
      %get3A_61 = vector.load %arg5[%get3A_59, %get3A_60] : memref<1x16xf32, #tpu.memory_space<vmem>>, vector<1x16xf32>
      %get3A_62 = vector.shape_cast %get3A_61 : vector<1x16xf32> to vector<16xf32>
      %mul3A = arith.constant 1.000000e+01 : f32
      %mul3A_63 = vector.broadcast %mul3A : f32 to vector<16xf32>
      %mul3A_64 = arith.mulf %mul3A_63, %get3A_62 : vector<16xf32>
      %get3A_65 = arith.constant 0 : index
      %get3A_66 = arith.constant 0 : index
      %get3A_67 = vector.load %arg18[%get3A_65, %get3A_66] : memref<16x128xf32, #tpu.memory_space<vmem>>, vector<16x128xf32>
      %get3A_68 = arith.constant 0 : index
      %get3A_69 = arith.constant 0 : index
      %get3A_70 = vector.load %arg10[%get3A_68, %get3A_69] : memref<128x128xf32, #tpu.memory_space<vmem>>, vector<128x128xf32>
      %dot_general3A_71 = arith.constant dense<0.000000e+00> : vector<16x128xf32>
      %dot_general3A_72 = tpu.matmul %get3A_67, %get3A_70, %dot_general3A_71 {dimension_numbers = #tpu.dot_dimension_numbers<[1], [0], [0], [1], [0, 0, 1, 1], [], []>, transpose_lhs_hint = false} : vector<16x128xf32>, vector<128x128xf32>, vector<16x128xf32> -> vector<16x128xf32>
      %broadcast_in_dim3A_73 = vector.shape_cast %mul3A_64 : vector<16xf32> to vector<16x1xf32>
      %get3A_74 = arith.constant 0 : index
      %get3A_75 = arith.constant 0 : index
      %get3A_76 = vector.load %arg11[%get3A_74, %get3A_75] : memref<1x128xf32, #tpu.memory_space<vmem>>, vector<1x128xf32>
      %mul3A_77 = vector.broadcast %broadcast_in_dim3A_73 : vector<16x1xf32> to vector<16x128xf32>
      %mul3A_78 = vector.broadcast %get3A_76 : vector<1x128xf32> to vector<16x128xf32>
      %mul3A_79 = arith.mulf %mul3A_77, %mul3A_78 : vector<16x128xf32>
      %add3A_80 = arith.addf %dot_general3A_72, %mul3A_79 : vector<16x128xf32>
      %get3A_81 = arith.constant 0 : index
      %get3A_82 = arith.constant 0 : index
      %get3A_83 = vector.load %arg12[%get3A_81, %get3A_82] : memref<1x128xf32, #tpu.memory_space<vmem>>, vector<1x128xf32>
      %add3A_84 = vector.broadcast %get3A_83 : vector<1x128xf32> to vector<16x128xf32>
      %add3A_85 = arith.addf %add3A_80, %add3A_84 : vector<16x128xf32>
      %max3A_86 = arith.constant 0.000000e+00 : f32
      %max3A_87 = vector.broadcast %max3A_86 : f32 to vector<16x128xf32>
      %max3A_88 = arith.maximumf %add3A_85, %max3A_87 : vector<16x128xf32>
      %get3A_89 = arith.constant 0 : index
      %get3A_90 = arith.constant 0 : index
      %get3A_91 = vector.load %arg13[%get3A_89, %get3A_90] : memref<128x128xf32, #tpu.memory_space<vmem>>, vector<128x128xf32>
      %dot_general3A_92 = arith.constant dense<0.000000e+00> : vector<16x128xf32>
      %dot_general3A_93 = tpu.matmul %max3A_88, %get3A_91, %dot_general3A_92 {dimension_numbers = #tpu.dot_dimension_numbers<[1], [0], [0], [1], [0, 0, 1, 1], [], []>, transpose_lhs_hint = false} : vector<16x128xf32>, vector<128x128xf32>, vector<16x128xf32> -> vector<16x128xf32>
      %get3A_94 = arith.constant 0 : index
      %get3A_95 = arith.constant 0 : index
      %get3A_96 = vector.load %arg14[%get3A_94, %get3A_95] : memref<1x128xf32, #tpu.memory_space<vmem>>, vector<1x128xf32>
      %add3A_97 = vector.broadcast %get3A_96 : vector<1x128xf32> to vector<16x128xf32>
      %add3A_98 = arith.addf %dot_general3A_93, %add3A_97 : vector<16x128xf32>
      %max3A_99 = arith.constant 0.000000e+00 : f32
      %max3A_100 = vector.broadcast %max3A_99 : f32 to vector<16x128xf32>
      %max3A_101 = arith.maximumf %add3A_98, %max3A_100 : vector<16x128xf32>
      %get3A_102 = arith.constant 0 : index
      %get3A_103 = arith.constant 0 : index
      %get3A_104 = vector.load %arg15[%get3A_102, %get3A_103] : memref<128x1xf32, #tpu.memory_space<vmem>>, vector<128x1xf32>
      %dot_general3A_105 = arith.constant dense<0.000000e+00> : vector<16x1xf32>
      %dot_general3A_106 = tpu.matmul %max3A_101, %get3A_104, %dot_general3A_105 {dimension_numbers = #tpu.dot_dimension_numbers<[1], [0], [0], [1], [0, 0, 1, 1], [], []>, transpose_lhs_hint = false} : vector<16x128xf32>, vector<128x1xf32>, vector<16x1xf32> -> vector<16x1xf32>
      %get3A_107 = arith.constant 0 : index
      %get3A_108 = arith.constant 0 : index
      %get3A_109 = vector.load %arg16[%get3A_107, %get3A_108] : memref<1x1xf32, #tpu.memory_space<vmem>>, vector<1x1xf32>
      %add3A_110 = vector.broadcast %get3A_109 : vector<1x1xf32> to vector<16x1xf32>
      %add3A_111 = arith.addf %dot_general3A_106, %add3A_110 : vector<16x1xf32>
      %swap3A = arith.constant 0 : index
      %swap3A_112 = arith.constant 0 : index
      %swap3A_113 = vector.load %arg17[%swap3A, %swap3A_112] : memref<16x1xf32, #tpu.memory_space<vmem>>, vector<16x1xf32>
      tpu.vector_store %arg17[%swap3A, %swap3A_112], %add3A_111 {strides = array<i32>} : memref<16x1xf32, #tpu.memory_space<vmem>>, vector<16x1xf32>,
    } else {
    }
    return
  }
  func.func @transform_0(%arg0: i32) -> (i32, i32) {
    %c0_i32 = arith.constant 0 : i32
    %c0_i32_0 = arith.constant 0 : i32
    return %arg0, %c0_i32 : i32, i32
  }
  func.func @transform_1(%arg0: i32) -> (i32, i32, i32) {
    %c0_i32 = arith.constant 0 : i32
    %c0_i32_0 = arith.constant 0 : i32
    %c0_i32_1 = arith.constant 0 : i32
    return %c0_i32, %arg0, %c0_i32_0 : i32, i32, i32
  }
  func.func @transform_2(%arg0: i32) -> (i32, i32, i32) {
    %c1_i32 = arith.constant 1 : i32
    %c0_i32 = arith.constant 0 : i32
    %c0_i32_0 = arith.constant 0 : i32
    return %c1_i32, %arg0, %c0_i32 : i32, i32, i32
  }
  func.func @transform_3(%arg0: i32) -> (i32, i32, i32) {
    %c0_i32 = arith.constant 0 : i32
    %c0_i32_0 = arith.constant 0 : i32
    %c0_i32_1 = arith.constant 0 : i32
    return %arg0, %c0_i32, %c0_i32_0 : i32, i32, i32
  }
  func.func @transform_4(%arg0: i32) -> (i32, i32) {
    %c0_i32 = arith.constant 0 : i32
    %c0_i32_0 = arith.constant 0 : i32
    %c0_i32_1 = arith.constant 0 : i32
    return %c0_i32, %c0_i32_0 : i32, i32
  }
  func.func @transform_5(%arg0: i32) -> (i32, i32) {
    %c0_i32 = arith.constant 0 : i32
    %c0_i32_0 = arith.constant 0 : i32
    %c0_i32_1 = arith.constant 0 : i32
    return %c0_i32, %c0_i32_0 : i32, i32
  }
  func.func @transform_6(%arg0: i32) -> (i32, i32) {
    %c0_i32 = arith.constant 0 : i32
    %c0_i32_0 = arith.constant 0 : i32
    %c0_i32_1 = arith.constant 0 : i32
    return %c0_i32, %c0_i32_0 : i32, i32
  }
  func.func @transform_7(%arg0: i32) -> (i32, i32) {
    %c0_i32 = arith.constant 0 : i32
    %c0_i32_0 = arith.constant 0 : i32
    %c0_i32_1 = arith.constant 0 : i32
    return %c0_i32, %c0_i32_0 : i32, i32
  }
  func.func @transform_8(%arg0: i32) -> (i32, i32) {
    %c0_i32 = arith.constant 0 : i32
    %c0_i32_0 = arith.constant 0 : i32
    %c0_i32_1 = arith.constant 0 : i32
    return %c0_i32, %c0_i32_0 : i32, i32
  }
  func.func @transform_9(%arg0: i32) -> (i32, i32) {
    %c0_i32 = arith.constant 0 : i32
    %c0_i32_0 = arith.constant 0 : i32
    %c0_i32_1 = arith.constant 0 : i32
    return %c0_i32, %c0_i32_0 : i32, i32
  }
  func.func @transform_10(%arg0: i32) -> (i32, i32) {
    %c0_i32 = arith.constant 0 : i32
    %c0_i32_0 = arith.constant 0 : i32
    %c0_i32_1 = arith.constant 0 : i32
    return %c0_i32, %c0_i32_0 : i32, i32
  }
  func.func @transform_11(%arg0: i32) -> (i32, i32) {
    %c0_i32 = arith.constant 0 : i32
    %c0_i32_0 = arith.constant 0 : i32
    %c0_i32_1 = arith.constant 0 : i32
    return %c0_i32, %c0_i32_0 : i32, i32
  }
  func.func @transform_12(%arg0: i32) -> (i32, i32) {
    %c0_i32 = arith.constant 0 : i32
    %c0_i32_0 = arith.constant 0 : i32
    %c0_i32_1 = arith.constant 0 : i32
    return %c0_i32, %c0_i32_0 : i32, i32
  }
  func.func @transform_13(%arg0: i32) -> (i32, i32) {
    %c0_i32 = arith.constant 0 : i32
    %c0_i32_0 = arith.constant 0 : i32
    %c0_i32_1 = arith.constant 0 : i32
    return %c0_i32, %c0_i32_0 : i32, i32
  }
  func.func @transform_14(%arg0: i32) -> (i32, i32) {
    %c0_i32 = arith.constant 0 : i32
    %c0_i32_0 = arith.constant 0 : i32
    %c0_i32_1 = arith.constant 0 : i32
    return %c0_i32, %c0_i32_0 : i32, i32
  }
  func.func @transform_15(%arg0: i32) -> (i32, i32) {
    %c0_i32 = arith.constant 0 : i32
    %c0_i32_0 = arith.constant 0 : i32
    %c0_i32_1 = arith.constant 0 : i32
    return %c0_i32, %c0_i32_0 : i32, i32
  }
  func.func @transform_16(%arg0: i32) -> (i32, i32) {
    %c0_i32 = arith.constant 0 : i32
    %c0_i32_0 = arith.constant 0 : i32
    %c0_i32_1 = arith.constant 0 : i32
    return %c0_i32, %c0_i32_0 : i32, i32
  }
}

</mosaic_0001>

<sc_bundles>
// kernel: kernel.5.cloned.1.call-start
scs
__scs_entry_jumppad:
0x0: {  	(pc) =	sbr.rel $0x88, $3  }
0x1: {  	(tag) =	ssettag $0x0;
	lr =	simm.s32 $0x1  }
0x2: {  	[smem:$0x3F91] =	sst lr;
	_ =	strace $0xD0000000  }
0x3: {  	_ = 	snop  }
0x4: {  	_ = 	snop  }
0x5: {  	_ = 	snop  }
0x6: {  	_ = 	snop  }
0x7: {  	_ = 	snop  }
__scs_overlays_trampoline_lowered:
0x8: {  	[smem:$0x3FA0] =	sst s0  }
0x9: {  	[smem:$0x3FA1] =	sst s1  }
0xa: {  	[smem:$0x3FA2] =	sst s2  }
0xb: {  	[smem:$0x3FA3] =	sst s3  }
0xc: {  	[smem:$0x3FA4] =	sst s4  }
0xd: {  	[smem:$0x3FA5] =	sst s5  }
0xe: {  	[smem:$0x3FA6] =	sst s6  }
0xf: {  	[smem:$0x3FA7] =	sst s7  }
0x10: {  	[smem:$0x3FA8] =	sst s8  }
0x11: {  	[smem:$0x3FA9] =	sst s9;
	s0 =	simm.s32 @!p0 $0x0  }
0x12: {  	s1 =	sld [smem:$0x3F8F];
	s0 =	simm.s32 @p0 $0x1  }
0x13: {  	[smem:$0x3FAA] =	sst s0;
	s0 =	simm.s32 @!p1 $0x0  }
0x14: {  	s2 =	sld [smem:$0x3F8E];
	s0 =	simm.s32 @p1 $0x1  }
0x15: {  	[smem:$0x3FAB] =	sst s0;
	s0 =	simm.s32 @!p2 $0x0  }
0x16: {  	s3 =	sld [smem:$0x3FDB];
	s0 =	simm.s32 @p2 $0x1  }
0x17: {  	s4 =	simm.s32 $0x1BF5;
	[smem:$0x3FAD] =	sst s0  }
0x18: {  	s0 =	sld [smem:$0x3F90];
	_ =	swait.ge [sflag:s4], $0x0  }
0x19: {  	s7 =	sld [smem:$0x3F91]  }
0x1a: {  	s8 =	sadd.s32 $0xFFFFE003, lr  }
0x1b: {  	s9 =	sadd.s32 $0xFFFFFEF7, lr;
	s5 =	simm.s32 $0xFFFFFFFF;
	p2 =	slt.u32 s8, $0xFFFFF086  }
0x1c: {  	p1 =	slt.u32 s9, $0xF7A;
	s5 =	simm.s32 @!p2 $0x0  }
0x1d: {  	s5 =	simm.s32 @p1 $0x1;
	p0 =	seq.s32 s7, s2  }
0x1e: {  	s7 =	smul.u32 @!p0 $0xF7A, s2;
	p2 =	seq.s32 @!p0 s5, $0x0  }
0x1f: {  	s9 =	smul.u32 $0xF7A, s1;
	s8 =	simm.s32 @!p0 $0x1BF5;
	p2 =	por !p2, p0  }
0x20: {  	[sflag:s8] =	ssyncset.s32 @!p0 $0xFFFFF086;
	s6 =	sadd.s32 @!p0 s3, s7;
	s7 =	simm.s32 @!p0 $0x108  }
0x21: {  	s3 =	sadd.s32 s3, s9;
	s6 =	sadd.s32 @!p0 $0x88, s6;
	s7 =	simm.s32 @p2 $0x1082  }
0x22: {  	[simem:s7], [sflag:s8] =	dma.local @!p0 [hbm:s6], $0xF7A  }
0x23: {  	s9 =	sor.u32 $0xD0000000, s2;
	s6 =	simm.s32 $0x108;
	_ =	swait.ge @!p0 [sflag:s8], $0x0  }
0x24: {  	s3 =	sadd.s32 $0x88, s3;
	s6 =	simm.s32 @!p1 $0x1082;
	[sflag:s4] =	ssyncset.s32 $0xFFFFF086  }
0x25: {  	[simem:s6], [sflag:s4] =	dma.local [hbm:s3], $0xF7A  }
0x26: {  	[smem:$0x3F91] =	sst s1;
	(tag) =	ssettag s2;
	_ =	strace s9  }
0x27: {  	s1 =	sld [smem:$0x3FA1]  }
0x28: {  	s2 =	sld [smem:$0x3FA2]  }
0x29: {  	s4 =	sld [smem:$0x3FA4]  }
0x2a: {  	p0 =	seq.s32 s5, $0x0;
	s5 =	sld [smem:$0x3FA5]  }
0x2b: {  	s6 =	sld [smem:$0x3FA6]  }
0x2c: {  	s7 =	sld [smem:$0x3FA7]  }
0x2d: {  	s3 =	simm.s32 $0x108;
	s8 =	sld [smem:$0x3FA8]  }
0x2e: {  	s3 =	simm.s32 @!p0 $0x1082;
	s9 =	sld [smem:$0x3FA9]  }
0x2f: {  	lr =	sadd.s32 s0, s3;
	s0 =	sld [smem:$0x3FA0]  }
0x30: {  	s3 =	sld [smem:$0x3FA3]  }
0x31: {  	[smem:$0x3FAC] =	sst s10  }
0x32: {  	s10 =	sld [smem:$0x3FAA];
	_ =	sdelay $0x3  }
0x33: {  	p0 =	seq.s32 s10, $0x1;
	s10 =	sld [smem:$0x3FAC];
	_ =	sdelay $0x3  }
0x34: {  	[smem:$0x3FAC] =	sst s10  }
0x35: {  	s10 =	sld [smem:$0x3FAB];
	_ =	sdelay $0x3  }
0x36: {  	p1 =	seq.s32 s10, $0x1;
	s10 =	sld [smem:$0x3FAC];
	_ =	sdelay $0x3  }
0x37: {  	[smem:$0x3FAC] =	sst s10  }
0x38: {  	s10 =	sld [smem:$0x3FAD]  }
0x39: {  	_ = 	snop;
	(pc) =	sbr.ind lr, $3  }
0x3a: {  	_ = 	snop  }
0x3b: {  	_ = 	snop  }
0x3c: {  	p2 =	seq.s32 s10, $0x1;
	s10 =	sld [smem:$0x3FAC]  }
0x3d: {  	_ =	shalt  }
0x3e: {  	_ =	shalt  }
0x3f: {  	_ =	shalt  }
0x40: {  	_ =	shalt  }
0x41: {  	_ =	shalt  }
0x42: {  	_ =	shalt  }
0x43: {  	_ =	shalt  }
0x44: {  	_ =	shalt  }
0x45: {  	_ =	shalt  }
0x46: {  	_ =	shalt  }
0x47: {  	_ =	shalt  }
0x48: {  	_ =	shalt  }
0x49: {  	_ =	shalt  }
0x4a: {  	_ =	shalt  }
0x4b: {  	_ =	shalt  }
0x4c: {  	_ =	shalt  }
0x4d: {  	_ =	shalt  }
0x4e: {  	_ =	shalt  }
0x4f: {  	_ =	shalt  }
0x50: {  	_ =	shalt  }
0x51: {  	_ =	shalt  }
0x52: {  	_ =	shalt  }
0x53: {  	_ =	shalt  }
0x54: {  	_ =	shalt  }
0x55: {  	_ =	shalt  }
0x56: {  	_ =	shalt  }
0x57: {  	_ =	shalt  }
0x58: {  	_ =	shalt  }
0x59: {  	_ =	shalt  }
0x5a: {  	_ =	shalt  }
0x5b: {  	_ =	shalt  }
0x5c: {  	_ =	shalt  }
0x5d: {  	_ =	shalt  }
0x5e: {  	_ =	shalt  }
0x5f: {  	_ =	shalt  }
0x60: {  	_ =	shalt  }
0x61: {  	_ =	shalt  }
0x62: {  	_ =	shalt  }
0x63: {  	_ =	shalt  }
0x64: {  	_ =	shalt  }
0x65: {  	_ =	shalt  }
0x66: {  	_ =	shalt  }
0x67: {  	_ =	shalt  }
0x68: {  	_ =	shalt  }
0x69: {  	_ =	shalt  }
0x6a: {  	_ =	shalt  }
0x6b: {  	_ =	shalt  }
0x6c: {  	_ =	shalt  }
0x6d: {  	_ =	shalt  }
0x6e: {  	_ =	shalt  }
0x6f: {  	_ =	shalt  }
0x70: {  	_ =	shalt  }
0x71: {  	_ =	shalt  }
0x72: {  	_ =	shalt  }
0x73: {  	_ =	shalt  }
0x74: {  	_ =	shalt  }
0x75: {  	_ =	shalt  }
0x76: {  	_ =	shalt  }
0x77: {  	_ =	shalt  }
0x78: {  	_ =	shalt  }
0x79: {  	_ =	shalt  }
0x7a: {  	_ =	shalt  }
0x7b: {  	_ =	shalt  }
0x7c: {  	_ =	shalt  }
0x7d: {  	_ =	shalt  }
0x7e: {  	_ =	shalt  }
0x7f: {  	_ =	shalt  }
0x80: {  	_ =	shalt  }
0x81: {  	_ =	shalt  }
0x82: {  	_ =	shalt  }
0x83: {  	_ =	shalt  }
0x84: {  	_ =	shalt  }
0x85: {  	_ =	shalt  }
0x86: {  	_ =	shalt  }
0x87: {  	_ =	shalt  }
.Lfunc_end0:
.L_simem_size_0:
called_computation_lowered:
.L_overlay_start_0:
0x88: {  	s2 =	sld [smem:$0x3FD9]  }
0x89: {  	s3 =	sld [smem:$0x3FFE];
	_ =	sdelay $0x1  }
0x8a: {  	s1 =	srdreg.scid  }
0x8b: {  	s0 =	sand.u32 $0x1, s1  }
0x8c: {  	s16 =	sshll.u32 s0, $0xA;
	s2 =	sadd.s32 s3, s2  }
0x8d: {  	s2 =	sadd.s32 s2, s16  }
0x8e: {  	[smem:$0x3FB8] =	sst s2  }
0x8f: {  	_ = 	snop  }
0x90: {  	(tm) =	ssettm $0x1  }
0x91: {  	s17 =	sld [smem:$0x3FFB];
	_ =	sdelay $0x3  }
0x92: {  	_ =	strace s17  }
0x93: {  	s2 =	sld [smem:$0x3FFC];
	_ =	sdelay $0x3  }
0x94: {  	_ =	strace s2  }
0x95: {  	s2 =	sld [smem:$0x3FFD];
	_ =	sdelay $0x3  }
0x96: {  	_ =	strace s2  }
0x97: {  	_ =	strace $0x8FFFFFFF  }
0x98: {  	s18 =	sld [smem:$0x3FDB];
	_ =	sdelay $0x1  }
0x99: {  	s19 =	simm.s32 $_scs_section_size  }
0x9a: {  	s4 =	simm.s32 $_size__tile_overlayer_lowered;
	s5 =	simm.s32 $_tile_overlayer_lowered  }
0x9b: {  	s22 =	simm.s32 $0x1BFF;
	s21 =	sshll.u32 s5, $0x1;
	s2 =	sadd.s32 s19, s18  }
0x9c: {  	s6 =	simm.s32 $0x0;
	s20 =	sshll.u32 s4, $0x1;
	s4 =	sadd.s32 s21, s2  }
0x9d: {  	[timem:s6], [sflag:s22] =	dma.local [hbm:s4], s20  }
0x9e: {  	_ =	swait.ge [sflag:s22], s20  }
0x9f: {  	s3 =	ssub.s32 $0x0, s20;
	[sflag:s22] =	ssyncset.done $0x0  }
0xa0: {  	[sflag:s22] =	ssyncadd.s32 s3;
	_ =	sdelay $0x1  }
0xa1: {  	s23 =	simm.s32 $0x1B8B  }
0xa2: {  	_ =	swait.ge [sflag:s23], $0x1  }
0xa3: {  	[sflag:s23] =	ssyncset.done $0x0  }
0xa4: {  	s25 =	simm.s32 $0x1B8E;
	s24 =	sld [smem:$0x3FFE];
	[sflag:s23] =	ssyncadd.s32 $0xFFFFFFFF  }
0xa5: {  	s26 =	simm.s32 $execute0_lowered;
	[smem:$0x3FD2] =	sst s25  }
0xa6: {  	s4 =	sshll.u32 s26, $0x1;
	_ =	strace $0x80000046;
	[dreg:$0x1] =	wrdreg $0xFFFFFFFF  }
0xa7: {  	s28 =	simm.s32 $_size_execute0_lowered;
	s2 =	sadd.s32 s2, s4;
	[dreg:$0x0] =	wrdreg $0x0  }
0xa8: {  	s4 =	sshll.u32 s28, $0x1;
	[dreg:$0x2] =	wrdreg s2  }
0xa9: {  	[dreg:$0x3] =	wrdreg s4  }
0xaa: {  	[dreg:$0x4] =	wrdreg $0xC0  }
0xab: {  	_ =	task [dreg:s6], $0x5FFFF  }
0xac: {  	[dreg:$0x1] =	wrdreg $0xFFFFFFFF  }
0xad: {  	[dreg:$0x0] =	wrdreg $0x60  }
0xae: {  	[dreg:$0x2] =	wrdreg s24  }
0xaf: {  	[dreg:$0x3] =	wrdreg $0xA2000  }
0xb0: {  	[dreg:$0x4] =	wrdreg $0x9  }
0xb1: {  	_ =	task.clear_ibuf [dreg:s6], $0x5FFFF;
	_ =	strace $0x90000046  }
0xb2: {  	s29 =	simm.s32 $0x9;
	_ =	strace $0x80000048  }
0xb3: {  	_ =	swait.ge [sflag:s29], $0x1  }
0xb4: {  	[sflag:s29] =	ssyncadd.s32 $0xFFFFFFFF  }
0xb5: {  	_ =	strace $0x90000048  }
0xb6: {  	_ =	sfence  }
0xb7: {  	s30 =	sld [smem:$0x0];
	_ =	sdelay $0x2  }
0xb8: {  	s31 =	sshll.u32 s1, $0xD;
	s1 =	sshrl.u32 s1, $0x2  }
0xb9: {  	s3 =	sand.u32 $0x4000, s31;
	s1 =	sadd.s32 s1, s30  }
0xba: {  	s0 =	sor.u32 s3, s0;
	s1 =	sshll.u32 s1, $0x11  }
0xbb: {  	s0 =	sor.u32 s1, s0  }
0xbc: {  	s0 =	sadd.s32 $0x8F2B, s0  }
0xbd: {  	[sflag:s0] =	ssyncadd.remote.s32 $0x1  }
0xbe: {  	_ =	sfence.sel $0xFFFF  }
0xbf: {  	[dreg:$0x0] =	wrdreg $0xFFFFFFFF;
	(pc) =	sbr.abs _section_cstart, $3  }
0xc0: {  	[dreg:$0x1] =	wrdreg $0xFFFFFFFF  }
0xc1: {  	_ =	task.clear_ibuf [dreg:s6], $0x2FFFF;
	_ =	strace $0x9FFFFFFF  }
0xc2: {  	(tm) =	ssettm $0x7FFFFFFF  }
0xc3: {  	_ =	shalt  }
tec
execute0_lowered:
.L_overlay_start_1:
0x0: {  	(tag) =	ssettag $0x1  }
0x1: {  	s0 =	rddreg [dreg:$0x0]  }
0x2: {  	s2 =	rddreg [dreg:$0x1];
	s3 =	simm.s32 $0x0  }
0x3: {  	s1 =	srdreg.scid;
	s11 =	stileid.u32;
	s28 =	simm.s32 $0x2900  }
0x4: {  	s29 =	simm.s32 $0x5100;
	s30 =	simm.s32 $0x5180;
	s31 =	simm.s32 $0x50  }
0x5: {  	[smem:$0x7FF] =	sst s3;
	s1 =	sand.u32 $0x1, s1;
	s5 =	smul.u32 $0x2800, s11  }
0x6: {  	s4 =	sadd.s32 $0x15A00, s0;
	s7 =	sadd.s32 $0x3CC00, s0;
	s8 =	smul.u32 $0x50000, s11  }
0x7: {  	s9 =	sadd.s32 $0xBC00, s0;
	s10 =	sadd.s32 $0x1E00, s0;
	s6 =	smul.u32 $0x28000, s1  }
0x8: {  	s11 =	sshll.u32 s11, $0x1;
	_ =	strace $0x80000047;
	s12 =	ssub.s32 $0x2, s1  }
0x9: {  	s1 =	sor.u32 s1, s11;
	s13 =	sshrl.u32 s8, $0x2;
	s5 =	sadd.s32 s5, s6  }
0xa: {  	s18 =	smul.u32 $0x2710, s1;
	s0 =	sadd.s32 s5, s0;
	s5 =	sadd.s32 s13, s2  }
0xb: {  	s14 =	sshrl.u32 s12, $0x1;
	s1 =	smul.u32 $0x27100, s1;
	s15 =	sadd.s32 $0x2800, s5  }
0xc: {  	s6 =	ssub.s32 s12, s14;
	s16 =	sadd.s32 $0x5000, s5;
	[dreg:$0x3] =	wrdreg s15  }
0xd: {  	s22 =	sshrl.u32 s18, $0x3;
	s17 =	sadd.s32 $0x7800, s5;
	[dreg:$0x4] =	wrdreg s16  }
0xe: {  	s12 =	sadd.s32 $0x50, s18;
	s19 =	sadd.s32 $0xA000, s5;
	[dreg:$0x5] =	wrdreg s17  }
0xf: {  	s8 =	sadd.s32 $0xA0, s18;
	s20 =	sadd.s32 $0xC800, s5;
	[dreg:$0x6] =	wrdreg s19  }
0x10: {  	s21 =	sadd.s32 $0xF000, s5;
	s13 =	sadd.s32 $0x11800, s5;
	[dreg:$0x7] =	wrdreg s20  }
0x11: {  	s23 =	sadd.s32 s9, s22;
	s24 =	sshrl.u32 s12, $0x3;
	[dreg:$0x8] =	wrdreg s21  }
0x12: {  	s11 =	sadd.s32 s10, s22;
	s25 =	sshll.u32 s12, $0x4;
	[dreg:$0x9] =	wrdreg s13  }
0x13: {  	s26 =	sshrl.u32 s8, $0x3;
	s8 =	sshll.u32 s8, $0x4;
	[dreg:$0xa] =	wrdreg s23  }
0x14: {  	s22 =	sadd.s32 $0x51EC00, s0;
	s0 =	simm.s32 $0x1;
	[dreg:$0xb] =	wrdreg s11  }
0x15: {  	s15 =	sadd.s32 s7, s1;
	s16 =	sadd.s32 s9, s24;
	s17 =	sadd.s32 s10, s24  }
0x16: {  	s18 =	sadd.s32 s7, s25;
	s19 =	sadd.s32 s9, s26;
	s20 =	sadd.s32 s10, s26  }
0x17: {  	s21 =	sadd.s32 s7, s8;
	s23 =	smax.u32 s6, $0x1;
	s24 =	simm.s32 $0x100  }
0x18: {  	s25 =	simm.s32 $0x7;
	s26 =	simm.s32 $0x80;
	s1 =	simm.s32 $0x4  }
0x19: {  	s6 =	simm.s32 $0x5200;
	s7 =	simm.s32 $0x2;
	s8 =	simm.s32 $0x5  }
0x1a: {  	v0 =	vimm.f32 $0.0e+00;
	s9 =	simm.s32 $0x3;
	s10 =	simm.s32 $0x6;
	s11 =	simm.s32 $0x0  }
.LBB2_1:
0x1b: {  	s12 =	simm.s32 $0x0;
	s13 =	simm.s32 $0x200  }
.LBB2_2:
0x1c: {  	p0 =	sne.s32 s13, $0x9E00;
	[tilespmem:s12+$0x170] =	vst v0  }
0x1d: {  	[tilespmem:s12+$0x100] =	vst v0  }
0x1e: {  	[tilespmem:s12+$0x110] =	vst v0  }
.Ltmp0:
0x1f: {  	[tilespmem:s12+$0x120] =	vst v0;
	(pc) =	sbr.rel @p0 .LBB2_2-.Ltmp0, $4  }
0x20: {  	[tilespmem:s12+$0x130] =	vst v0  }
0x21: {  	[tilespmem:s12+$0x140] =	vst v0  }
0x22: {  	[tilespmem:s12+$0x150] =	vst v0  }
0x23: {  	[tilespmem:s12+$0x160] =	vst v0;
	s12 =	sshra.s32 s13, $0x2;
	s13 =	sadd.s32 $0x200, s13  }
0x24: {  	[tilespmem:s12+$0x170] =	vst v0  }
0x25: {  	[tilespmem:s12+$0x100] =	vst v0  }
0x26: {  	[tilespmem:s12+$0x110] =	vst v0  }
0x27: {  	[tilespmem:s12+$0x120] =	vst v0  }
0x28: {  	[tilespmem:s12+$0x130] =	vst v0  }
0x29: {  	[tilespmem:s12+$0x140] =	vst v0  }
0x2a: {  	[tilespmem:s12+$0x150] =	vst v0  }
0x2b: {  	[tilespmem:s12+$0x160] =	vst v0  }
0x2c: {  	[spmem:s5] =	stream.linear.scatter [tilespmem:s24], [sflag:$0x7], $0x2800, $0x38;
	[tilespmem:$0x1E200] =	vst v63  }
0x2d: {  	_ =	swait.ge [sflag:s25], $0x2800  }
0x2e: {  	[sflag:s25] =	ssyncset.done $0x0  }
0x2f: {  	s13 =	rddreg [dreg:$0x3];
	[sflag:s25] =	ssyncadd.s32 $0xFFFFD800  }
0x30: {  	[spmem:s13] =	stream.linear.scatter [tilespmem:s24], [sflag:$0x7], $0x2800, $0x38;
	[tilespmem:$0x1E200] =	vst v63  }
0x31: {  	_ =	swait.ge [sflag:s25], $0x2800  }
0x32: {  	[sflag:s25] =	ssyncset.done $0x0  }
0x33: {  	s14 =	rddreg [dreg:$0x4];
	[sflag:s25] =	ssyncadd.s32 $0xFFFFD800  }
0x34: {  	[spmem:s14] =	stream.linear.scatter [tilespmem:s24], [sflag:$0x7], $0x2800, $0x38;
	[tilespmem:$0x1E200] =	vst v63  }
0x35: {  	_ =	swait.ge [sflag:s25], $0x2800  }
0x36: {  	[sflag:s25] =	ssyncset.done $0x0  }
0x37: {  	s13 =	rddreg [dreg:$0x5];
	[sflag:s25] =	ssyncadd.s32 $0xFFFFD800  }
0x38: {  	[spmem:s13] =	stream.linear.scatter [tilespmem:s24], [sflag:$0x7], $0x2800, $0x38;
	[tilespmem:$0x1E200] =	vst v63  }
0x39: {  	_ =	swait.ge [sflag:s25], $0x2800  }
0x3a: {  	[sflag:s25] =	ssyncset.done $0x0  }
0x3b: {  	s14 =	rddreg [dreg:$0x6];
	[sflag:s25] =	ssyncadd.s32 $0xFFFFD800  }
0x3c: {  	[spmem:s14] =	stream.linear.scatter [tilespmem:s24], [sflag:$0x7], $0x2800, $0x38;
	[tilespmem:$0x1E200] =	vst v63  }
0x3d: {  	_ =	swait.ge [sflag:s25], $0x2800  }
0x3e: {  	[sflag:s25] =	ssyncset.done $0x0  }
0x3f: {  	s13 =	rddreg [dreg:$0x7];
	[sflag:s25] =	ssyncadd.s32 $0xFFFFD800  }
0x40: {  	[spmem:s13] =	stream.linear.scatter [tilespmem:s24], [sflag:$0x7], $0x2800, $0x38;
	[tilespmem:$0x1E200] =	vst v63  }
0x41: {  	_ =	swait.ge [sflag:s25], $0x2800  }
0x42: {  	[sflag:s25] =	ssyncset.done $0x0  }
0x43: {  	s14 =	rddreg [dreg:$0x8];
	[sflag:s25] =	ssyncadd.s32 $0xFFFFD800  }
0x44: {  	[spmem:s14] =	stream.linear.scatter [tilespmem:s24], [sflag:$0x7], $0x2800, $0x38;
	[tilespmem:$0x1E200] =	vst v63  }
0x45: {  	_ =	swait.ge [sflag:s25], $0x2800  }
0x46: {  	[sflag:s25] =	ssyncset.done $0x0  }
0x47: {  	s13 =	rddreg [dreg:$0x9];
	[sflag:s25] =	ssyncadd.s32 $0xFFFFD800  }
0x48: {  	[spmem:s13] =	stream.linear.scatter [tilespmem:s24], [sflag:$0x7], $0x2800, $0x38;
	[tilespmem:$0x1E200] =	vst v63  }
0x49: {  	_ =	swait.ge [sflag:s25], $0x2800  }
0x4a: {  	[sflag:s25] =	ssyncset.done $0x0  }
0x4b: {  	[sflag:s25] =	ssyncadd.s32 $0xFFFFD800  }
0x4c: {  	[bflag:$0x0] =	sbarrier.arrive $0xFFFF  }
0x4d: {  	s14 =	rddreg [dreg:$0xa]  }
0x4e: {  	[tilespmem:s3], [sflag:$0x1] =	stream.linear.gather [hbm4b:s14+s3], $0x50, $0x38;
	[tilespmem:$0x1E200] =	vst v63  }
0x4f: {  	s13 =	rddreg [dreg:$0xb]  }
0x50: {  	[tilespmem:s26], [sflag:$0x1] =	stream.linear.gather [hbm4b:s13+s3], $0x50, $0x38;
	[tilespmem:$0x1E200] =	vst v63  }
0x51: {  	_ = 	snop  }
0x52: {  	[tilespmem:s28], [sflag:$0x1] =	stream.linear.gather [hbm4b:s15+s3], $0x2800, $0x38;
	[tilespmem:$0x1E200] =	vst v63  }
0x53: {  	_ = 	snop  }
0x54: {  	[tilespmem:s29], [sflag:$0x4] =	stream.linear.gather [hbm4b:s16+s3], $0x50, $0x38;
	[tilespmem:$0x1E200] =	vst v63  }
0x55: {  	_ = 	snop  }
0x56: {  	[tilespmem:s30], [sflag:$0x4] =	stream.linear.gather [hbm4b:s17+s3], $0x50, $0x38;
	[tilespmem:$0x1E200] =	vst v63  }
0x57: {  	s14 =	simm.s32 $0x7A00  }
0x58: {  	[tilespmem:s14], [sflag:$0x4] =	stream.linear.gather [hbm4b:s18+s3], $0x2800, $0x38;
	[tilespmem:$0x1E200] =	vst v63  }
0x59: {  	_ =	swait.ge [sflag:s0], $0x50  }
0x5a: {  	[sflag:s0] =	ssyncset.done $0x0  }
0x5b: {  	[sflag:s0] =	ssyncadd.s32 $0xFFFFFFB0  }
0x5c: {  	_ =	swait.ge [sflag:s0], $0x50  }
0x5d: {  	[sflag:s0] =	ssyncset.done $0x0  }
0x5e: {  	[sflag:s0] =	ssyncadd.s32 $0xFFFFFFB0  }
0x5f: {  	_ =	swait.ge [sflag:s0], $0x2800  }
0x60: {  	[sflag:s0] =	ssyncset.done $0x0  }
0x61: {  	[sflag:s0] =	ssyncadd.s32 $0xFFFFD800  }
0x62: {  	[tilespmem:s24], [sflag:$0x2] =	stream.indirect.gather [hbm4b:s4+s31], $0x80, s3, s31, $0xb8;
	[tilespmem:$0x1E200] =	vst v63  }
0x63: {  	_ =	swait.ge [sflag:s1], $0x50  }
0x64: {  	[sflag:s1] =	ssyncset.done $0x0  }
0x65: {  	[sflag:s1] =	ssyncadd.s32 $0xFFFFFFB0  }
0x66: {  	_ =	swait.ge [sflag:s1], $0x50  }
0x67: {  	[sflag:s1] =	ssyncset.done $0x0  }
0x68: {  	[sflag:s1] =	ssyncadd.s32 $0xFFFFFFB0  }
0x69: {  	_ =	swait.ge [sflag:s1], $0x2800  }
0x6a: {  	[sflag:s1] =	ssyncset.done $0x0  }
0x6b: {  	[sflag:s1] =	ssyncadd.s32 $0xFFFFD800  }
0x6c: {  	[tilespmem:s6], [sflag:$0x5] =	stream.indirect.gather [hbm4b:s4+s31], $0x80, s29, s31, $0xb8;
	[tilespmem:$0x1E200] =	vst v63  }
0x6d: {  	_ =	swait.ge [sflag:s7], $0x2800  }
0x6e: {  	[sflag:s7] =	ssyncset.done $0x0  }
0x6f: {  	s12 =	simm.s32 $0xF0;
	[sflag:s7] =	ssyncadd.s32 $0xFFFFD800  }
0x70: {  	v7 =	vld [tilespmem:s12+$0x2810]  }
0x71: {  	v8 =	vld [tilespmem:s12+$0x2820]  }
0x72: {  	v9 =	vld [tilespmem:s12+$0x2830]  }
0x73: {  	v10 =	vld [tilespmem:s12+$0x2840]  }
0x74: {  	v11 =	vld [tilespmem:s12+$0x2850]  }
0x75: {  	v12 =	vld [tilespmem:s12+$0x2860]  }
0x76: {  	v13 =	vld [tilespmem:s12+$0x2870]  }
0x77: {  	v14 =	vld [tilespmem:s12+$0x2880]  }
0x78: {  	v15 =	vld [tilespmem:s12+$0x2890]  }
0x79: {  	v16 =	vld [tilespmem:s12+$0x28A0]  }
0x7a: {  	v6 =	vld [tilespmem:s12+$0x28B0]  }
0x7b: {  	v5 =	vld [tilespmem:s12+$0x28C0]  }
0x7c: {  	v4 =	vld [tilespmem:s12+$0x28D0]  }
0x7d: {  	v17 =	vld [tilespmem:s12+$0x10]  }
0x7e: {  	v18 =	vld [tilespmem:s12+$0x20]  }
0x7f: {  	v3 =	vld [tilespmem:s12+$0x28E0]  }
0x80: {  	v19 =	vld [tilespmem:s12+$0x30]  }
0x81: {  	v20 =	vld [tilespmem:s12+$0x40]  }
0x82: {  	v2 =	vld [tilespmem:s12+$0x28F0];
	v7 =	vadd.f32 v7, v17  }
0x83: {  	v21 =	vld [tilespmem:s12+$0x50];
	v8 =	vadd.f32 v8, v18  }
0x84: {  	v60 =	vld [tilespmem:s12+$0x60];
	v7 =	vmax.f32 v7, $0.0e+00  }
0x85: {  	v1 =	vld [tilespmem:s12+$0x2900];
	v8 =	vmax.f32 v8, $0.0e+00;
	[tilespmem:s12+$0x10] =	vst v7;
	v7 =	vadd.f32 v9, v19  }
0x86: {  	v22 =	vld [tilespmem:s12+$0x70];
	[tilespmem:s12+$0x20] =	vst v8;
	v8 =	vadd.f32 v10, v20  }
0x87: {  	v61 =	vld [tilespmem:s12+$0x80];
	v7 =	vmax.f32 v7, $0.0e+00  }
0x88: {  	v62 =	vld [tilespmem:s12+$0x90];
	v9 =	vmax.f32 v8, $0.0e+00;
	[tilespmem:s12+$0x30] =	vst v7;
	v7 =	vadd.f32 v11, v21  }
0x89: {  	v63 =	vld [tilespmem:s12+$0xA0];
	[tilespmem:s12+$0x40] =	vst v9;
	v9 =	vadd.f32 v12, v60  }
0x8a: {  	v8 =	vld [tilespmem:s12+$0xB0];
	v10 =	vmax.f32 v7, $0.0e+00  }
0x8b: {  	v7 =	vld [tilespmem:s12+$0xC0];
	v11 =	vmax.f32 v9, $0.0e+00;
	[tilespmem:s12+$0x50] =	vst v10;
	v10 =	vadd.f32 v13, v22  }
0x8c: {  	v9 =	vld [tilespmem:s12+$0xD0];
	[tilespmem:s12+$0x60] =	vst v11;
	v11 =	vadd.f32 v14, v61  }
0x8d: {  	v13 =	vadd.f32 v15, v62;
	v12 =	vmax.f32 v10, $0.0e+00;
	v10 =	vld [tilespmem:s12+$0xE0]  }
0x8e: {  	s13 =	simm.s32 $0x7C0;
	v14 =	vmax.f32 v11, $0.0e+00;
	v11 =	vld [tilespmem:s12+$0xF0];
	[tilespmem:s12+$0x70] =	vst v12;
	v12 =	vadd.f32 v16, v63  }
.LBB2_4:
0x8f: {  	s14 =	sshra.s32 s13, $0x2;
	p0 =	sne.s32 s13, $0x9FC0;
	[tilespmem:s12+$0x80] =	vst v14;
	v13 =	vmax.f32 v13, $0.0e+00;
	v6 =	vadd.f32 v6, v8;
	v8 =	vld [tilespmem:s12+$0x100]  }
0x90: {  	v14 =	vld [tilespmem:s14+$0x2810];
	[tilespmem:s12+$0x90] =	vst v13;
	v12 =	vmax.f32 v12, $0.0e+00;
	v5 =	vadd.f32 v5, v7  }
0x91: {  	v7 =	vld [tilespmem:s14+$0x2820];
	[tilespmem:s12+$0xA0] =	vst v12;
	v6 =	vmax.f32 v6, $0.0e+00;
	v4 =	vadd.f32 v4, v9  }
0x92: {  	v9 =	vld [tilespmem:s14+$0x2830];
	[tilespmem:s12+$0xB0] =	vst v6;
	v5 =	vmax.f32 v5, $0.0e+00;
	v3 =	vadd.f32 v3, v10  }
0x93: {  	v10 =	vld [tilespmem:s14+$0x2840];
	[tilespmem:s12+$0xC0] =	vst v5;
	v4 =	vmax.f32 v4, $0.0e+00;
	v2 =	vadd.f32 v2, v11  }
0x94: {  	v11 =	vld [tilespmem:s14+$0x2850];
	[tilespmem:s12+$0xD0] =	vst v4;
	v3 =	vmax.f32 v3, $0.0e+00;
	v1 =	vadd.f32 v1, v8  }
0x95: {  	v8 =	vld [tilespmem:s14+$0x2860];
	[tilespmem:s12+$0xE0] =	vst v3;
	v2 =	vmax.f32 v2, $0.0e+00  }
0x96: {  	v12 =	vld [tilespmem:s14+$0x2870];
	[tilespmem:s12+$0xF0] =	vst v2;
	v1 =	vmax.f32 v1, $0.0e+00  }
0x97: {  	v13 =	vld [tilespmem:s14+$0x2880];
	[tilespmem:s12+$0x100] =	vst v1;
	s12 =	smov.u32 s14  }
0x98: {  	v15 =	vld [tilespmem:s12+$0x2890]  }
0x99: {  	v16 =	vld [tilespmem:s12+$0x28A0]  }
0x9a: {  	v6 =	vld [tilespmem:s12+$0x28B0]  }
0x9b: {  	v5 =	vld [tilespmem:s12+$0x28C0]  }
0x9c: {  	v4 =	vld [tilespmem:s12+$0x28D0]  }
0x9d: {  	v3 =	vld [tilespmem:s12+$0x28E0]  }
0x9e: {  	v2 =	vld [tilespmem:s12+$0x28F0]  }
0x9f: {  	v1 =	vld [tilespmem:s12+$0x2900]  }
0xa0: {  	v17 =	vld [tilespmem:s12+$0x10]  }
0xa1: {  	v18 =	vld [tilespmem:s12+$0x20]  }
0xa2: {  	v19 =	vld [tilespmem:s12+$0x30]  }
0xa3: {  	v20 =	vld [tilespmem:s12+$0x40]  }
0xa4: {  	v21 =	vld [tilespmem:s12+$0x50]  }
0xa5: {  	v14 =	vadd.f32 v14, v17;
	v17 =	vld [tilespmem:s12+$0x60]  }
0xa6: {  	v7 =	vadd.f32 v7, v18;
	v18 =	vld [tilespmem:s12+$0x70]  }
0xa7: {  	v14 =	vmax.f32 v14, $0.0e+00;
	v9 =	vadd.f32 v9, v19;
	v19 =	vld [tilespmem:s12+$0x80]  }
0xa8: {  	[tilespmem:s12+$0x10] =	vst v14;
	v7 =	vmax.f32 v7, $0.0e+00;
	v10 =	vadd.f32 v10, v20;
	v14 =	vld [tilespmem:s12+$0x90]  }
0xa9: {  	[tilespmem:s12+$0x20] =	vst v7;
	v7 =	vmax.f32 v9, $0.0e+00;
	v9 =	vadd.f32 v11, v21;
	v11 =	vld [tilespmem:s12+$0xA0]  }
.Ltmp1:
0xaa: {  	[tilespmem:s12+$0x30] =	vst v7;
	v7 =	vmax.f32 v10, $0.0e+00;
	v10 =	vadd.f32 v8, v17;
	v8 =	vld [tilespmem:s12+$0xB0];
	(pc) =	sbr.rel @p0 .LBB2_4-.Ltmp1, $4  }
0xab: {  	[tilespmem:s12+$0x40] =	vst v7;
	v9 =	vmax.f32 v9, $0.0e+00;
	v12 =	vadd.f32 v12, v18;
	v7 =	vld [tilespmem:s12+$0xC0]  }
0xac: {  	[tilespmem:s12+$0x50] =	vst v9;
	v10 =	vmax.f32 v10, $0.0e+00;
	v17 =	vadd.f32 v13, v19;
	v9 =	vld [tilespmem:s12+$0xD0]  }
0xad: {  	[tilespmem:s12+$0x60] =	vst v10;
	v12 =	vmax.f32 v12, $0.0e+00;
	v13 =	vadd.f32 v15, v14;
	v10 =	vld [tilespmem:s12+$0xE0]  }
0xae: {  	s13 =	sadd.s32 $0x400, s13;
	[tilespmem:s12+$0x70] =	vst v12;
	v14 =	vmax.f32 v17, $0.0e+00;
	v12 =	vadd.f32 v16, v11;
	v11 =	vld [tilespmem:s12+$0xF0]  }
0xaf: {  	[tilespmem:s12+$0x80] =	vst v14;
	v13 =	vmax.f32 v13, $0.0e+00;
	v6 =	vadd.f32 v6, v8;
	v8 =	vld [tilespmem:s12+$0x100]  }
0xb0: {  	[tilespmem:s12+$0x90] =	vst v13;
	v12 =	vmax.f32 v12, $0.0e+00;
	v5 =	vadd.f32 v5, v7  }
0xb1: {  	[tilespmem:s12+$0xA0] =	vst v12;
	v6 =	vmax.f32 v6, $0.0e+00;
	v4 =	vadd.f32 v4, v9  }
0xb2: {  	[tilespmem:s12+$0xB0] =	vst v6;
	v5 =	vmax.f32 v5, $0.0e+00;
	v3 =	vadd.f32 v3, v10  }
0xb3: {  	[tilespmem:s12+$0xC0] =	vst v5;
	v4 =	vmax.f32 v4, $0.0e+00;
	v2 =	vadd.f32 v2, v11  }
0xb4: {  	[tilespmem:s12+$0xD0] =	vst v4;
	v3 =	vmax.f32 v3, $0.0e+00;
	v1 =	vadd.f32 v1, v8  }
0xb5: {  	[tilespmem:s12+$0xE0] =	vst v3;
	v2 =	vmax.f32 v2, $0.0e+00  }
0xb6: {  	[tilespmem:s12+$0xF0] =	vst v2;
	v1 =	vmax.f32 v1, $0.0e+00  }
0xb7: {  	[tilespmem:s12+$0x100] =	vst v1  }
0xb8: {  	[spmem:s2] =	stream.indirect.scatter.add.f32 [tilespmem:s24], [sflag:$0x3], $0x80, s26, s31, $0xb8;
	[tilespmem:$0x1E200] =	vst v63  }
0xb9: {  	_ =	swait.ge [sflag:s8], $0x2800  }
0xba: {  	[sflag:s8] =	ssyncset.done $0x0  }
0xbb: {  	s12 =	simm.s32 $0xF0;
	[sflag:s8] =	ssyncadd.s32 $0xFFFFD800  }
0xbc: {  	v7 =	vld [tilespmem:s12+$0x7910]  }
0xbd: {  	v8 =	vld [tilespmem:s12+$0x7920]  }
0xbe: {  	v9 =	vld [tilespmem:s12+$0x7930]  }
0xbf: {  	v10 =	vld [tilespmem:s12+$0x7940]  }
0xc0: {  	v11 =	vld [tilespmem:s12+$0x7950]  }
0xc1: {  	v12 =	vld [tilespmem:s12+$0x7960]  }
0xc2: {  	v13 =	vld [tilespmem:s12+$0x7970]  }
0xc3: {  	v14 =	vld [tilespmem:s12+$0x7980]  }
0xc4: {  	v15 =	vld [tilespmem:s12+$0x7990]  }
0xc5: {  	v16 =	vld [tilespmem:s12+$0x79A0]  }
0xc6: {  	v6 =	vld [tilespmem:s12+$0x79B0]  }
0xc7: {  	v5 =	vld [tilespmem:s12+$0x79C0]  }
0xc8: {  	v4 =	vld [tilespmem:s12+$0x79D0]  }
0xc9: {  	v17 =	vld [tilespmem:s12+$0x5110]  }
0xca: {  	v18 =	vld [tilespmem:s12+$0x5120]  }
0xcb: {  	v3 =	vld [tilespmem:s12+$0x79E0]  }
0xcc: {  	v19 =	vld [tilespmem:s12+$0x5130]  }
0xcd: {  	v20 =	vld [tilespmem:s12+$0x5140]  }
0xce: {  	v2 =	vld [tilespmem:s12+$0x79F0];
	v7 =	vadd.f32 v7, v17  }
0xcf: {  	v21 =	vld [tilespmem:s12+$0x5150];
	v8 =	vadd.f32 v8, v18  }
0xd0: {  	v60 =	vld [tilespmem:s12+$0x5160];
	v7 =	vmax.f32 v7, $0.0e+00  }
0xd1: {  	v1 =	vld [tilespmem:s12+$0x7A00];
	v8 =	vmax.f32 v8, $0.0e+00;
	[tilespmem:s12+$0x5110] =	vst v7;
	v7 =	vadd.f32 v9, v19  }
0xd2: {  	v22 =	vld [tilespmem:s12+$0x5170];
	[tilespmem:s12+$0x5120] =	vst v8;
	v8 =	vadd.f32 v10, v20  }
0xd3: {  	v61 =	vld [tilespmem:s12+$0x5180];
	v7 =	vmax.f32 v7, $0.0e+00  }
0xd4: {  	v62 =	vld [tilespmem:s12+$0x5190];
	v9 =	vmax.f32 v8, $0.0e+00;
	[tilespmem:s12+$0x5130] =	vst v7;
	v7 =	vadd.f32 v11, v21  }
0xd5: {  	v63 =	vld [tilespmem:s12+$0x51A0];
	[tilespmem:s12+$0x5140] =	vst v9;
	v9 =	vadd.f32 v12, v60  }
0xd6: {  	v8 =	vld [tilespmem:s12+$0x51B0];
	v10 =	vmax.f32 v7, $0.0e+00  }
0xd7: {  	v7 =	vld [tilespmem:s12+$0x51C0];
	v11 =	vmax.f32 v9, $0.0e+00;
	[tilespmem:s12+$0x5150] =	vst v10;
	v10 =	vadd.f32 v13, v22  }
0xd8: {  	v9 =	vld [tilespmem:s12+$0x51D0];
	[tilespmem:s12+$0x5160] =	vst v11;
	v11 =	vadd.f32 v14, v61  }
0xd9: {  	v13 =	vadd.f32 v15, v62;
	v12 =	vmax.f32 v10, $0.0e+00;
	v10 =	vld [tilespmem:s12+$0x51E0]  }
0xda: {  	s13 =	simm.s32 $0x7C0;
	v14 =	vmax.f32 v11, $0.0e+00;
	v11 =	vld [tilespmem:s12+$0x51F0];
	[tilespmem:s12+$0x5170] =	vst v12;
	v12 =	vadd.f32 v16, v63  }
.LBB2_6:
0xdb: {  	s14 =	sshra.s32 s13, $0x2;
	p0 =	sne.s32 s13, $0x9FC0;
	[tilespmem:s12+$0x5180] =	vst v14;
	v13 =	vmax.f32 v13, $0.0e+00;
	v6 =	vadd.f32 v6, v8;
	v8 =	vld [tilespmem:s12+$0x5200]  }
0xdc: {  	v14 =	vld [tilespmem:s14+$0x7910];
	[tilespmem:s12+$0x5190] =	vst v13;
	v12 =	vmax.f32 v12, $0.0e+00;
	v5 =	vadd.f32 v5, v7  }
0xdd: {  	v7 =	vld [tilespmem:s14+$0x7920];
	[tilespmem:s12+$0x51A0] =	vst v12;
	v6 =	vmax.f32 v6, $0.0e+00;
	v4 =	vadd.f32 v4, v9  }
0xde: {  	v9 =	vld [tilespmem:s14+$0x7930];
	[tilespmem:s12+$0x51B0] =	vst v6;
	v5 =	vmax.f32 v5, $0.0e+00;
	v3 =	vadd.f32 v3, v10  }
0xdf: {  	v10 =	vld [tilespmem:s14+$0x7940];
	[tilespmem:s12+$0x51C0] =	vst v5;
	v4 =	vmax.f32 v4, $0.0e+00;
	v2 =	vadd.f32 v2, v11  }
0xe0: {  	v11 =	vld [tilespmem:s14+$0x7950];
	[tilespmem:s12+$0x51D0] =	vst v4;
	v3 =	vmax.f32 v3, $0.0e+00;
	v1 =	vadd.f32 v1, v8  }
0xe1: {  	v8 =	vld [tilespmem:s14+$0x7960];
	[tilespmem:s12+$0x51E0] =	vst v3;
	v2 =	vmax.f32 v2, $0.0e+00  }
0xe2: {  	v12 =	vld [tilespmem:s14+$0x7970];
	[tilespmem:s12+$0x51F0] =	vst v2;
	v1 =	vmax.f32 v1, $0.0e+00  }
0xe3: {  	v13 =	vld [tilespmem:s14+$0x7980];
	[tilespmem:s12+$0x5200] =	vst v1;
	s12 =	smov.u32 s14  }
0xe4: {  	v15 =	vld [tilespmem:s12+$0x7990]  }
0xe5: {  	v16 =	vld [tilespmem:s12+$0x79A0]  }
0xe6: {  	v6 =	vld [tilespmem:s12+$0x79B0]  }
0xe7: {  	v5 =	vld [tilespmem:s12+$0x79C0]  }
0xe8: {  	v4 =	vld [tilespmem:s12+$0x79D0]  }
0xe9: {  	v3 =	vld [tilespmem:s12+$0x79E0]  }
0xea: {  	v2 =	vld [tilespmem:s12+$0x79F0]  }
0xeb: {  	v1 =	vld [tilespmem:s12+$0x7A00]  }
0xec: {  	v17 =	vld [tilespmem:s12+$0x5110]  }
0xed: {  	v18 =	vld [tilespmem:s12+$0x5120]  }
0xee: {  	v19 =	vld [tilespmem:s12+$0x5130]  }
0xef: {  	v20 =	vld [tilespmem:s12+$0x5140]  }
0xf0: {  	v21 =	vld [tilespmem:s12+$0x5150]  }
0xf1: {  	v14 =	vadd.f32 v14, v17;
	v17 =	vld [tilespmem:s12+$0x5160]  }
0xf2: {  	v7 =	vadd.f32 v7, v18;
	v18 =	vld [tilespmem:s12+$0x5170]  }
0xf3: {  	v14 =	vmax.f32 v14, $0.0e+00;
	v9 =	vadd.f32 v9, v19;
	v19 =	vld [tilespmem:s12+$0x5180]  }
0xf4: {  	[tilespmem:s12+$0x5110] =	vst v14;
	v7 =	vmax.f32 v7, $0.0e+00;
	v10 =	vadd.f32 v10, v20;
	v14 =	vld [tilespmem:s12+$0x5190]  }
0xf5: {  	[tilespmem:s12+$0x5120] =	vst v7;
	v7 =	vmax.f32 v9, $0.0e+00;
	v9 =	vadd.f32 v11, v21;
	v11 =	vld [tilespmem:s12+$0x51A0]  }
.Ltmp2:
0xf6: {  	[tilespmem:s12+$0x5130] =	vst v7;
	v7 =	vmax.f32 v10, $0.0e+00;
	v10 =	vadd.f32 v8, v17;
	v8 =	vld [tilespmem:s12+$0x51B0];
	(pc) =	sbr.rel @p0 .LBB2_6-.Ltmp2, $4  }
0xf7: {  	[tilespmem:s12+$0x5140] =	vst v7;
	v9 =	vmax.f32 v9, $0.0e+00;
	v12 =	vadd.f32 v12, v18;
	v7 =	vld [tilespmem:s12+$0x51C0]  }
0xf8: {  	[tilespmem:s12+$0x5150] =	vst v9;
	v10 =	vmax.f32 v10, $0.0e+00;
	v17 =	vadd.f32 v13, v19;
	v9 =	vld [tilespmem:s12+$0x51D0]  }
0xf9: {  	[tilespmem:s12+$0x5160] =	vst v10;
	v12 =	vmax.f32 v12, $0.0e+00;
	v13 =	vadd.f32 v15, v14;
	v10 =	vld [tilespmem:s12+$0x51E0]  }
0xfa: {  	s13 =	sadd.s32 $0x400, s13;
	[tilespmem:s12+$0x5170] =	vst v12;
	v14 =	vmax.f32 v17, $0.0e+00;
	v12 =	vadd.f32 v16, v11;
	v11 =	vld [tilespmem:s12+$0x51F0]  }
0xfb: {  	[tilespmem:s12+$0x5180] =	vst v14;
	v13 =	vmax.f32 v13, $0.0e+00;
	v6 =	vadd.f32 v6, v8;
	v8 =	vld [tilespmem:s12+$0x5200]  }
0xfc: {  	[tilespmem:s12+$0x5190] =	vst v13;
	v12 =	vmax.f32 v12, $0.0e+00;
	v5 =	vadd.f32 v5, v7  }
0xfd: {  	[tilespmem:s12+$0x51A0] =	vst v12;
	v6 =	vmax.f32 v6, $0.0e+00;
	v4 =	vadd.f32 v4, v9  }
0xfe: {  	[tilespmem:s12+$0x51B0] =	vst v6;
	v5 =	vmax.f32 v5, $0.0e+00;
	v3 =	vadd.f32 v3, v10  }
0xff: {  	[tilespmem:s12+$0x51C0] =	vst v5;
	v4 =	vmax.f32 v4, $0.0e+00;
	v2 =	vadd.f32 v2, v11  }
0x100: {  	[tilespmem:s12+$0x51D0] =	vst v4;
	v3 =	vmax.f32 v3, $0.0e+00;
	v1 =	vadd.f32 v1, v8  }
0x101: {  	[tilespmem:s12+$0x51E0] =	vst v3;
	v2 =	vmax.f32 v2, $0.0e+00  }
0x102: {  	[tilespmem:s12+$0x51F0] =	vst v2;
	v1 =	vmax.f32 v1, $0.0e+00  }
0x103: {  	[tilespmem:s12+$0x5200] =	vst v1  }
0x104: {  	[spmem:s2] =	stream.indirect.scatter.add.f32 [tilespmem:s6], [sflag:$0x6], $0x80, s30, s31, $0xb8;
	[tilespmem:$0x1E200] =	vst v63  }
0x105: {  	_ =	swait.ge [sflag:s9], $0x2800  }
0x106: {  	[sflag:s9] =	ssyncset.done $0x0  }
0x107: {  	[sflag:s9] =	ssyncadd.s32 $0xFFFFD800  }
0x108: {  	[tilespmem:s3], [sflag:$0x1] =	stream.linear.gather [hbm4b:s19+s3], $0x50, $0x38;
	[tilespmem:$0x1E200] =	vst v63  }
0x109: {  	_ = 	snop  }
0x10a: {  	[tilespmem:s26], [sflag:$0x1] =	stream.linear.gather [hbm4b:s20+s3], $0x50, $0x38;
	[tilespmem:$0x1E200] =	vst v63  }
0x10b: {  	_ = 	snop  }
0x10c: {  	[tilespmem:s28], [sflag:$0x1] =	stream.linear.gather [hbm4b:s21+s3], $0x2800, $0x38;
	[tilespmem:$0x1E200] =	vst v63  }
0x10d: {  	_ =	swait.ge [sflag:s0], $0x50  }
0x10e: {  	[sflag:s0] =	ssyncset.done $0x0  }
0x10f: {  	[sflag:s0] =	ssyncadd.s32 $0xFFFFFFB0  }
0x110: {  	_ =	swait.ge [sflag:s0], $0x50  }
0x111: {  	[sflag:s0] =	ssyncset.done $0x0  }
0x112: {  	[sflag:s0] =	ssyncadd.s32 $0xFFFFFFB0  }
0x113: {  	_ =	swait.ge [sflag:s0], $0x2800  }
0x114: {  	[sflag:s0] =	ssyncset.done $0x0  }
0x115: {  	[sflag:s0] =	ssyncadd.s32 $0xFFFFD800  }
0x116: {  	[tilespmem:s24], [sflag:$0x2] =	stream.indirect.gather [hbm4b:s4+s31], $0x80, s3, s31, $0xb8;
	[tilespmem:$0x1E200] =	vst v63  }
0x117: {  	_ =	swait.ge [sflag:s10], $0x2800  }
0x118: {  	[sflag:s10] =	ssyncset.done $0x0  }
0x119: {  	[sflag:s10] =	ssyncadd.s32 $0xFFFFD800  }
0x11a: {  	_ =	swait.ge [sflag:s7], $0x2800  }
0x11b: {  	[sflag:s7] =	ssyncset.done $0x0  }
0x11c: {  	s12 =	simm.s32 $0xF0;
	[sflag:s7] =	ssyncadd.s32 $0xFFFFD800  }
0x11d: {  	v7 =	vld [tilespmem:s12+$0x2810]  }
0x11e: {  	v8 =	vld [tilespmem:s12+$0x2820]  }
0x11f: {  	v9 =	vld [tilespmem:s12+$0x2830]  }
0x120: {  	v10 =	vld [tilespmem:s12+$0x2840]  }
0x121: {  	v11 =	vld [tilespmem:s12+$0x2850]  }
0x122: {  	v12 =	vld [tilespmem:s12+$0x2860]  }
0x123: {  	v13 =	vld [tilespmem:s12+$0x2870]  }
0x124: {  	v14 =	vld [tilespmem:s12+$0x2880]  }
0x125: {  	v15 =	vld [tilespmem:s12+$0x2890]  }
0x126: {  	v16 =	vld [tilespmem:s12+$0x28A0]  }
0x127: {  	v6 =	vld [tilespmem:s12+$0x28B0]  }
0x128: {  	v5 =	vld [tilespmem:s12+$0x28C0]  }
0x129: {  	v4 =	vld [tilespmem:s12+$0x28D0]  }
0x12a: {  	v17 =	vld [tilespmem:s12+$0x10]  }
0x12b: {  	v18 =	vld [tilespmem:s12+$0x20]  }
0x12c: {  	v3 =	vld [tilespmem:s12+$0x28E0]  }
0x12d: {  	v19 =	vld [tilespmem:s12+$0x30]  }
0x12e: {  	v20 =	vld [tilespmem:s12+$0x40]  }
0x12f: {  	v2 =	vld [tilespmem:s12+$0x28F0];
	v7 =	vadd.f32 v7, v17  }
0x130: {  	v21 =	vld [tilespmem:s12+$0x50];
	v8 =	vadd.f32 v8, v18  }
0x131: {  	v60 =	vld [tilespmem:s12+$0x60];
	v7 =	vmax.f32 v7, $0.0e+00  }
0x132: {  	v1 =	vld [tilespmem:s12+$0x2900];
	v8 =	vmax.f32 v8, $0.0e+00;
	[tilespmem:s12+$0x10] =	vst v7;
	v7 =	vadd.f32 v9, v19  }
0x133: {  	v22 =	vld [tilespmem:s12+$0x70];
	[tilespmem:s12+$0x20] =	vst v8;
	v8 =	vadd.f32 v10, v20  }
0x134: {  	v61 =	vld [tilespmem:s12+$0x80];
	v7 =	vmax.f32 v7, $0.0e+00  }
0x135: {  	v62 =	vld [tilespmem:s12+$0x90];
	v9 =	vmax.f32 v8, $0.0e+00;
	[tilespmem:s12+$0x30] =	vst v7;
	v7 =	vadd.f32 v11, v21  }
0x136: {  	v63 =	vld [tilespmem:s12+$0xA0];
	[tilespmem:s12+$0x40] =	vst v9;
	v9 =	vadd.f32 v12, v60  }
0x137: {  	v8 =	vld [tilespmem:s12+$0xB0];
	v10 =	vmax.f32 v7, $0.0e+00  }
0x138: {  	v7 =	vld [tilespmem:s12+$0xC0];
	v11 =	vmax.f32 v9, $0.0e+00;
	[tilespmem:s12+$0x50] =	vst v10;
	v10 =	vadd.f32 v13, v22  }
0x139: {  	v9 =	vld [tilespmem:s12+$0xD0];
	[tilespmem:s12+$0x60] =	vst v11;
	v11 =	vadd.f32 v14, v61  }
0x13a: {  	v13 =	vadd.f32 v15, v62;
	v12 =	vmax.f32 v10, $0.0e+00;
	v10 =	vld [tilespmem:s12+$0xE0]  }
0x13b: {  	s13 =	simm.s32 $0x7C0;
	v14 =	vmax.f32 v11, $0.0e+00;
	v11 =	vld [tilespmem:s12+$0xF0];
	[tilespmem:s12+$0x70] =	vst v12;
	v12 =	vadd.f32 v16, v63  }
.LBB2_8:
0x13c: {  	s14 =	sshra.s32 s13, $0x2;
	p0 =	sne.s32 s13, $0x9FC0;
	[tilespmem:s12+$0x80] =	vst v14;
	v13 =	vmax.f32 v13, $0.0e+00;
	v6 =	vadd.f32 v6, v8;
	v8 =	vld [tilespmem:s12+$0x100]  }
0x13d: {  	v14 =	vld [tilespmem:s14+$0x2810];
	[tilespmem:s12+$0x90] =	vst v13;
	v12 =	vmax.f32 v12, $0.0e+00;
	v5 =	vadd.f32 v5, v7  }
0x13e: {  	v7 =	vld [tilespmem:s14+$0x2820];
	[tilespmem:s12+$0xA0] =	vst v12;
	v6 =	vmax.f32 v6, $0.0e+00;
	v4 =	vadd.f32 v4, v9  }
0x13f: {  	v9 =	vld [tilespmem:s14+$0x2830];
	[tilespmem:s12+$0xB0] =	vst v6;
	v5 =	vmax.f32 v5, $0.0e+00;
	v3 =	vadd.f32 v3, v10  }
0x140: {  	v10 =	vld [tilespmem:s14+$0x2840];
	[tilespmem:s12+$0xC0] =	vst v5;
	v4 =	vmax.f32 v4, $0.0e+00;
	v2 =	vadd.f32 v2, v11  }
0x141: {  	v11 =	vld [tilespmem:s14+$0x2850];
	[tilespmem:s12+$0xD0] =	vst v4;
	v3 =	vmax.f32 v3, $0.0e+00;
	v1 =	vadd.f32 v1, v8  }
0x142: {  	v8 =	vld [tilespmem:s14+$0x2860];
	[tilespmem:s12+$0xE0] =	vst v3;
	v2 =	vmax.f32 v2, $0.0e+00  }
0x143: {  	v12 =	vld [tilespmem:s14+$0x2870];
	[tilespmem:s12+$0xF0] =	vst v2;
	v1 =	vmax.f32 v1, $0.0e+00  }
0x144: {  	v13 =	vld [tilespmem:s14+$0x2880];
	[tilespmem:s12+$0x100] =	vst v1;
	s12 =	smov.u32 s14  }
0x145: {  	v15 =	vld [tilespmem:s12+$0x2890]  }
0x146: {  	v16 =	vld [tilespmem:s12+$0x28A0]  }
0x147: {  	v6 =	vld [tilespmem:s12+$0x28B0]  }
0x148: {  	v5 =	vld [tilespmem:s12+$0x28C0]  }
0x149: {  	v4 =	vld [tilespmem:s12+$0x28D0]  }
0x14a: {  	v3 =	vld [tilespmem:s12+$0x28E0]  }
0x14b: {  	v2 =	vld [tilespmem:s12+$0x28F0]  }
0x14c: {  	v1 =	vld [tilespmem:s12+$0x2900]  }
0x14d: {  	v17 =	vld [tilespmem:s12+$0x10]  }
0x14e: {  	v18 =	vld [tilespmem:s12+$0x20]  }
0x14f: {  	v19 =	vld [tilespmem:s12+$0x30]  }
0x150: {  	v20 =	vld [tilespmem:s12+$0x40]  }
0x151: {  	v21 =	vld [tilespmem:s12+$0x50]  }
0x152: {  	v14 =	vadd.f32 v14, v17;
	v17 =	vld [tilespmem:s12+$0x60]  }
0x153: {  	v7 =	vadd.f32 v7, v18;
	v18 =	vld [tilespmem:s12+$0x70]  }
0x154: {  	v14 =	vmax.f32 v14, $0.0e+00;
	v9 =	vadd.f32 v9, v19;
	v19 =	vld [tilespmem:s12+$0x80]  }
0x155: {  	[tilespmem:s12+$0x10] =	vst v14;
	v7 =	vmax.f32 v7, $0.0e+00;
	v10 =	vadd.f32 v10, v20;
	v14 =	vld [tilespmem:s12+$0x90]  }
0x156: {  	[tilespmem:s12+$0x20] =	vst v7;
	v7 =	vmax.f32 v9, $0.0e+00;
	v9 =	vadd.f32 v11, v21;
	v11 =	vld [tilespmem:s12+$0xA0]  }
.Ltmp3:
0x157: {  	[tilespmem:s12+$0x30] =	vst v7;
	v7 =	vmax.f32 v10, $0.0e+00;
	v10 =	vadd.f32 v8, v17;
	v8 =	vld [tilespmem:s12+$0xB0];
	(pc) =	sbr.rel @p0 .LBB2_8-.Ltmp3, $4  }
0x158: {  	[tilespmem:s12+$0x40] =	vst v7;
	v9 =	vmax.f32 v9, $0.0e+00;
	v12 =	vadd.f32 v12, v18;
	v7 =	vld [tilespmem:s12+$0xC0]  }
0x159: {  	[tilespmem:s12+$0x50] =	vst v9;
	v10 =	vmax.f32 v10, $0.0e+00;
	v17 =	vadd.f32 v13, v19;
	v9 =	vld [tilespmem:s12+$0xD0]  }
0x15a: {  	[tilespmem:s12+$0x60] =	vst v10;
	v12 =	vmax.f32 v12, $0.0e+00;
	v13 =	vadd.f32 v15, v14;
	v10 =	vld [tilespmem:s12+$0xE0]  }
0x15b: {  	s13 =	sadd.s32 $0x400, s13;
	[tilespmem:s12+$0x70] =	vst v12;
	v14 =	vmax.f32 v17, $0.0e+00;
	v12 =	vadd.f32 v16, v11;
	v11 =	vld [tilespmem:s12+$0xF0]  }
0x15c: {  	[tilespmem:s12+$0x80] =	vst v14;
	v13 =	vmax.f32 v13, $0.0e+00;
	v6 =	vadd.f32 v6, v8;
	v63 =	vld [tilespmem:s12+$0x100]  }
0x15d: {  	[tilespmem:s12+$0x90] =	vst v13;
	v12 =	vmax.f32 v12, $0.0e+00;
	v5 =	vadd.f32 v5, v7  }
0x15e: {  	[tilespmem:s12+$0xA0] =	vst v12;
	v6 =	vmax.f32 v6, $0.0e+00;
	v4 =	vadd.f32 v4, v9  }
0x15f: {  	[tilespmem:s12+$0xB0] =	vst v6;
	v5 =	vmax.f32 v5, $0.0e+00;
	v3 =	vadd.f32 v3, v10  }
0x160: {  	[tilespmem:s12+$0xC0] =	vst v5;
	v4 =	vmax.f32 v4, $0.0e+00;
	v2 =	vadd.f32 v2, v11  }
0x161: {  	[tilespmem:s12+$0xD0] =	vst v4;
	v3 =	vmax.f32 v3, $0.0e+00;
	v1 =	vadd.f32 v1, v63  }
0x162: {  	[tilespmem:s12+$0xE0] =	vst v3;
	v2 =	vmax.f32 v2, $0.0e+00  }
0x163: {  	[tilespmem:s12+$0xF0] =	vst v2;
	v1 =	vmax.f32 v1, $0.0e+00  }
0x164: {  	[tilespmem:s12+$0x100] =	vst v1  }
0x165: {  	[spmem:s2] =	stream.indirect.scatter.add.f32 [tilespmem:s24], [sflag:$0x3], $0x80, s26, s31, $0xb8;
	[tilespmem:$0x1E200] =	vst v63  }
0x166: {  	s14 =	stileid.u32;
	_ =	swait.ge [sflag:s9], $0x2800  }
0x167: {  	s13 =	sshrl.u32 s5, $0x3;
	s11 =	sadd.s32 $0x1, s11;
	[sflag:s9] =	ssyncset.done $0x0  }
0x168: {  	p0 =	sne.s32 s11, s23;
	s12 =	sshll.u32 s14, $0x6;
	[sflag:s9] =	ssyncadd.s32 $0xFFFFD800  }
.Ltmp4:
0x169: {  	s12 =	sor.u32 $0x1C07, s12;
	[bflag:$0x0] =	sbarrier.arrive $0xFFFF;
	(pc) =	sbr.rel @p0 .LBB2_1-.Ltmp4, $4  }
0x16a: {  	[hbm:s22], [sflag:s12] =	dma.local [spmem:s13], $0x2800  }
0x16b: {  	_ =	swait.ge [sflag:s25], $0x2800  }
0x16c: {  	[sflag:s25] =	ssyncset.done $0x0  }
0x16d: {  	[sflag:s25] =	ssyncadd.s32 $0xFFFFD800  }
0x16e: {  	_ =	sfence.sel $0x180000  }
0x16f: {  	[bflag:$0x0] =	sbarrier.arrive $0xFFFF  }
0x170: {  	_ =	strace $0x90000047  }
0x171: {  	s0 =	stileid.u32;
	[bflag:$0x2] =	sbarrier.arrive $0xFFFF  }
0x172: {  	p0 =	sne.s32 s0, $0x0;
	s0 =	rddreg [dreg:$0x2]  }
0x173: {  	s0 =	sadd.s32 @!p0 $0x100000, s0  }
0x174: {  	[sflag:s0] =	ssyncadd.tile.s32 @!p0 $0x1;
	_ =	shalt  }
.Lfunc_end2:
_tile_overlayer_lowered:
.L_overlay_start_2:
0x175: {  	(tag) =	ssettag $0x2  }
0x176: {  	s0 =	rddreg [dreg:$0x0];
	s2 =	stileid.u32  }
0x177: {  	s1 =	rddreg [dreg:$0x1];
	p0 =	sne.s32 s2, $0x0  }
0x178: {  	s3 =	rddreg [dreg:$0x2];
	[bflag:$0x3] =	sbarrier.arrive $0xFFFF;
	s2 =	simm.s32 @!p0 $0x1C07  }
0x179: {  	[timem:s3], [sflag:s2] =	dma.local @!p0 [hbm:s0], s1  }
0x17a: {  	s0 =	simm.s32 @!p0 $0x7  }
0x17b: {  	_ =	swait.ge @!p0 [sflag:s0], s1  }
0x17c: {  	s1 =	ssub.s32 @!p0 $0x0, s1;
	[sflag:s0] =	ssyncset.done @!p0 $0x0  }
0x17d: {  	[sflag:s0] =	ssyncadd.s32 @!p0 s1  }
0x17e: {  	[bflag:$0x3] =	sbarrier.arrive $0xFFFF  }
0x17f: {  	_ =	shalt  }

</sc_bundles>
